<compile_context>
chip_gen: v7x
topology: tpu7x:2x2x1
jax: 0.10.2.dev20260603
libtpu: 0.0.44.dev20260713+nightly
codegen_flags: <defaults>
</compile_context>

<pallas_src>
import functools

import jax
import jax.numpy as jnp
from jax import lax
from jax.experimental import pallas as pl
from jax.experimental.pallas import tpu as pltpu
from jax.experimental.pallas import tpu_sc as plsc

_N_SRC = 2048
_N_TGT = 768
_D = 1024
_TOP_N_SIM = 5
_RANK_K = 4
_TAU = 0.07
_TOP_RANKED = _N_TGT * 2 // 3
_NEG = -3.0
_BIG_I = 2 ** 30

_NC = 2
_NS = 16
_NW = _NC * _NS
_ROWS_PER_W = _N_TGT // _NW
_PAD_W = 32
_CHUNKS = _N_SRC // 16



def _sim_body(src_ref, lab_ref, tgt_ref, sim_ref, enc_ref):
    src = src_ref[...]
    tgt = tgt_ref[...]
    lab = lab_ref[...]
    sn = jnp.maximum(jnp.sqrt(jnp.sum(src * src, axis=1, keepdims=True)), 1e-12)
    tn = jnp.maximum(jnp.sqrt(jnp.sum(tgt * tgt, axis=1, keepdims=True)), 1e-12)
    srcn = src / sn
    tgtn = tgt / tn
    sim_ref[...] = lax.dot_general(
        tgtn, srcn, (((1,), (1,)), ((), ())),
        preferred_element_type=jnp.float32,
    )
    col1 = lax.broadcasted_iota(jnp.int32, (1, _N_SRC), 1)
    enc_ref[...] = col1 * 128 + lab



def _sc_assign_body(sim_hbm, enc_hbm, asg_hbm, row_v, enc_v, lab5_v, asg_v):
    c = lax.axis_index("c")
    s = lax.axis_index("s")
    wid = s * _NC + c
    base = wid * _ROWS_PER_W

    pltpu.sync_copy(enc_hbm.at[:], enc_v)

    def row_body(r, _):
        pltpu.sync_copy(sim_hbm.at[base + r], row_v)

        excl = []
        ls = []
        for _t in range(_TOP_N_SIM):
            exc = list(excl)

            def scan(j, carry, exc=exc):
                bv, be = carry
                v = row_v[pl.ds(j * 16, 16)]
                ev = enc_v[pl.ds(j * 16, 16)]
                cond = (v > bv) | ((v == bv) & (ev < be))
                for ex in exc:
                    cond = cond & (ev != ex)
                bv = jnp.where(cond, v, bv)
                be = jnp.where(cond, ev, be)
                return (bv, be)

            bv0 = jnp.full((16,), _NEG, jnp.float32)
            be0 = jnp.full((16,), _BIG_I, jnp.int32)
            bv, be = lax.fori_loop(0, _CHUNKS, scan, (bv0, be0))
            rv = bv[0]
            re = be[0]
            for i in range(1, 16):
                c = (bv[i] > rv) | ((bv[i] == rv) & (be[i] < re))
                rv = jnp.where(c, bv[i], rv)
                re = jnp.where(c, be[i], re)
            excl.append(re)
            ls.append(jnp.bitwise_and(re, 127))

        best_key = jnp.int32(-_BIG_I)
        asg = jnp.int32(0)
        for a in range(_TOP_N_SIM):
            cnt = jnp.int32(0)
            for b in range(_TOP_N_SIM):
                cnt = cnt + (ls[a] == ls[b]).astype(jnp.int32)
            key = cnt * 1048576 - ls[a]
            take = key > best_key
            asg = jnp.where(take, ls[a], asg)
            best_key = jnp.maximum(key, best_key)
        lane = lax.iota(jnp.int32, 16) == 0
        old = asg_v[pl.ds(r, 16)]
        asg_v[pl.ds(r, 16)] = jnp.where(lane, jnp.full((16,), asg, jnp.int32), old)
        return 0

    lax.fori_loop(0, _ROWS_PER_W, row_body, 0)
    pltpu.sync_copy(asg_v.at[pl.ds(0, _PAD_W)], asg_hbm.at[pl.ds(wid * _PAD_W, _PAD_W)])


def _sc_assign(sim, enc):
    mesh = plsc.VectorSubcoreMesh(core_axis_name="c", subcore_axis_name="s")
    fn = functools.partial(
        pl.kernel,
        mesh=mesh,
        out_type=jax.ShapeDtypeStruct((_NW * _PAD_W,), jnp.int32),
        scratch_types=[
            pltpu.VMEM((_N_SRC,), jnp.float32),
            pltpu.VMEM((_N_SRC,), jnp.int32),
            pltpu.VMEM((16,), jnp.int32),
            pltpu.VMEM((_PAD_W + 16,), jnp.int32),
        ],
    )(_sc_assign_body)
    padded = fn(sim, enc)
    return padded.reshape(_NW, _PAD_W)[:, :_ROWS_PER_W].reshape(_N_TGT)



def _finish_body(sim_ref, lab_ref, asg_ref, out_ref):
    sim = sim_ref[...]
    lab = lab_ref[...]
    assigned = asg_ref[...]

    like = lab == assigned

    def top_k_sum(mask):
        w = jnp.where(mask, sim, _NEG)
        s = jnp.zeros((_N_TGT, 1), jnp.float32)
        rem = jnp.full((_N_TGT, 1), float(_RANK_K), jnp.float32)
        for _ in range(_RANK_K):
            vmax = jnp.max(w, axis=1, keepdims=True)
            hit = w == vmax
            cduck = jnp.sum(hit.astype(jnp.float32), axis=1, keepdims=True)
            take = jnp.minimum(cduck, rem)
            s = s + jnp.where(vmax > -2.0, vmax * take, 0.0)
            rem = rem - take
            w = jnp.where(hit, _NEG, w)
        return s

    nln_sum = top_k_sum(like)
    nun_sum = top_k_sum(jnp.logical_not(like))
    scores = nln_sum / nun_sum

    m = jnp.max(sim, axis=1, keepdims=True)
    e = jnp.exp((sim - m) * (1.0 / _TAU))
    den = jnp.sum(e, axis=1, keepdims=True)
    num = jnp.sum(jnp.where(like, e, 0.0), axis=1, keepdims=True)
    lg = jnp.log(num / den + 1e-6)

    rI = lax.broadcasted_iota(jnp.int32, (_N_TGT, _N_TGT), 0)
    cI = lax.broadcasted_iota(jnp.int32, (_N_TGT, _N_TGT), 1)
    s_bc = jnp.broadcast_to(scores, (_N_TGT, _N_TGT))
    s_rv = jnp.sum(jnp.where(rI == cI, s_bc, 0.0), axis=0, keepdims=True)
    beats = (s_rv > scores) | ((s_rv == scores) & (cI < rI))
    rank = jnp.sum(beats.astype(jnp.int32), axis=1, keepdims=True)
    selected = rank < _TOP_RANKED

    total = jnp.sum(jnp.where(selected, lg, 0.0), axis=0, keepdims=True)
    out_ref[...] = -total / _TOP_RANKED


def kernel(source_features, source_labels, target_features):
    lab2d = source_labels.reshape(1, _N_SRC).astype(jnp.int32)
    sim, enc2d = pl.pallas_call(
        _sim_body,
        out_shape=(
            jax.ShapeDtypeStruct((_N_TGT, _N_SRC), jnp.float32),
            jax.ShapeDtypeStruct((1, _N_SRC), jnp.int32),
        ),
    )(source_features, lab2d, target_features)
    assigned = _sc_assign(sim, enc2d.reshape(_N_SRC))
    out = pl.pallas_call(
        _finish_body,
        out_shape=jax.ShapeDtypeStruct((1, 1), jnp.float32),
    )(sim, lab2d, assigned.reshape(_N_TGT, 1))
    return out[0, 0]

# --- scband reference (transcript-rebuilt; emitter-appended) ---
"""Pipeline reference for scband-mscloss-72679436583430 (READ-ONLY COPY).

The authoritative reference and input builder live on the scoring server;
editing this copy changes nothing except your own understanding.
"""

import jax, jax.numpy as jnp
import numpy as np

N_SRC = 2048
N_TGT = 768
D = 1024
NCLS = 100
TOP_N_SIM = 5
RANK_K = 4
TAU = 0.07


def setup_inputs(seed: int = 0) -> dict:
    key = jax.random.key(seed)
    k1, k2, k3 = jax.random.split(key, 3)
    return {
        "source_features": jax.random.normal(k1, (N_SRC, D), dtype=jnp.float32),
        "source_labels": jax.random.randint(k2, (N_SRC,), 0, NCLS, dtype=jnp.int32),
        "target_features": jax.random.normal(k3, (N_TGT, D), dtype=jnp.float32),
    }


def _mode_along0(vals):
    # vals: [k, T] int. torch.mode semantics: most frequent value; ties -> smallest value.
    counts = (vals[:, None, :] == vals[None, :, :]).sum(axis=1)  # [k, T]
    key = counts.astype(jnp.int64) * 1000000 - vals.astype(jnp.int64)
    idx = jnp.argmax(key, axis=0)  # [T]
    return jnp.take_along_axis(vals, idx[None, :], axis=0)[0]


def _forward(source_features, source_labels, target_features):
    # cosine similarity matrix (F.normalize with eps=1e-12)
    sn = jnp.maximum(jnp.linalg.norm(source_features, axis=1, keepdims=True), 1e-12)
    tn = jnp.maximum(jnp.linalg.norm(target_features, axis=1, keepdims=True), 1e-12)
    src = source_features / sn
    tgt = target_features / tn
    sim = src @ tgt.T  # [N_SRC, N_TGT]

    # KNN label assignment: sort each column descending over source dim
    sorted_idx = jnp.argsort(-sim, axis=0)  # [N_SRC, N_TGT]
    k_neighbors = source_labels[sorted_idx[:TOP_N_SIM]]  # [TOP_N_SIM, N_TGT]
    assigned = _mode_along0(k_neighbors)  # [N_TGT]

    flat_src_labels = source_labels

    def per_target(sim_col, idx_col, lab):
        sorted_sims = sim_col[idx_col]  # sims in descending order
        nln = flat_src_labels[idx_col] == lab  # nearest-like-neighbor mask (sorted)
        c1 = jnp.cumsum(nln.astype(jnp.int32))
        nln_sum = jnp.sum(jnp.where(nln & (c1 <= RANK_K), sorted_sims, 0.0))
        nun = ~nln
        c2 = jnp.cumsum(nun.astype(jnp.int32))
        nun_sum = jnp.sum(jnp.where(nun & (c2 <= RANK_K), sorted_sims, 0.0))
        return 1.0 * nln_sum / nun_sum

    scores = jax.vmap(per_target, in_axes=(1, 1, 0))(sim, sorted_idx, assigned)
    scores = jax.lax.stop_gradient(scores)  # .detach() in torch

    top_ranked_n = N_TGT * 2 // 3
    _, top_ind = jax.lax.top_k(scores, top_ranked_n)

    conf_sim = sim[:, top_ind]  # [N_SRC, top_ranked_n]
    conf_lab = assigned[top_ind]  # [top_ranked_n]

    mask_sim = (source_labels[:, None] == conf_lab[None, :]).astype(jnp.float32)
    exp_scores = jax.nn.softmax(conf_sim / TAU, axis=0)
    contrastive = (exp_scores * mask_sim).sum(axis=0) / exp_scores.sum(axis=0)
    loss = -1.0 * jnp.mean(jnp.log(contrastive + 1e-6))
    return loss


def reference(source_features, source_labels, target_features):
    return _forward(source_features, source_labels, target_features)

if __name__ == "__main__":
    import jax
    _d = setup_inputs()
    print(jax.jit(kernel)(*tuple(_d.values())))

</pallas_src>

<mosaic_0001>
#map = affine_map<(d0, d1) -> (0, 0)>
#map1 = affine_map<(d0, d1) -> (0)>
module attributes {stable_mosaic.version = 14 : i64} {
  func.func @_sc_assign_body(%arg0: i32, %arg1: i32, %arg2: memref<768x2048xf32, #tpu.memory_space<hbm>>, %arg3: memref<2048xi32, #tpu.memory_space<hbm>>, %arg4: memref<1024xi32, #tpu.memory_space<hbm>>, %arg5: memref<2048xf32, #tpu.memory_space<vmem>>, %arg6: memref<2048xi32, #tpu.memory_space<vmem>>, %arg7: memref<16xi32, #tpu.memory_space<vmem>>, %arg8: memref<48xi32, #tpu.memory_space<vmem>>) attributes {dimension_semantics = [#tpu.dimension_semantics<core_parallel>, #tpu.dimension_semantics<subcore_parallel>], iteration_bounds = array<i64: 2, 16>, scalar_prefetch = 0 : i64, scratch_operands = 4 : i64, tpu.core_type = #tpu.core_type<sc_vector_subcore>, window_params = [{transform_indices = #map}, {transform_indices = #map1}, {transform_indices = #map1}]} {
    %mul3A = arith.constant 2 : i32
    %mul3A_0 = arith.muli %arg1, %mul3A : i32
    %add3A = arith.addi %mul3A_0, %arg0 : i32
    %mul3A_1 = arith.constant 24 : i32
    %mul3A_2 = arith.muli %add3A, %mul3A_1 : i32
    "tpu.region"() ({
      %run_scoped3A = tpu.sem_alloc : memref<!tpu.dma_semaphore, #tpu.memory_space<semaphore_mem>>
      %dma_start3A = arith.constant 0 : i32
      %dma_start3A_11 = tpu.memref_slice %arg3[%dma_start3A] : memref<2048xi32, #tpu.memory_space<hbm>> -> memref<2048xi32, #tpu.memory_space<hbm>>
      %dma_start3A_12 = arith.constant 0 : i32
      %dma_start3A_13 = tpu.memref_slice %arg3[%dma_start3A_12] : memref<2048xi32, #tpu.memory_space<hbm>> -> memref<2048xi32, #tpu.memory_space<hbm>>
      tpu.enqueue_dma source(%dma_start3A_13 : memref<2048xi32, #tpu.memory_space<hbm>>) target(%arg6 : memref<2048xi32, #tpu.memory_space<vmem>>) target_semaphore(%run_scoped3A : memref<!tpu.dma_semaphore, #tpu.memory_space<semaphore_mem>>)
      %dma_wait3A = arith.constant 0 : i32
      %dma_wait3A_14 = tpu.memref_slice %arg3[%dma_wait3A] : memref<2048xi32, #tpu.memory_space<hbm>> -> memref<2048xi32, #tpu.memory_space<hbm>>
      %dma_wait3A_15 = arith.constant 0 : i32
      %dma_wait3A_16 = tpu.memref_slice %arg3[%dma_wait3A_15] : memref<2048xi32, #tpu.memory_space<hbm>> -> memref<2048xi32, #tpu.memory_space<hbm>>
      tpu.wait_dma2 semaphore(%run_scoped3A : memref<!tpu.dma_semaphore, #tpu.memory_space<semaphore_mem>>) src(%dma_wait3A_16 : memref<2048xi32, #tpu.memory_space<hbm>>) dst(%arg6 : memref<2048xi32, #tpu.memory_space<vmem>>)
      tpu.yield
    }) : () -> ()
    %scan3A = arith.constant 0 : i32
    %scan3A_3 = arith.constant 0 : i32
    %scan3A_4 = arith.constant 24 : i32
    %scan3A_5 = arith.addi %scan3A_3, %scan3A_4 : i32
    %scan3A_6 = arith.constant 1 : i32
    %scan3A_7 = scf.for %scan3A_11 = %scan3A_3 to %scan3A_5 step %scan3A_6 iter_args(%scan3A_12 = %scan3A) -> (i32)  : i32 {
      %add3A_13 = arith.addi %mul3A_2, %scan3A_11 : i32
      "tpu.region"() ({
        %run_scoped3A = tpu.sem_alloc : memref<!tpu.dma_semaphore, #tpu.memory_space<semaphore_mem>>
        %dma_start3A = arith.constant 0 : i32
        %dma_start3A_1480 = tpu.memref_slice %arg2[%add3A_13, %dma_start3A] : memref<768x2048xf32, #tpu.memory_space<hbm>> -> memref<1x2048xf32, #tpu.memory_space<hbm>>
        %dma_start3A_1481 = tpu.memref_squeeze %dma_start3A_1480 : memref<1x2048xf32, #tpu.memory_space<hbm>> -> memref<2048xf32, #tpu.memory_space<hbm>>
        %dma_start3A_1482 = arith.constant 0 : i32
        %dma_start3A_1483 = tpu.memref_slice %arg2[%add3A_13, %dma_start3A_1482] : memref<768x2048xf32, #tpu.memory_space<hbm>> -> memref<1x2048xf32, #tpu.memory_space<hbm>>
        %dma_start3A_1484 = tpu.memref_squeeze %dma_start3A_1483 : memref<1x2048xf32, #tpu.memory_space<hbm>> -> memref<2048xf32, #tpu.memory_space<hbm>>
        tpu.enqueue_dma source(%dma_start3A_1484 : memref<2048xf32, #tpu.memory_space<hbm>>) target(%arg5 : memref<2048xf32, #tpu.memory_space<vmem>>) target_semaphore(%run_scoped3A : memref<!tpu.dma_semaphore, #tpu.memory_space<semaphore_mem>>)
        %dma_wait3A = arith.constant 0 : i32
        %dma_wait3A_1485 = tpu.memref_slice %arg2[%add3A_13, %dma_wait3A] : memref<768x2048xf32, #tpu.memory_space<hbm>> -> memref<1x2048xf32, #tpu.memory_space<hbm>>
        %dma_wait3A_1486 = tpu.memref_squeeze %dma_wait3A_1485 : memref<1x2048xf32, #tpu.memory_space<hbm>> -> memref<2048xf32, #tpu.memory_space<hbm>>
        %dma_wait3A_1487 = arith.constant 0 : i32
        %dma_wait3A_1488 = tpu.memref_slice %arg2[%add3A_13, %dma_wait3A_1487] : memref<768x2048xf32, #tpu.memory_space<hbm>> -> memref<1x2048xf32, #tpu.memory_space<hbm>>
        %dma_wait3A_1489 = tpu.memref_squeeze %dma_wait3A_1488 : memref<1x2048xf32, #tpu.memory_space<hbm>> -> memref<2048xf32, #tpu.memory_space<hbm>>
        tpu.wait_dma2 semaphore(%run_scoped3A : memref<!tpu.dma_semaphore, #tpu.memory_space<semaphore_mem>>) src(%dma_wait3A_1489 : memref<2048xf32, #tpu.memory_space<hbm>>) dst(%arg5 : memref<2048xf32, #tpu.memory_space<vmem>>)
        tpu.yield
      }) : () -> ()
      %broadcast_in_dim3A = arith.constant -3.000000e+00 : f32
      %broadcast_in_dim3A_14 = vector.broadcast %broadcast_in_dim3A : f32 to vector<16xf32>
      %broadcast_in_dim3A_15 = arith.constant 1073741824 : i32
      %broadcast_in_dim3A_16 = vector.broadcast %broadcast_in_dim3A_15 : i32 to vector<16xi32>
      %scan3A_17 = arith.constant 0 : i32
      %scan3A_18 = arith.constant 128 : i32
      %scan3A_19 = arith.addi %scan3A_17, %scan3A_18 : i32
      %scan3A_20 = arith.constant 1 : i32
      %scan3A_21:2 = scf.for %scan3A_1480 = %scan3A_17 to %scan3A_19 step %scan3A_20 iter_args(%scan3A_1481 = %broadcast_in_dim3A_14, %scan3A_1482 = %broadcast_in_dim3A_16) -> (vector<16xf32>, vector<16xi32>)  : i32 {
        %mul3A_1483 = arith.constant 16 : i32
        %mul3A_1484 = arith.muli %scan3A_1480, %mul3A_1483 : i32
        %get3A_1485 = arith.index_cast %mul3A_1484 : i32 to index
        %get3A_1486 = tpu.vector_load %arg5[%get3A_1485] {strides = array<i32>} : memref<2048xf32, #tpu.memory_space<vmem>>, vector<16xf32>,
        %get3A_1487 = vector.shape_cast %get3A_1486 : vector<16xf32> to vector<16xf32>
        %mul3A_1488 = arith.constant 16 : i32
        %mul3A_1489 = arith.muli %scan3A_1480, %mul3A_1488 : i32
        %get3A_1490 = arith.index_cast %mul3A_1489 : i32 to index
        %get3A_1491 = tpu.vector_load %arg6[%get3A_1490] {strides = array<i32>} : memref<2048xi32, #tpu.memory_space<vmem>>, vector<16xi32>,
        %get3A_1492 = vector.shape_cast %get3A_1491 : vector<16xi32> to vector<16xi32>
        %gt3A_1493 = arith.cmpf ogt, %get3A_1487, %scan3A_1481 : vector<16xf32>
        %eq3A_1494 = arith.cmpf oeq, %get3A_1487, %scan3A_1481 : vector<16xf32>
        %lt3A_1495 = arith.cmpi slt, %get3A_1492, %scan3A_1482 : vector<16xi32>
        %and3A_1496 = arith.andi %eq3A_1494, %lt3A_1495 : vector<16xi1>
        %or3A_1497 = arith.ori %gt3A_1493, %and3A_1496 : vector<16xi1>
        %select_n3A_1498 = arith.select %or3A_1497, %get3A_1487, %scan3A_1481 : vector<16xi1>, vector<16xf32>
        %select_n3A_1499 = arith.select %or3A_1497, %get3A_1492, %scan3A_1482 : vector<16xi1>, vector<16xi32>
        scf.yield %select_n3A_1498, %select_n3A_1499 : vector<16xf32>, vector<16xi32>
      }
      %scan3A_22 = arith.constant 128 : i32
      %slice3A = vector.extract_strided_slice %scan3A_21#0 {offsets = [0], sizes = [1], strides = [1]} : vector<16xf32> to vector<1xf32>
      %squeeze3A = vector.extract %slice3A[0] : f32 from vector<1xf32>
      %slice3A_23 = vector.extract_strided_slice %scan3A_21#1 {offsets = [0], sizes = [1], strides = [1]} : vector<16xi32> to vector<1xi32>
      %squeeze3A_24 = vector.extract %slice3A_23[0] : i32 from vector<1xi32>
      %slice3A_25 = vector.extract_strided_slice %scan3A_21#0 {offsets = [1], sizes = [1], strides = [1]} : vector<16xf32> to vector<1xf32>
      %squeeze3A_26 = vector.extract %slice3A_25[0] : f32 from vector<1xf32>
      %gt3A = arith.cmpf ogt, %squeeze3A_26, %squeeze3A : f32
      %slice3A_27 = vector.extract_strided_slice %scan3A_21#0 {offsets = [1], sizes = [1], strides = [1]} : vector<16xf32> to vector<1xf32>
      %squeeze3A_28 = vector.extract %slice3A_27[0] : f32 from vector<1xf32>
      %eq3A = arith.cmpf oeq, %squeeze3A_28, %squeeze3A : f32
      %slice3A_29 = vector.extract_strided_slice %scan3A_21#1 {offsets = [1], sizes = [1], strides = [1]} : vector<16xi32> to vector<1xi32>
      %squeeze3A_30 = vector.extract %slice3A_29[0] : i32 from vector<1xi32>
      %lt3A = arith.cmpi slt, %squeeze3A_30, %squeeze3A_24 : i32
      %and3A = arith.andi %eq3A, %lt3A : i1
      %or3A = arith.ori %gt3A, %and3A : i1
      %slice3A_31 = vector.extract_strided_slice %scan3A_21#0 {offsets = [1], sizes = [1], strides = [1]} : vector<16xf32> to vector<1xf32>
      %squeeze3A_32 = vector.extract %slice3A_31[0] : f32 from vector<1xf32>
      %select_n3A = arith.select %or3A, %squeeze3A_32, %squeeze3A : f32
      %slice3A_33 = vector.extract_strided_slice %scan3A_21#1 {offsets = [1], sizes = [1], strides = [1]} : vector<16xi32> to vector<1xi32>
      %squeeze3A_34 = vector.extract %slice3A_33[0] : i32 from vector<1xi32>
      %select_n3A_35 = arith.select %or3A, %squeeze3A_34, %squeeze3A_24 : i32
      %slice3A_36 = vector.extract_strided_slice %scan3A_21#0 {offsets = [2], sizes = [1], strides = [1]} : vector<16xf32> to vector<1xf32>
      %squeeze3A_37 = vector.extract %slice3A_36[0] : f32 from vector<1xf32>
      %gt3A_38 = arith.cmpf ogt, %squeeze3A_37, %select_n3A : f32
      %slice3A_39 = vector.extract_strided_slice %scan3A_21#0 {offsets = [2], sizes = [1], strides = [1]} : vector<16xf32> to vector<1xf32>
      %squeeze3A_40 = vector.extract %slice3A_39[0] : f32 from vector<1xf32>
      %eq3A_41 = arith.cmpf oeq, %squeeze3A_40, %select_n3A : f32
      %slice3A_42 = vector.extract_strided_slice %scan3A_21#1 {offsets = [2], sizes = [1], strides = [1]} : vector<16xi32> to vector<1xi32>
      %squeeze3A_43 = vector.extract %slice3A_42[0] : i32 from vector<1xi32>
      %lt3A_44 = arith.cmpi slt, %squeeze3A_43, %select_n3A_35 : i32
      %and3A_45 = arith.andi %eq3A_41, %lt3A_44 : i1
      %or3A_46 = arith.ori %gt3A_38, %and3A_45 : i1
      %slice3A_47 = vector.extract_strided_slice %scan3A_21#0 {offsets = [2], sizes = [1], strides = [1]} : vector<16xf32> to vector<1xf32>
      %squeeze3A_48 = vector.extract %slice3A_47[0] : f32 from vector<1xf32>
      %select_n3A_49 = arith.select %or3A_46, %squeeze3A_48, %select_n3A : f32
      %slice3A_50 = vector.extract_strided_slice %scan3A_21#1 {offsets = [2], sizes = [1], strides = [1]} : vector<16xi32> to vector<1xi32>
      %squeeze3A_51 = vector.extract %slice3A_50[0] : i32 from vector<1xi32>
      %select_n3A_52 = arith.select %or3A_46, %squeeze3A_51, %select_n3A_35 : i32
      %slice3A_53 = vector.extract_strided_slice %scan3A_21#0 {offsets = [3], sizes = [1], strides = [1]} : vector<16xf32> to vector<1xf32>
      %squeeze3A_54 = vector.extract %slice3A_53[0] : f32 from vector<1xf32>
      %gt3A_55 = arith.cmpf ogt, %squeeze3A_54, %select_n3A_49 : f32
      %slice3A_56 = vector.extract_strided_slice %scan3A_21#0 {offsets = [3], sizes = [1], strides = [1]} : vector<16xf32> to vector<1xf32>
      %squeeze3A_57 = vector.extract %slice3A_56[0] : f32 from vector<1xf32>
      %eq3A_58 = arith.cmpf oeq, %squeeze3A_57, %select_n3A_49 : f32
      %slice3A_59 = vector.extract_strided_slice %scan3A_21#1 {offsets = [3], sizes = [1], strides = [1]} : vector<16xi32> to vector<1xi32>
      %squeeze3A_60 = vector.extract %slice3A_59[0] : i32 from vector<1xi32>
      %lt3A_61 = arith.cmpi slt, %squeeze3A_60, %select_n3A_52 : i32
      %and3A_62 = arith.andi %eq3A_58, %lt3A_61 : i1
      %or3A_63 = arith.ori %gt3A_55, %and3A_62 : i1
      %slice3A_64 = vector.extract_strided_slice %scan3A_21#0 {offsets = [3], sizes = [1], strides = [1]} : vector<16xf32> to vector<1xf32>
      %squeeze3A_65 = vector.extract %slice3A_64[0] : f32 from vector<1xf32>
      %select_n3A_66 = arith.select %or3A_63, %squeeze3A_65, %select_n3A_49 : f32
      %slice3A_67 = vector.extract_strided_slice %scan3A_21#1 {offsets = [3], sizes = [1], strides = [1]} : vector<16xi32> to vector<1xi32>
      %squeeze3A_68 = vector.extract %slice3A_67[0] : i32 from vector<1xi32>
      %select_n3A_69 = arith.select %or3A_63, %squeeze3A_68, %select_n3A_52 : i32
      %slice3A_70 = vector.extract_strided_slice %scan3A_21#0 {offsets = [4], sizes = [1], strides = [1]} : vector<16xf32> to vector<1xf32>
      %squeeze3A_71 = vector.extract %slice3A_70[0] : f32 from vector<1xf32>
      %gt3A_72 = arith.cmpf ogt, %squeeze3A_71, %select_n3A_66 : f32
      %slice3A_73 = vector.extract_strided_slice %scan3A_21#0 {offsets = [4], sizes = [1], strides = [1]} : vector<16xf32> to vector<1xf32>
      %squeeze3A_74 = vector.extract %slice3A_73[0] : f32 from vector<1xf32>
      %eq3A_75 = arith.cmpf oeq, %squeeze3A_74, %select_n3A_66 : f32
      %slice3A_76 = vector.extract_strided_slice %scan3A_21#1 {offsets = [4], sizes = [1], strides = [1]} : vector<16xi32> to vector<1xi32>
      %squeeze3A_77 = vector.extract %slice3A_76[0] : i32 from vector<1xi32>
      %lt3A_78 = arith.cmpi slt, %squeeze3A_77, %select_n3A_69 : i32
      %and3A_79 = arith.andi %eq3A_75, %lt3A_78 : i1
      %or3A_80 = arith.ori %gt3A_72, %and3A_79 : i1
      %slice3A_81 = vector.extract_strided_slice %scan3A_21#0 {offsets = [4], sizes = [1], strides = [1]} : vector<16xf32> to vector<1xf32>
      %squeeze3A_82 = vector.extract %slice3A_81[0] : f32 from vector<1xf32>
      %select_n3A_83 = arith.select %or3A_80, %squeeze3A_82, %select_n3A_66 : f32
      %slice3A_84 = vector.extract_strided_slice %scan3A_21#1 {offsets = [4], sizes = [1], strides = [1]} : vector<16xi32> to vector<1xi32>
      %squeeze3A_85 = vector.extract %slice3A_84[0] : i32 from vector<1xi32>
      %select_n3A_86 = arith.select %or3A_80, %squeeze3A_85, %select_n3A_69 : i32
      %slice3A_87 = vector.extract_strided_slice %scan3A_21#0 {offsets = [5], sizes = [1], strides = [1]} : vector<16xf32> to vector<1xf32>
      %squeeze3A_88 = vector.extract %slice3A_87[0] : f32 from vector<1xf32>
      %gt3A_89 = arith.cmpf ogt, %squeeze3A_88, %select_n3A_83 : f32
      %slice3A_90 = vector.extract_strided_slice %scan3A_21#0 {offsets = [5], sizes = [1], strides = [1]} : vector<16xf32> to vector<1xf32>
      %squeeze3A_91 = vector.extract %slice3A_90[0] : f32 from vector<1xf32>
      %eq3A_92 = arith.cmpf oeq, %squeeze3A_91, %select_n3A_83 : f32
      %slice3A_93 = vector.extract_strided_slice %scan3A_21#1 {offsets = [5], sizes = [1], strides = [1]} : vector<16xi32> to vector<1xi32>
      %squeeze3A_94 = vector.extract %slice3A_93[0] : i32 from vector<1xi32>
      %lt3A_95 = arith.cmpi slt, %squeeze3A_94, %select_n3A_86 : i32
      %and3A_96 = arith.andi %eq3A_92, %lt3A_95 : i1
      %or3A_97 = arith.ori %gt3A_89, %and3A_96 : i1
      %slice3A_98 = vector.extract_strided_slice %scan3A_21#0 {offsets = [5], sizes = [1], strides = [1]} : vector<16xf32> to vector<1xf32>
      %squeeze3A_99 = vector.extract %slice3A_98[0] : f32 from vector<1xf32>
      %select_n3A_100 = arith.select %or3A_97, %squeeze3A_99, %select_n3A_83 : f32
      %slice3A_101 = vector.extract_strided_slice %scan3A_21#1 {offsets = [5], sizes = [1], strides = [1]} : vector<16xi32> to vector<1xi32>
      %squeeze3A_102 = vector.extract %slice3A_101[0] : i32 from vector<1xi32>
      %select_n3A_103 = arith.select %or3A_97, %squeeze3A_102, %select_n3A_86 : i32
      %slice3A_104 = vector.extract_strided_slice %scan3A_21#0 {offsets = [6], sizes = [1], strides = [1]} : vector<16xf32> to vector<1xf32>
      %squeeze3A_105 = vector.extract %slice3A_104[0] : f32 from vector<1xf32>
      %gt3A_106 = arith.cmpf ogt, %squeeze3A_105, %select_n3A_100 : f32
      %slice3A_107 = vector.extract_strided_slice %scan3A_21#0 {offsets = [6], sizes = [1], strides = [1]} : vector<16xf32> to vector<1xf32>
      %squeeze3A_108 = vector.extract %slice3A_107[0] : f32 from vector<1xf32>
      %eq3A_109 = arith.cmpf oeq, %squeeze3A_108, %select_n3A_100 : f32
      %slice3A_110 = vector.extract_strided_slice %scan3A_21#1 {offsets = [6], sizes = [1], strides = [1]} : vector<16xi32> to vector<1xi32>
      %squeeze3A_111 = vector.extract %slice3A_110[0] : i32 from vector<1xi32>
      %lt3A_112 = arith.cmpi slt, %squeeze3A_111, %select_n3A_103 : i32
      %and3A_113 = arith.andi %eq3A_109, %lt3A_112 : i1
      %or3A_114 = arith.ori %gt3A_106, %and3A_113 : i1
      %slice3A_115 = vector.extract_strided_slice %scan3A_21#0 {offsets = [6], sizes = [1], strides = [1]} : vector<16xf32> to vector<1xf32>
      %squeeze3A_116 = vector.extract %slice3A_115[0] : f32 from vector<1xf32>
      %select_n3A_117 = arith.select %or3A_114, %squeeze3A_116, %select_n3A_100 : f32
      %slice3A_118 = vector.extract_strided_slice %scan3A_21#1 {offsets = [6], sizes = [1], strides = [1]} : vector<16xi32> to vector<1xi32>
      %squeeze3A_119 = vector.extract %slice3A_118[0] : i32 from vector<1xi32>
      %select_n3A_120 = arith.select %or3A_114, %squeeze3A_119, %select_n3A_103 : i32
      %slice3A_121 = vector.extract_strided_slice %scan3A_21#0 {offsets = [7], sizes = [1], strides = [1]} : vector<16xf32> to vector<1xf32>
      %squeeze3A_122 = vector.extract %slice3A_121[0] : f32 from vector<1xf32>
      %gt3A_123 = arith.cmpf ogt, %squeeze3A_122, %select_n3A_117 : f32
      %slice3A_124 = vector.extract_strided_slice %scan3A_21#0 {offsets = [7], sizes = [1], strides = [1]} : vector<16xf32> to vector<1xf32>
      %squeeze3A_125 = vector.extract %slice3A_124[0] : f32 from vector<1xf32>
      %eq3A_126 = arith.cmpf oeq, %squeeze3A_125, %select_n3A_117 : f32
      %slice3A_127 = vector.extract_strided_slice %scan3A_21#1 {offsets = [7], sizes = [1], strides = [1]} : vector<16xi32> to vector<1xi32>
      %squeeze3A_128 = vector.extract %slice3A_127[0] : i32 from vector<1xi32>
      %lt3A_129 = arith.cmpi slt, %squeeze3A_128, %select_n3A_120 : i32
      %and3A_130 = arith.andi %eq3A_126, %lt3A_129 : i1
      %or3A_131 = arith.ori %gt3A_123, %and3A_130 : i1
      %slice3A_132 = vector.extract_strided_slice %scan3A_21#0 {offsets = [7], sizes = [1], strides = [1]} : vector<16xf32> to vector<1xf32>
      %squeeze3A_133 = vector.extract %slice3A_132[0] : f32 from vector<1xf32>
      %select_n3A_134 = arith.select %or3A_131, %squeeze3A_133, %select_n3A_117 : f32
      %slice3A_135 = vector.extract_strided_slice %scan3A_21#1 {offsets = [7], sizes = [1], strides = [1]} : vector<16xi32> to vector<1xi32>
      %squeeze3A_136 = vector.extract %slice3A_135[0] : i32 from vector<1xi32>
      %select_n3A_137 = arith.select %or3A_131, %squeeze3A_136, %select_n3A_120 : i32
      %slice3A_138 = vector.extract_strided_slice %scan3A_21#0 {offsets = [8], sizes = [1], strides = [1]} : vector<16xf32> to vector<1xf32>
      %squeeze3A_139 = vector.extract %slice3A_138[0] : f32 from vector<1xf32>
      %gt3A_140 = arith.cmpf ogt, %squeeze3A_139, %select_n3A_134 : f32
      %slice3A_141 = vector.extract_strided_slice %scan3A_21#0 {offsets = [8], sizes = [1], strides = [1]} : vector<16xf32> to vector<1xf32>
      %squeeze3A_142 = vector.extract %slice3A_141[0] : f32 from vector<1xf32>
      %eq3A_143 = arith.cmpf oeq, %squeeze3A_142, %select_n3A_134 : f32
      %slice3A_144 = vector.extract_strided_slice %scan3A_21#1 {offsets = [8], sizes = [1], strides = [1]} : vector<16xi32> to vector<1xi32>
      %squeeze3A_145 = vector.extract %slice3A_144[0] : i32 from vector<1xi32>
      %lt3A_146 = arith.cmpi slt, %squeeze3A_145, %select_n3A_137 : i32
      %and3A_147 = arith.andi %eq3A_143, %lt3A_146 : i1
      %or3A_148 = arith.ori %gt3A_140, %and3A_147 : i1
      %slice3A_149 = vector.extract_strided_slice %scan3A_21#0 {offsets = [8], sizes = [1], strides = [1]} : vector<16xf32> to vector<1xf32>
      %squeeze3A_150 = vector.extract %slice3A_149[0] : f32 from vector<1xf32>
      %select_n3A_151 = arith.select %or3A_148, %squeeze3A_150, %select_n3A_134 : f32
      %slice3A_152 = vector.extract_strided_slice %scan3A_21#1 {offsets = [8], sizes = [1], strides = [1]} : vector<16xi32> to vector<1xi32>
      %squeeze3A_153 = vector.extract %slice3A_152[0] : i32 from vector<1xi32>
      %select_n3A_154 = arith.select %or3A_148, %squeeze3A_153, %select_n3A_137 : i32
      %slice3A_155 = vector.extract_strided_slice %scan3A_21#0 {offsets = [9], sizes = [1], strides = [1]} : vector<16xf32> to vector<1xf32>
      %squeeze3A_156 = vector.extract %slice3A_155[0] : f32 from vector<1xf32>
      %gt3A_157 = arith.cmpf ogt, %squeeze3A_156, %select_n3A_151 : f32
      %slice3A_158 = vector.extract_strided_slice %scan3A_21#0 {offsets = [9], sizes = [1], strides = [1]} : vector<16xf32> to vector<1xf32>
      %squeeze3A_159 = vector.extract %slice3A_158[0] : f32 from vector<1xf32>
      %eq3A_160 = arith.cmpf oeq, %squeeze3A_159, %select_n3A_151 : f32
      %slice3A_161 = vector.extract_strided_slice %scan3A_21#1 {offsets = [9], sizes = [1], strides = [1]} : vector<16xi32> to vector<1xi32>
      %squeeze3A_162 = vector.extract %slice3A_161[0] : i32 from vector<1xi32>
      %lt3A_163 = arith.cmpi slt, %squeeze3A_162, %select_n3A_154 : i32
      %and3A_164 = arith.andi %eq3A_160, %lt3A_163 : i1
      %or3A_165 = arith.ori %gt3A_157, %and3A_164 : i1
      %slice3A_166 = vector.extract_strided_slice %scan3A_21#0 {offsets = [9], sizes = [1], strides = [1]} : vector<16xf32> to vector<1xf32>
      %squeeze3A_167 = vector.extract %slice3A_166[0] : f32 from vector<1xf32>
      %select_n3A_168 = arith.select %or3A_165, %squeeze3A_167, %select_n3A_151 : f32
      %slice3A_169 = vector.extract_strided_slice %scan3A_21#1 {offsets = [9], sizes = [1], strides = [1]} : vector<16xi32> to vector<1xi32>
      %squeeze3A_170 = vector.extract %slice3A_169[0] : i32 from vector<1xi32>
      %select_n3A_171 = arith.select %or3A_165, %squeeze3A_170, %select_n3A_154 : i32
      %slice3A_172 = vector.extract_strided_slice %scan3A_21#0 {offsets = [10], sizes = [1], strides = [1]} : vector<16xf32> to vector<1xf32>
      %squeeze3A_173 = vector.extract %slice3A_172[0] : f32 from vector<1xf32>
      %gt3A_174 = arith.cmpf ogt, %squeeze3A_173, %select_n3A_168 : f32
      %slice3A_175 = vector.extract_strided_slice %scan3A_21#0 {offsets = [10], sizes = [1], strides = [1]} : vector<16xf32> to vector<1xf32>
      %squeeze3A_176 = vector.extract %slice3A_175[0] : f32 from vector<1xf32>
      %eq3A_177 = arith.cmpf oeq, %squeeze3A_176, %select_n3A_168 : f32
      %slice3A_178 = vector.extract_strided_slice %scan3A_21#1 {offsets = [10], sizes = [1], strides = [1]} : vector<16xi32> to vector<1xi32>
      %squeeze3A_179 = vector.extract %slice3A_178[0] : i32 from vector<1xi32>
      %lt3A_180 = arith.cmpi slt, %squeeze3A_179, %select_n3A_171 : i32
      %and3A_181 = arith.andi %eq3A_177, %lt3A_180 : i1
      %or3A_182 = arith.ori %gt3A_174, %and3A_181 : i1
      %slice3A_183 = vector.extract_strided_slice %scan3A_21#0 {offsets = [10], sizes = [1], strides = [1]} : vector<16xf32> to vector<1xf32>
      %squeeze3A_184 = vector.extract %slice3A_183[0] : f32 from vector<1xf32>
      %select_n3A_185 = arith.select %or3A_182, %squeeze3A_184, %select_n3A_168 : f32
      %slice3A_186 = vector.extract_strided_slice %scan3A_21#1 {offsets = [10], sizes = [1], strides = [1]} : vector<16xi32> to vector<1xi32>
      %squeeze3A_187 = vector.extract %slice3A_186[0] : i32 from vector<1xi32>
      %select_n3A_188 = arith.select %or3A_182, %squeeze3A_187, %select_n3A_171 : i32
      %slice3A_189 = vector.extract_strided_slice %scan3A_21#0 {offsets = [11], sizes = [1], strides = [1]} : vector<16xf32> to vector<1xf32>
      %squeeze3A_190 = vector.extract %slice3A_189[0] : f32 from vector<1xf32>
      %gt3A_191 = arith.cmpf ogt, %squeeze3A_190, %select_n3A_185 : f32
      %slice3A_192 = vector.extract_strided_slice %scan3A_21#0 {offsets = [11], sizes = [1], strides = [1]} : vector<16xf32> to vector<1xf32>
      %squeeze3A_193 = vector.extract %slice3A_192[0] : f32 from vector<1xf32>
      %eq3A_194 = arith.cmpf oeq, %squeeze3A_193, %select_n3A_185 : f32
      %slice3A_195 = vector.extract_strided_slice %scan3A_21#1 {offsets = [11], sizes = [1], strides = [1]} : vector<16xi32> to vector<1xi32>
      %squeeze3A_196 = vector.extract %slice3A_195[0] : i32 from vector<1xi32>
      %lt3A_197 = arith.cmpi slt, %squeeze3A_196, %select_n3A_188 : i32
      %and3A_198 = arith.andi %eq3A_194, %lt3A_197 : i1
      %or3A_199 = arith.ori %gt3A_191, %and3A_198 : i1
      %slice3A_200 = vector.extract_strided_slice %scan3A_21#0 {offsets = [11], sizes = [1], strides = [1]} : vector<16xf32> to vector<1xf32>
      %squeeze3A_201 = vector.extract %slice3A_200[0] : f32 from vector<1xf32>
      %select_n3A_202 = arith.select %or3A_199, %squeeze3A_201, %select_n3A_185 : f32
      %slice3A_203 = vector.extract_strided_slice %scan3A_21#1 {offsets = [11], sizes = [1], strides = [1]} : vector<16xi32> to vector<1xi32>
      %squeeze3A_204 = vector.extract %slice3A_203[0] : i32 from vector<1xi32>
      %select_n3A_205 = arith.select %or3A_199, %squeeze3A_204, %select_n3A_188 : i32
      %slice3A_206 = vector.extract_strided_slice %scan3A_21#0 {offsets = [12], sizes = [1], strides = [1]} : vector<16xf32> to vector<1xf32>
      %squeeze3A_207 = vector.extract %slice3A_206[0] : f32 from vector<1xf32>
      %gt3A_208 = arith.cmpf ogt, %squeeze3A_207, %select_n3A_202 : f32
      %slice3A_209 = vector.extract_strided_slice %scan3A_21#0 {offsets = [12], sizes = [1], strides = [1]} : vector<16xf32> to vector<1xf32>
      %squeeze3A_210 = vector.extract %slice3A_209[0] : f32 from vector<1xf32>
      %eq3A_211 = arith.cmpf oeq, %squeeze3A_210, %select_n3A_202 : f32
      %slice3A_212 = vector.extract_strided_slice %scan3A_21#1 {offsets = [12], sizes = [1], strides = [1]} : vector<16xi32> to vector<1xi32>
      %squeeze3A_213 = vector.extract %slice3A_212[0] : i32 from vector<1xi32>
      %lt3A_214 = arith.cmpi slt, %squeeze3A_213, %select_n3A_205 : i32
      %and3A_215 = arith.andi %eq3A_211, %lt3A_214 : i1
      %or3A_216 = arith.ori %gt3A_208, %and3A_215 : i1
      %slice3A_217 = vector.extract_strided_slice %scan3A_21#0 {offsets = [12], sizes = [1], strides = [1]} : vector<16xf32> to vector<1xf32>
      %squeeze3A_218 = vector.extract %slice3A_217[0] : f32 from vector<1xf32>
      %select_n3A_219 = arith.select %or3A_216, %squeeze3A_218, %select_n3A_202 : f32
      %slice3A_220 = vector.extract_strided_slice %scan3A_21#1 {offsets = [12], sizes = [1], strides = [1]} : vector<16xi32> to vector<1xi32>
      %squeeze3A_221 = vector.extract %slice3A_220[0] : i32 from vector<1xi32>
      %select_n3A_222 = arith.select %or3A_216, %squeeze3A_221, %select_n3A_205 : i32
      %slice3A_223 = vector.extract_strided_slice %scan3A_21#0 {offsets = [13], sizes = [1], strides = [1]} : vector<16xf32> to vector<1xf32>
      %squeeze3A_224 = vector.extract %slice3A_223[0] : f32 from vector<1xf32>
      %gt3A_225 = arith.cmpf ogt, %squeeze3A_224, %select_n3A_219 : f32
      %slice3A_226 = vector.extract_strided_slice %scan3A_21#0 {offsets = [13], sizes = [1], strides = [1]} : vector<16xf32> to vector<1xf32>
      %squeeze3A_227 = vector.extract %slice3A_226[0] : f32 from vector<1xf32>
      %eq3A_228 = arith.cmpf oeq, %squeeze3A_227, %select_n3A_219 : f32
      %slice3A_229 = vector.extract_strided_slice %scan3A_21#1 {offsets = [13], sizes = [1], strides = [1]} : vector<16xi32> to vector<1xi32>
      %squeeze3A_230 = vector.extract %slice3A_229[0] : i32 from vector<1xi32>
      %lt3A_231 = arith.cmpi slt, %squeeze3A_230, %select_n3A_222 : i32
      %and3A_232 = arith.andi %eq3A_228, %lt3A_231 : i1
      %or3A_233 = arith.ori %gt3A_225, %and3A_232 : i1
      %slice3A_234 = vector.extract_strided_slice %scan3A_21#0 {offsets = [13], sizes = [1], strides = [1]} : vector<16xf32> to vector<1xf32>
      %squeeze3A_235 = vector.extract %slice3A_234[0] : f32 from vector<1xf32>
      %select_n3A_236 = arith.select %or3A_233, %squeeze3A_235, %select_n3A_219 : f32
      %slice3A_237 = vector.extract_strided_slice %scan3A_21#1 {offsets = [13], sizes = [1], strides = [1]} : vector<16xi32> to vector<1xi32>
      %squeeze3A_238 = vector.extract %slice3A_237[0] : i32 from vector<1xi32>
      %select_n3A_239 = arith.select %or3A_233, %squeeze3A_238, %select_n3A_222 : i32
      %slice3A_240 = vector.extract_strided_slice %scan3A_21#0 {offsets = [14], sizes = [1], strides = [1]} : vector<16xf32> to vector<1xf32>
      %squeeze3A_241 = vector.extract %slice3A_240[0] : f32 from vector<1xf32>
      %gt3A_242 = arith.cmpf ogt, %squeeze3A_241, %select_n3A_236 : f32
      %slice3A_243 = vector.extract_strided_slice %scan3A_21#0 {offsets = [14], sizes = [1], strides = [1]} : vector<16xf32> to vector<1xf32>
      %squeeze3A_244 = vector.extract %slice3A_243[0] : f32 from vector<1xf32>
      %eq3A_245 = arith.cmpf oeq, %squeeze3A_244, %select_n3A_236 : f32
      %slice3A_246 = vector.extract_strided_slice %scan3A_21#1 {offsets = [14], sizes = [1], strides = [1]} : vector<16xi32> to vector<1xi32>
      %squeeze3A_247 = vector.extract %slice3A_246[0] : i32 from vector<1xi32>
      %lt3A_248 = arith.cmpi slt, %squeeze3A_247, %select_n3A_239 : i32
      %and3A_249 = arith.andi %eq3A_245, %lt3A_248 : i1
      %or3A_250 = arith.ori %gt3A_242, %and3A_249 : i1
      %slice3A_251 = vector.extract_strided_slice %scan3A_21#0 {offsets = [14], sizes = [1], strides = [1]} : vector<16xf32> to vector<1xf32>
      %squeeze3A_252 = vector.extract %slice3A_251[0] : f32 from vector<1xf32>
      %select_n3A_253 = arith.select %or3A_250, %squeeze3A_252, %select_n3A_236 : f32
      %slice3A_254 = vector.extract_strided_slice %scan3A_21#1 {offsets = [14], sizes = [1], strides = [1]} : vector<16xi32> to vector<1xi32>
      %squeeze3A_255 = vector.extract %slice3A_254[0] : i32 from vector<1xi32>
      %select_n3A_256 = arith.select %or3A_250, %squeeze3A_255, %select_n3A_239 : i32
      %slice3A_257 = vector.extract_strided_slice %scan3A_21#0 {offsets = [15], sizes = [1], strides = [1]} : vector<16xf32> to vector<1xf32>
      %squeeze3A_258 = vector.extract %slice3A_257[0] : f32 from vector<1xf32>
      %gt3A_259 = arith.cmpf ogt, %squeeze3A_258, %select_n3A_253 : f32
      %slice3A_260 = vector.extract_strided_slice %scan3A_21#0 {offsets = [15], sizes = [1], strides = [1]} : vector<16xf32> to vector<1xf32>
      %squeeze3A_261 = vector.extract %slice3A_260[0] : f32 from vector<1xf32>
      %eq3A_262 = arith.cmpf oeq, %squeeze3A_261, %select_n3A_253 : f32
      %slice3A_263 = vector.extract_strided_slice %scan3A_21#1 {offsets = [15], sizes = [1], strides = [1]} : vector<16xi32> to vector<1xi32>
      %squeeze3A_264 = vector.extract %slice3A_263[0] : i32 from vector<1xi32>
      %lt3A_265 = arith.cmpi slt, %squeeze3A_264, %select_n3A_256 : i32
      %and3A_266 = arith.andi %eq3A_262, %lt3A_265 : i1
      %or3A_267 = arith.ori %gt3A_259, %and3A_266 : i1
      %slice3A_268 = vector.extract_strided_slice %scan3A_21#0 {offsets = [15], sizes = [1], strides = [1]} : vector<16xf32> to vector<1xf32>
      %squeeze3A_269 = vector.extract %slice3A_268[0] : f32 from vector<1xf32>
      %select_n3A_270 = arith.select %or3A_267, %squeeze3A_269, %select_n3A_253 : f32
      %slice3A_271 = vector.extract_strided_slice %scan3A_21#1 {offsets = [15], sizes = [1], strides = [1]} : vector<16xi32> to vector<1xi32>
      %squeeze3A_272 = vector.extract %slice3A_271[0] : i32 from vector<1xi32>
      %select_n3A_273 = arith.select %or3A_267, %squeeze3A_272, %select_n3A_256 : i32
      %and3A_274 = arith.constant 127 : i32
      %and3A_275 = arith.andi %select_n3A_273, %and3A_274 : i32
      %broadcast_in_dim3A_276 = arith.constant -3.000000e+00 : f32
      %broadcast_in_dim3A_277 = vector.broadcast %broadcast_in_dim3A_276 : f32 to vector<16xf32>
      %broadcast_in_dim3A_278 = arith.constant 1073741824 : i32
      %broadcast_in_dim3A_279 = vector.broadcast %broadcast_in_dim3A_278 : i32 to vector<16xi32>
      %scan3A_280 = arith.constant 0 : i32
      %scan3A_281 = arith.constant 128 : i32
      %scan3A_282 = arith.addi %scan3A_280, %scan3A_281 : i32
      %scan3A_283 = arith.constant 1 : i32
      %scan3A_284:2 = scf.for %scan3A_1480 = %scan3A_280 to %scan3A_282 step %scan3A_283 iter_args(%scan3A_1481 = %broadcast_in_dim3A_277, %scan3A_1482 = %broadcast_in_dim3A_279) -> (vector<16xf32>, vector<16xi32>)  : i32 {
        %mul3A_1483 = arith.constant 16 : i32
        %mul3A_1484 = arith.muli %scan3A_1480, %mul3A_1483 : i32
        %get3A_1485 = arith.index_cast %mul3A_1484 : i32 to index
        %get3A_1486 = tpu.vector_load %arg5[%get3A_1485] {strides = array<i32>} : memref<2048xf32, #tpu.memory_space<vmem>>, vector<16xf32>,
        %get3A_1487 = vector.shape_cast %get3A_1486 : vector<16xf32> to vector<16xf32>
        %mul3A_1488 = arith.constant 16 : i32
        %mul3A_1489 = arith.muli %scan3A_1480, %mul3A_1488 : i32
        %get3A_1490 = arith.index_cast %mul3A_1489 : i32 to index
        %get3A_1491 = tpu.vector_load %arg6[%get3A_1490] {strides = array<i32>} : memref<2048xi32, #tpu.memory_space<vmem>>, vector<16xi32>,
        %get3A_1492 = vector.shape_cast %get3A_1491 : vector<16xi32> to vector<16xi32>
        %gt3A_1493 = arith.cmpf ogt, %get3A_1487, %scan3A_1481 : vector<16xf32>
        %eq3A_1494 = arith.cmpf oeq, %get3A_1487, %scan3A_1481 : vector<16xf32>
        %lt3A_1495 = arith.cmpi slt, %get3A_1492, %scan3A_1482 : vector<16xi32>
        %and3A_1496 = arith.andi %eq3A_1494, %lt3A_1495 : vector<16xi1>
        %or3A_1497 = arith.ori %gt3A_1493, %and3A_1496 : vector<16xi1>
        %ne3A = vector.broadcast %select_n3A_273 : i32 to vector<16xi32>
        %ne3A_1498 = arith.cmpi ne, %get3A_1492, %ne3A : vector<16xi32>
        %and3A_1499 = arith.andi %or3A_1497, %ne3A_1498 : vector<16xi1>
        %select_n3A_1500 = arith.select %and3A_1499, %get3A_1487, %scan3A_1481 : vector<16xi1>, vector<16xf32>
        %select_n3A_1501 = arith.select %and3A_1499, %get3A_1492, %scan3A_1482 : vector<16xi1>, vector<16xi32>
        scf.yield %select_n3A_1500, %select_n3A_1501 : vector<16xf32>, vector<16xi32>
      }
      %scan3A_285 = arith.constant 128 : i32
      %slice3A_286 = vector.extract_strided_slice %scan3A_284#0 {offsets = [0], sizes = [1], strides = [1]} : vector<16xf32> to vector<1xf32>
      %squeeze3A_287 = vector.extract %slice3A_286[0] : f32 from vector<1xf32>
      %slice3A_288 = vector.extract_strided_slice %scan3A_284#1 {offsets = [0], sizes = [1], strides = [1]} : vector<16xi32> to vector<1xi32>
      %squeeze3A_289 = vector.extract %slice3A_288[0] : i32 from vector<1xi32>
      %slice3A_290 = vector.extract_strided_slice %scan3A_284#0 {offsets = [1], sizes = [1], strides = [1]} : vector<16xf32> to vector<1xf32>
      %squeeze3A_291 = vector.extract %slice3A_290[0] : f32 from vector<1xf32>
      %gt3A_292 = arith.cmpf ogt, %squeeze3A_291, %squeeze3A_287 : f32
      %slice3A_293 = vector.extract_strided_slice %scan3A_284#0 {offsets = [1], sizes = [1], strides = [1]} : vector<16xf32> to vector<1xf32>
      %squeeze3A_294 = vector.extract %slice3A_293[0] : f32 from vector<1xf32>
      %eq3A_295 = arith.cmpf oeq, %squeeze3A_294, %squeeze3A_287 : f32
      %slice3A_296 = vector.extract_strided_slice %scan3A_284#1 {offsets = [1], sizes = [1], strides = [1]} : vector<16xi32> to vector<1xi32>
      %squeeze3A_297 = vector.extract %slice3A_296[0] : i32 from vector<1xi32>
      %lt3A_298 = arith.cmpi slt, %squeeze3A_297, %squeeze3A_289 : i32
      %and3A_299 = arith.andi %eq3A_295, %lt3A_298 : i1
      %or3A_300 = arith.ori %gt3A_292, %and3A_299 : i1
      %slice3A_301 = vector.extract_strided_slice %scan3A_284#0 {offsets = [1], sizes = [1], strides = [1]} : vector<16xf32> to vector<1xf32>
      %squeeze3A_302 = vector.extract %slice3A_301[0] : f32 from vector<1xf32>
      %select_n3A_303 = arith.select %or3A_300, %squeeze3A_302, %squeeze3A_287 : f32
      %slice3A_304 = vector.extract_strided_slice %scan3A_284#1 {offsets = [1], sizes = [1], strides = [1]} : vector<16xi32> to vector<1xi32>
      %squeeze3A_305 = vector.extract %slice3A_304[0] : i32 from vector<1xi32>
      %select_n3A_306 = arith.select %or3A_300, %squeeze3A_305, %squeeze3A_289 : i32
      %slice3A_307 = vector.extract_strided_slice %scan3A_284#0 {offsets = [2], sizes = [1], strides = [1]} : vector<16xf32> to vector<1xf32>
      %squeeze3A_308 = vector.extract %slice3A_307[0] : f32 from vector<1xf32>
      %gt3A_309 = arith.cmpf ogt, %squeeze3A_308, %select_n3A_303 : f32
      %slice3A_310 = vector.extract_strided_slice %scan3A_284#0 {offsets = [2], sizes = [1], strides = [1]} : vector<16xf32> to vector<1xf32>
      %squeeze3A_311 = vector.extract %slice3A_310[0] : f32 from vector<1xf32>
      %eq3A_312 = arith.cmpf oeq, %squeeze3A_311, %select_n3A_303 : f32
      %slice3A_313 = vector.extract_strided_slice %scan3A_284#1 {offsets = [2], sizes = [1], strides = [1]} : vector<16xi32> to vector<1xi32>
      %squeeze3A_314 = vector.extract %slice3A_313[0] : i32 from vector<1xi32>
      %lt3A_315 = arith.cmpi slt, %squeeze3A_314, %select_n3A_306 : i32
      %and3A_316 = arith.andi %eq3A_312, %lt3A_315 : i1
      %or3A_317 = arith.ori %gt3A_309, %and3A_316 : i1
      %slice3A_318 = vector.extract_strided_slice %scan3A_284#0 {offsets = [2], sizes = [1], strides = [1]} : vector<16xf32> to vector<1xf32>
      %squeeze3A_319 = vector.extract %slice3A_318[0] : f32 from vector<1xf32>
      %select_n3A_320 = arith.select %or3A_317, %squeeze3A_319, %select_n3A_303 : f32
      %slice3A_321 = vector.extract_strided_slice %scan3A_284#1 {offsets = [2], sizes = [1], strides = [1]} : vector<16xi32> to vector<1xi32>
      %squeeze3A_322 = vector.extract %slice3A_321[0] : i32 from vector<1xi32>
      %select_n3A_323 = arith.select %or3A_317, %squeeze3A_322, %select_n3A_306 : i32
      %slice3A_324 = vector.extract_strided_slice %scan3A_284#0 {offsets = [3], sizes = [1], strides = [1]} : vector<16xf32> to vector<1xf32>
      %squeeze3A_325 = vector.extract %slice3A_324[0] : f32 from vector<1xf32>
      %gt3A_326 = arith.cmpf ogt, %squeeze3A_325, %select_n3A_320 : f32
      %slice3A_327 = vector.extract_strided_slice %scan3A_284#0 {offsets = [3], sizes = [1], strides = [1]} : vector<16xf32> to vector<1xf32>
      %squeeze3A_328 = vector.extract %slice3A_327[0] : f32 from vector<1xf32>
      %eq3A_329 = arith.cmpf oeq, %squeeze3A_328, %select_n3A_320 : f32
      %slice3A_330 = vector.extract_strided_slice %scan3A_284#1 {offsets = [3], sizes = [1], strides = [1]} : vector<16xi32> to vector<1xi32>
      %squeeze3A_331 = vector.extract %slice3A_330[0] : i32 from vector<1xi32>
      %lt3A_332 = arith.cmpi slt, %squeeze3A_331, %select_n3A_323 : i32
      %and3A_333 = arith.andi %eq3A_329, %lt3A_332 : i1
      %or3A_334 = arith.ori %gt3A_326, %and3A_333 : i1
      %slice3A_335 = vector.extract_strided_slice %scan3A_284#0 {offsets = [3], sizes = [1], strides = [1]} : vector<16xf32> to vector<1xf32>
      %squeeze3A_336 = vector.extract %slice3A_335[0] : f32 from vector<1xf32>
      %select_n3A_337 = arith.select %or3A_334, %squeeze3A_336, %select_n3A_320 : f32
      %slice3A_338 = vector.extract_strided_slice %scan3A_284#1 {offsets = [3], sizes = [1], strides = [1]} : vector<16xi32> to vector<1xi32>
      %squeeze3A_339 = vector.extract %slice3A_338[0] : i32 from vector<1xi32>
      %select_n3A_340 = arith.select %or3A_334, %squeeze3A_339, %select_n3A_323 : i32
      %slice3A_341 = vector.extract_strided_slice %scan3A_284#0 {offsets = [4], sizes = [1], strides = [1]} : vector<16xf32> to vector<1xf32>
      %squeeze3A_342 = vector.extract %slice3A_341[0] : f32 from vector<1xf32>
      %gt3A_343 = arith.cmpf ogt, %squeeze3A_342, %select_n3A_337 : f32
      %slice3A_344 = vector.extract_strided_slice %scan3A_284#0 {offsets = [4], sizes = [1], strides = [1]} : vector<16xf32> to vector<1xf32>
      %squeeze3A_345 = vector.extract %slice3A_344[0] : f32 from vector<1xf32>
      %eq3A_346 = arith.cmpf oeq, %squeeze3A_345, %select_n3A_337 : f32
      %slice3A_347 = vector.extract_strided_slice %scan3A_284#1 {offsets = [4], sizes = [1], strides = [1]} : vector<16xi32> to vector<1xi32>
      %squeeze3A_348 = vector.extract %slice3A_347[0] : i32 from vector<1xi32>
      %lt3A_349 = arith.cmpi slt, %squeeze3A_348, %select_n3A_340 : i32
      %and3A_350 = arith.andi %eq3A_346, %lt3A_349 : i1
      %or3A_351 = arith.ori %gt3A_343, %and3A_350 : i1
      %slice3A_352 = vector.extract_strided_slice %scan3A_284#0 {offsets = [4], sizes = [1], strides = [1]} : vector<16xf32> to vector<1xf32>
      %squeeze3A_353 = vector.extract %slice3A_352[0] : f32 from vector<1xf32>
      %select_n3A_354 = arith.select %or3A_351, %squeeze3A_353, %select_n3A_337 : f32
      %slice3A_355 = vector.extract_strided_slice %scan3A_284#1 {offsets = [4], sizes = [1], strides = [1]} : vector<16xi32> to vector<1xi32>
      %squeeze3A_356 = vector.extract %slice3A_355[0] : i32 from vector<1xi32>
      %select_n3A_357 = arith.select %or3A_351, %squeeze3A_356, %select_n3A_340 : i32
      %slice3A_358 = vector.extract_strided_slice %scan3A_284#0 {offsets = [5], sizes = [1], strides = [1]} : vector<16xf32> to vector<1xf32>
      %squeeze3A_359 = vector.extract %slice3A_358[0] : f32 from vector<1xf32>
      %gt3A_360 = arith.cmpf ogt, %squeeze3A_359, %select_n3A_354 : f32
      %slice3A_361 = vector.extract_strided_slice %scan3A_284#0 {offsets = [5], sizes = [1], strides = [1]} : vector<16xf32> to vector<1xf32>
      %squeeze3A_362 = vector.extract %slice3A_361[0] : f32 from vector<1xf32>
      %eq3A_363 = arith.cmpf oeq, %squeeze3A_362, %select_n3A_354 : f32
      %slice3A_364 = vector.extract_strided_slice %scan3A_284#1 {offsets = [5], sizes = [1], strides = [1]} : vector<16xi32> to vector<1xi32>
      %squeeze3A_365 = vector.extract %slice3A_364[0] : i32 from vector<1xi32>
      %lt3A_366 = arith.cmpi slt, %squeeze3A_365, %select_n3A_357 : i32
      %and3A_367 = arith.andi %eq3A_363, %lt3A_366 : i1
      %or3A_368 = arith.ori %gt3A_360, %and3A_367 : i1
      %slice3A_369 = vector.extract_strided_slice %scan3A_284#0 {offsets = [5], sizes = [1], strides = [1]} : vector<16xf32> to vector<1xf32>
      %squeeze3A_370 = vector.extract %slice3A_369[0] : f32 from vector<1xf32>
      %select_n3A_371 = arith.select %or3A_368, %squeeze3A_370, %select_n3A_354 : f32
      %slice3A_372 = vector.extract_strided_slice %scan3A_284#1 {offsets = [5], sizes = [1], strides = [1]} : vector<16xi32> to vector<1xi32>
      %squeeze3A_373 = vector.extract %slice3A_372[0] : i32 from vector<1xi32>
      %select_n3A_374 = arith.select %or3A_368, %squeeze3A_373, %select_n3A_357 : i32
      %slice3A_375 = vector.extract_strided_slice %scan3A_284#0 {offsets = [6], sizes = [1], strides = [1]} : vector<16xf32> to vector<1xf32>
      %squeeze3A_376 = vector.extract %slice3A_375[0] : f32 from vector<1xf32>
      %gt3A_377 = arith.cmpf ogt, %squeeze3A_376, %select_n3A_371 : f32
      %slice3A_378 = vector.extract_strided_slice %scan3A_284#0 {offsets = [6], sizes = [1], strides = [1]} : vector<16xf32> to vector<1xf32>
      %squeeze3A_379 = vector.extract %slice3A_378[0] : f32 from vector<1xf32>
      %eq3A_380 = arith.cmpf oeq, %squeeze3A_379, %select_n3A_371 : f32
      %slice3A_381 = vector.extract_strided_slice %scan3A_284#1 {offsets = [6], sizes = [1], strides = [1]} : vector<16xi32> to vector<1xi32>
      %squeeze3A_382 = vector.extract %slice3A_381[0] : i32 from vector<1xi32>
      %lt3A_383 = arith.cmpi slt, %squeeze3A_382, %select_n3A_374 : i32
      %and3A_384 = arith.andi %eq3A_380, %lt3A_383 : i1
      %or3A_385 = arith.ori %gt3A_377, %and3A_384 : i1
      %slice3A_386 = vector.extract_strided_slice %scan3A_284#0 {offsets = [6], sizes = [1], strides = [1]} : vector<16xf32> to vector<1xf32>
      %squeeze3A_387 = vector.extract %slice3A_386[0] : f32 from vector<1xf32>
      %select_n3A_388 = arith.select %or3A_385, %squeeze3A_387, %select_n3A_371 : f32
      %slice3A_389 = vector.extract_strided_slice %scan3A_284#1 {offsets = [6], sizes = [1], strides = [1]} : vector<16xi32> to vector<1xi32>
      %squeeze3A_390 = vector.extract %slice3A_389[0] : i32 from vector<1xi32>
      %select_n3A_391 = arith.select %or3A_385, %squeeze3A_390, %select_n3A_374 : i32
      %slice3A_392 = vector.extract_strided_slice %scan3A_284#0 {offsets = [7], sizes = [1], strides = [1]} : vector<16xf32> to vector<1xf32>
      %squeeze3A_393 = vector.extract %slice3A_392[0] : f32 from vector<1xf32>
      %gt3A_394 = arith.cmpf ogt, %squeeze3A_393, %select_n3A_388 : f32
      %slice3A_395 = vector.extract_strided_slice %scan3A_284#0 {offsets = [7], sizes = [1], strides = [1]} : vector<16xf32> to vector<1xf32>
      %squeeze3A_396 = vector.extract %slice3A_395[0] : f32 from vector<1xf32>
      %eq3A_397 = arith.cmpf oeq, %squeeze3A_396, %select_n3A_388 : f32
      %slice3A_398 = vector.extract_strided_slice %scan3A_284#1 {offsets = [7], sizes = [1], strides = [1]} : vector<16xi32> to vector<1xi32>
      %squeeze3A_399 = vector.extract %slice3A_398[0] : i32 from vector<1xi32>
      %lt3A_400 = arith.cmpi slt, %squeeze3A_399, %select_n3A_391 : i32
      %and3A_401 = arith.andi %eq3A_397, %lt3A_400 : i1
      %or3A_402 = arith.ori %gt3A_394, %and3A_401 : i1
      %slice3A_403 = vector.extract_strided_slice %scan3A_284#0 {offsets = [7], sizes = [1], strides = [1]} : vector<16xf32> to vector<1xf32>
      %squeeze3A_404 = vector.extract %slice3A_403[0] : f32 from vector<1xf32>
      %select_n3A_405 = arith.select %or3A_402, %squeeze3A_404, %select_n3A_388 : f32
      %slice3A_406 = vector.extract_strided_slice %scan3A_284#1 {offsets = [7], sizes = [1], strides = [1]} : vector<16xi32> to vector<1xi32>
      %squeeze3A_407 = vector.extract %slice3A_406[0] : i32 from vector<1xi32>
      %select_n3A_408 = arith.select %or3A_402, %squeeze3A_407, %select_n3A_391 : i32
      %slice3A_409 = vector.extract_strided_slice %scan3A_284#0 {offsets = [8], sizes = [1], strides = [1]} : vector<16xf32> to vector<1xf32>
      %squeeze3A_410 = vector.extract %slice3A_409[0] : f32 from vector<1xf32>
      %gt3A_411 = arith.cmpf ogt, %squeeze3A_410, %select_n3A_405 : f32
      %slice3A_412 = vector.extract_strided_slice %scan3A_284#0 {offsets = [8], sizes = [1], strides = [1]} : vector<16xf32> to vector<1xf32>
      %squeeze3A_413 = vector.extract %slice3A_412[0] : f32 from vector<1xf32>
      %eq3A_414 = arith.cmpf oeq, %squeeze3A_413, %select_n3A_405 : f32
      %slice3A_415 = vector.extract_strided_slice %scan3A_284#1 {offsets = [8], sizes = [1], strides = [1]} : vector<16xi32> to vector<1xi32>
      %squeeze3A_416 = vector.extract %slice3A_415[0] : i32 from vector<1xi32>
      %lt3A_417 = arith.cmpi slt, %squeeze3A_416, %select_n3A_408 : i32
      %and3A_418 = arith.andi %eq3A_414, %lt3A_417 : i1
      %or3A_419 = arith.ori %gt3A_411, %and3A_418 : i1
      %slice3A_420 = vector.extract_strided_slice %scan3A_284#0 {offsets = [8], sizes = [1], strides = [1]} : vector<16xf32> to vector<1xf32>
      %squeeze3A_421 = vector.extract %slice3A_420[0] : f32 from vector<1xf32>
      %select_n3A_422 = arith.select %or3A_419, %squeeze3A_421, %select_n3A_405 : f32
      %slice3A_423 = vector.extract_strided_slice %scan3A_284#1 {offsets = [8], sizes = [1], strides = [1]} : vector<16xi32> to vector<1xi32>
      %squeeze3A_424 = vector.extract %slice3A_423[0] : i32 from vector<1xi32>
      %select_n3A_425 = arith.select %or3A_419, %squeeze3A_424, %select_n3A_408 : i32
      %slice3A_426 = vector.extract_strided_slice %scan3A_284#0 {offsets = [9], sizes = [1], strides = [1]} : vector<16xf32> to vector<1xf32>
      %squeeze3A_427 = vector.extract %slice3A_426[0] : f32 from vector<1xf32>
      %gt3A_428 = arith.cmpf ogt, %squeeze3A_427, %select_n3A_422 : f32
      %slice3A_429 = vector.extract_strided_slice %scan3A_284#0 {offsets = [9], sizes = [1], strides = [1]} : vector<16xf32> to vector<1xf32>
      %squeeze3A_430 = vector.extract %slice3A_429[0] : f32 from vector<1xf32>
      %eq3A_431 = arith.cmpf oeq, %squeeze3A_430, %select_n3A_422 : f32
      %slice3A_432 = vector.extract_strided_slice %scan3A_284#1 {offsets = [9], sizes = [1], strides = [1]} : vector<16xi32> to vector<1xi32>
      %squeeze3A_433 = vector.extract %slice3A_432[0] : i32 from vector<1xi32>
      %lt3A_434 = arith.cmpi slt, %squeeze3A_433, %select_n3A_425 : i32
      %and3A_435 = arith.andi %eq3A_431, %lt3A_434 : i1
      %or3A_436 = arith.ori %gt3A_428, %and3A_435 : i1
      %slice3A_437 = vector.extract_strided_slice %scan3A_284#0 {offsets = [9], sizes = [1], strides = [1]} : vector<16xf32> to vector<1xf32>
      %squeeze3A_438 = vector.extract %slice3A_437[0] : f32 from vector<1xf32>
      %select_n3A_439 = arith.select %or3A_436, %squeeze3A_438, %select_n3A_422 : f32
      %slice3A_440 = vector.extract_strided_slice %scan3A_284#1 {offsets = [9], sizes = [1], strides = [1]} : vector<16xi32> to vector<1xi32>
      %squeeze3A_441 = vector.extract %slice3A_440[0] : i32 from vector<1xi32>
      %select_n3A_442 = arith.select %or3A_436, %squeeze3A_441, %select_n3A_425 : i32
      %slice3A_443 = vector.extract_strided_slice %scan3A_284#0 {offsets = [10], sizes = [1], strides = [1]} : vector<16xf32> to vector<1xf32>
      %squeeze3A_444 = vector.extract %slice3A_443[0] : f32 from vector<1xf32>
      %gt3A_445 = arith.cmpf ogt, %squeeze3A_444, %select_n3A_439 : f32
      %slice3A_446 = vector.extract_strided_slice %scan3A_284#0 {offsets = [10], sizes = [1], strides = [1]} : vector<16xf32> to vector<1xf32>
      %squeeze3A_447 = vector.extract %slice3A_446[0] : f32 from vector<1xf32>
      %eq3A_448 = arith.cmpf oeq, %squeeze3A_447, %select_n3A_439 : f32
      %slice3A_449 = vector.extract_strided_slice %scan3A_284#1 {offsets = [10], sizes = [1], strides = [1]} : vector<16xi32> to vector<1xi32>
      %squeeze3A_450 = vector.extract %slice3A_449[0] : i32 from vector<1xi32>
      %lt3A_451 = arith.cmpi slt, %squeeze3A_450, %select_n3A_442 : i32
      %and3A_452 = arith.andi %eq3A_448, %lt3A_451 : i1
      %or3A_453 = arith.ori %gt3A_445, %and3A_452 : i1
      %slice3A_454 = vector.extract_strided_slice %scan3A_284#0 {offsets = [10], sizes = [1], strides = [1]} : vector<16xf32> to vector<1xf32>
      %squeeze3A_455 = vector.extract %slice3A_454[0] : f32 from vector<1xf32>
      %select_n3A_456 = arith.select %or3A_453, %squeeze3A_455, %select_n3A_439 : f32
      %slice3A_457 = vector.extract_strided_slice %scan3A_284#1 {offsets = [10], sizes = [1], strides = [1]} : vector<16xi32> to vector<1xi32>
      %squeeze3A_458 = vector.extract %slice3A_457[0] : i32 from vector<1xi32>
      %select_n3A_459 = arith.select %or3A_453, %squeeze3A_458, %select_n3A_442 : i32
      %slice3A_460 = vector.extract_strided_slice %scan3A_284#0 {offsets = [11], sizes = [1], strides = [1]} : vector<16xf32> to vector<1xf32>
      %squeeze3A_461 = vector.extract %slice3A_460[0] : f32 from vector<1xf32>
      %gt3A_462 = arith.cmpf ogt, %squeeze3A_461, %select_n3A_456 : f32
      %slice3A_463 = vector.extract_strided_slice %scan3A_284#0 {offsets = [11], sizes = [1], strides = [1]} : vector<16xf32> to vector<1xf32>
      %squeeze3A_464 = vector.extract %slice3A_463[0] : f32 from vector<1xf32>
      %eq3A_465 = arith.cmpf oeq, %squeeze3A_464, %select_n3A_456 : f32
      %slice3A_466 = vector.extract_strided_slice %scan3A_284#1 {offsets = [11], sizes = [1], strides = [1]} : vector<16xi32> to vector<1xi32>
      %squeeze3A_467 = vector.extract %slice3A_466[0] : i32 from vector<1xi32>
      %lt3A_468 = arith.cmpi slt, %squeeze3A_467, %select_n3A_459 : i32
      %and3A_469 = arith.andi %eq3A_465, %lt3A_468 : i1
      %or3A_470 = arith.ori %gt3A_462, %and3A_469 : i1
      %slice3A_471 = vector.extract_strided_slice %scan3A_284#0 {offsets = [11], sizes = [1], strides = [1]} : vector<16xf32> to vector<1xf32>
      %squeeze3A_472 = vector.extract %slice3A_471[0] : f32 from vector<1xf32>
      %select_n3A_473 = arith.select %or3A_470, %squeeze3A_472, %select_n3A_456 : f32
      %slice3A_474 = vector.extract_strided_slice %scan3A_284#1 {offsets = [11], sizes = [1], strides = [1]} : vector<16xi32> to vector<1xi32>
      %squeeze3A_475 = vector.extract %slice3A_474[0] : i32 from vector<1xi32>
      %select_n3A_476 = arith.select %or3A_470, %squeeze3A_475, %select_n3A_459 : i32
      %slice3A_477 = vector.extract_strided_slice %scan3A_284#0 {offsets = [12], sizes = [1], strides = [1]} : vector<16xf32> to vector<1xf32>
      %squeeze3A_478 = vector.extract %slice3A_477[0] : f32 from vector<1xf32>
      %gt3A_479 = arith.cmpf ogt, %squeeze3A_478, %select_n3A_473 : f32
      %slice3A_480 = vector.extract_strided_slice %scan3A_284#0 {offsets = [12], sizes = [1], strides = [1]} : vector<16xf32> to vector<1xf32>
      %squeeze3A_481 = vector.extract %slice3A_480[0] : f32 from vector<1xf32>
      %eq3A_482 = arith.cmpf oeq, %squeeze3A_481, %select_n3A_473 : f32
      %slice3A_483 = vector.extract_strided_slice %scan3A_284#1 {offsets = [12], sizes = [1], strides = [1]} : vector<16xi32> to vector<1xi32>
      %squeeze3A_484 = vector.extract %slice3A_483[0] : i32 from vector<1xi32>
      %lt3A_485 = arith.cmpi slt, %squeeze3A_484, %select_n3A_476 : i32
      %and3A_486 = arith.andi %eq3A_482, %lt3A_485 : i1
      %or3A_487 = arith.ori %gt3A_479, %and3A_486 : i1
      %slice3A_488 = vector.extract_strided_slice %scan3A_284#0 {offsets = [12], sizes = [1], strides = [1]} : vector<16xf32> to vector<1xf32>
      %squeeze3A_489 = vector.extract %slice3A_488[0] : f32 from vector<1xf32>
      %select_n3A_490 = arith.select %or3A_487, %squeeze3A_489, %select_n3A_473 : f32
      %slice3A_491 = vector.extract_strided_slice %scan3A_284#1 {offsets = [12], sizes = [1], strides = [1]} : vector<16xi32> to vector<1xi32>
      %squeeze3A_492 = vector.extract %slice3A_491[0] : i32 from vector<1xi32>
      %select_n3A_493 = arith.select %or3A_487, %squeeze3A_492, %select_n3A_476 : i32
      %slice3A_494 = vector.extract_strided_slice %scan3A_284#0 {offsets = [13], sizes = [1], strides = [1]} : vector<16xf32> to vector<1xf32>
      %squeeze3A_495 = vector.extract %slice3A_494[0] : f32 from vector<1xf32>
      %gt3A_496 = arith.cmpf ogt, %squeeze3A_495, %select_n3A_490 : f32
      %slice3A_497 = vector.extract_strided_slice %scan3A_284#0 {offsets = [13], sizes = [1], strides = [1]} : vector<16xf32> to vector<1xf32>
      %squeeze3A_498 = vector.extract %slice3A_497[0] : f32 from vector<1xf32>
      %eq3A_499 = arith.cmpf oeq, %squeeze3A_498, %select_n3A_490 : f32
      %slice3A_500 = vector.extract_strided_slice %scan3A_284#1 {offsets = [13], sizes = [1], strides = [1]} : vector<16xi32> to vector<1xi32>
      %squeeze3A_501 = vector.extract %slice3A_500[0] : i32 from vector<1xi32>
      %lt3A_502 = arith.cmpi slt, %squeeze3A_501, %select_n3A_493 : i32
      %and3A_503 = arith.andi %eq3A_499, %lt3A_502 : i1
      %or3A_504 = arith.ori %gt3A_496, %and3A_503 : i1
      %slice3A_505 = vector.extract_strided_slice %scan3A_284#0 {offsets = [13], sizes = [1], strides = [1]} : vector<16xf32> to vector<1xf32>
      %squeeze3A_506 = vector.extract %slice3A_505[0] : f32 from vector<1xf32>
      %select_n3A_507 = arith.select %or3A_504, %squeeze3A_506, %select_n3A_490 : f32
      %slice3A_508 = vector.extract_strided_slice %scan3A_284#1 {offsets = [13], sizes = [1], strides = [1]} : vector<16xi32> to vector<1xi32>
      %squeeze3A_509 = vector.extract %slice3A_508[0] : i32 from vector<1xi32>
      %select_n3A_510 = arith.select %or3A_504, %squeeze3A_509, %select_n3A_493 : i32
      %slice3A_511 = vector.extract_strided_slice %scan3A_284#0 {offsets = [14], sizes = [1], strides = [1]} : vector<16xf32> to vector<1xf32>
      %squeeze3A_512 = vector.extract %slice3A_511[0] : f32 from vector<1xf32>
      %gt3A_513 = arith.cmpf ogt, %squeeze3A_512, %select_n3A_507 : f32
      %slice3A_514 = vector.extract_strided_slice %scan3A_284#0 {offsets = [14], sizes = [1], strides = [1]} : vector<16xf32> to vector<1xf32>
      %squeeze3A_515 = vector.extract %slice3A_514[0] : f32 from vector<1xf32>
      %eq3A_516 = arith.cmpf oeq, %squeeze3A_515, %select_n3A_507 : f32
      %slice3A_517 = vector.extract_strided_slice %scan3A_284#1 {offsets = [14], sizes = [1], strides = [1]} : vector<16xi32> to vector<1xi32>
      %squeeze3A_518 = vector.extract %slice3A_517[0] : i32 from vector<1xi32>
      %lt3A_519 = arith.cmpi slt, %squeeze3A_518, %select_n3A_510 : i32
      %and3A_520 = arith.andi %eq3A_516, %lt3A_519 : i1
      %or3A_521 = arith.ori %gt3A_513, %and3A_520 : i1
      %slice3A_522 = vector.extract_strided_slice %scan3A_284#0 {offsets = [14], sizes = [1], strides = [1]} : vector<16xf32> to vector<1xf32>
      %squeeze3A_523 = vector.extract %slice3A_522[0] : f32 from vector<1xf32>
      %select_n3A_524 = arith.select %or3A_521, %squeeze3A_523, %select_n3A_507 : f32
      %slice3A_525 = vector.extract_strided_slice %scan3A_284#1 {offsets = [14], sizes = [1], strides = [1]} : vector<16xi32> to vector<1xi32>
      %squeeze3A_526 = vector.extract %slice3A_525[0] : i32 from vector<1xi32>
      %select_n3A_527 = arith.select %or3A_521, %squeeze3A_526, %select_n3A_510 : i32
      %slice3A_528 = vector.extract_strided_slice %scan3A_284#0 {offsets = [15], sizes = [1], strides = [1]} : vector<16xf32> to vector<1xf32>
      %squeeze3A_529 = vector.extract %slice3A_528[0] : f32 from vector<1xf32>
      %gt3A_530 = arith.cmpf ogt, %squeeze3A_529, %select_n3A_524 : f32
      %slice3A_531 = vector.extract_strided_slice %scan3A_284#0 {offsets = [15], sizes = [1], strides = [1]} : vector<16xf32> to vector<1xf32>
      %squeeze3A_532 = vector.extract %slice3A_531[0] : f32 from vector<1xf32>
      %eq3A_533 = arith.cmpf oeq, %squeeze3A_532, %select_n3A_524 : f32
      %slice3A_534 = vector.extract_strided_slice %scan3A_284#1 {offsets = [15], sizes = [1], strides = [1]} : vector<16xi32> to vector<1xi32>
      %squeeze3A_535 = vector.extract %slice3A_534[0] : i32 from vector<1xi32>
      %lt3A_536 = arith.cmpi slt, %squeeze3A_535, %select_n3A_527 : i32
      %and3A_537 = arith.andi %eq3A_533, %lt3A_536 : i1
      %or3A_538 = arith.ori %gt3A_530, %and3A_537 : i1
      %slice3A_539 = vector.extract_strided_slice %scan3A_284#0 {offsets = [15], sizes = [1], strides = [1]} : vector<16xf32> to vector<1xf32>
      %squeeze3A_540 = vector.extract %slice3A_539[0] : f32 from vector<1xf32>
      %select_n3A_541 = arith.select %or3A_538, %squeeze3A_540, %select_n3A_524 : f32
      %slice3A_542 = vector.extract_strided_slice %scan3A_284#1 {offsets = [15], sizes = [1], strides = [1]} : vector<16xi32> to vector<1xi32>
      %squeeze3A_543 = vector.extract %slice3A_542[0] : i32 from vector<1xi32>
      %select_n3A_544 = arith.select %or3A_538, %squeeze3A_543, %select_n3A_527 : i32
      %and3A_545 = arith.constant 127 : i32
      %and3A_546 = arith.andi %select_n3A_544, %and3A_545 : i32
      %broadcast_in_dim3A_547 = arith.constant -3.000000e+00 : f32
      %broadcast_in_dim3A_548 = vector.broadcast %broadcast_in_dim3A_547 : f32 to vector<16xf32>
      %broadcast_in_dim3A_549 = arith.constant 1073741824 : i32
      %broadcast_in_dim3A_550 = vector.broadcast %broadcast_in_dim3A_549 : i32 to vector<16xi32>
      %scan3A_551 = arith.constant 0 : i32
      %scan3A_552 = arith.constant 128 : i32
      %scan3A_553 = arith.addi %scan3A_551, %scan3A_552 : i32
      %scan3A_554 = arith.constant 1 : i32
      %scan3A_555:2 = scf.for %scan3A_1480 = %scan3A_551 to %scan3A_553 step %scan3A_554 iter_args(%scan3A_1481 = %broadcast_in_dim3A_548, %scan3A_1482 = %broadcast_in_dim3A_550) -> (vector<16xf32>, vector<16xi32>)  : i32 {
        %mul3A_1483 = arith.constant 16 : i32
        %mul3A_1484 = arith.muli %scan3A_1480, %mul3A_1483 : i32
        %get3A_1485 = arith.index_cast %mul3A_1484 : i32 to index
        %get3A_1486 = tpu.vector_load %arg5[%get3A_1485] {strides = array<i32>} : memref<2048xf32, #tpu.memory_space<vmem>>, vector<16xf32>,
        %get3A_1487 = vector.shape_cast %get3A_1486 : vector<16xf32> to vector<16xf32>
        %mul3A_1488 = arith.constant 16 : i32
        %mul3A_1489 = arith.muli %scan3A_1480, %mul3A_1488 : i32
        %get3A_1490 = arith.index_cast %mul3A_1489 : i32 to index
        %get3A_1491 = tpu.vector_load %arg6[%get3A_1490] {strides = array<i32>} : memref<2048xi32, #tpu.memory_space<vmem>>, vector<16xi32>,
        %get3A_1492 = vector.shape_cast %get3A_1491 : vector<16xi32> to vector<16xi32>
        %gt3A_1493 = arith.cmpf ogt, %get3A_1487, %scan3A_1481 : vector<16xf32>
        %eq3A_1494 = arith.cmpf oeq, %get3A_1487, %scan3A_1481 : vector<16xf32>
        %lt3A_1495 = arith.cmpi slt, %get3A_1492, %scan3A_1482 : vector<16xi32>
        %and3A_1496 = arith.andi %eq3A_1494, %lt3A_1495 : vector<16xi1>
        %or3A_1497 = arith.ori %gt3A_1493, %and3A_1496 : vector<16xi1>
        %ne3A = vector.broadcast %select_n3A_273 : i32 to vector<16xi32>
        %ne3A_1498 = arith.cmpi ne, %get3A_1492, %ne3A : vector<16xi32>
        %and3A_1499 = arith.andi %or3A_1497, %ne3A_1498 : vector<16xi1>
        %ne3A_1500 = vector.broadcast %select_n3A_544 : i32 to vector<16xi32>
        %ne3A_1501 = arith.cmpi ne, %get3A_1492, %ne3A_1500 : vector<16xi32>
        %and3A_1502 = arith.andi %and3A_1499, %ne3A_1501 : vector<16xi1>
        %select_n3A_1503 = arith.select %and3A_1502, %get3A_1487, %scan3A_1481 : vector<16xi1>, vector<16xf32>
        %select_n3A_1504 = arith.select %and3A_1502, %get3A_1492, %scan3A_1482 : vector<16xi1>, vector<16xi32>
        scf.yield %select_n3A_1503, %select_n3A_1504 : vector<16xf32>, vector<16xi32>
      }
      %scan3A_556 = arith.constant 128 : i32
      %slice3A_557 = vector.extract_strided_slice %scan3A_555#0 {offsets = [0], sizes = [1], strides = [1]} : vector<16xf32> to vector<1xf32>
      %squeeze3A_558 = vector.extract %slice3A_557[0] : f32 from vector<1xf32>
      %slice3A_559 = vector.extract_strided_slice %scan3A_555#1 {offsets = [0], sizes = [1], strides = [1]} : vector<16xi32> to vector<1xi32>
      %squeeze3A_560 = vector.extract %slice3A_559[0] : i32 from vector<1xi32>
      %slice3A_561 = vector.extract_strided_slice %scan3A_555#0 {offsets = [1], sizes = [1], strides = [1]} : vector<16xf32> to vector<1xf32>
      %squeeze3A_562 = vector.extract %slice3A_561[0] : f32 from vector<1xf32>
      %gt3A_563 = arith.cmpf ogt, %squeeze3A_562, %squeeze3A_558 : f32
      %slice3A_564 = vector.extract_strided_slice %scan3A_555#0 {offsets = [1], sizes = [1], strides = [1]} : vector<16xf32> to vector<1xf32>
      %squeeze3A_565 = vector.extract %slice3A_564[0] : f32 from vector<1xf32>
      %eq3A_566 = arith.cmpf oeq, %squeeze3A_565, %squeeze3A_558 : f32
      %slice3A_567 = vector.extract_strided_slice %scan3A_555#1 {offsets = [1], sizes = [1], strides = [1]} : vector<16xi32> to vector<1xi32>
      %squeeze3A_568 = vector.extract %slice3A_567[0] : i32 from vector<1xi32>
      %lt3A_569 = arith.cmpi slt, %squeeze3A_568, %squeeze3A_560 : i32
      %and3A_570 = arith.andi %eq3A_566, %lt3A_569 : i1
      %or3A_571 = arith.ori %gt3A_563, %and3A_570 : i1
      %slice3A_572 = vector.extract_strided_slice %scan3A_555#0 {offsets = [1], sizes = [1], strides = [1]} : vector<16xf32> to vector<1xf32>
      %squeeze3A_573 = vector.extract %slice3A_572[0] : f32 from vector<1xf32>
      %select_n3A_574 = arith.select %or3A_571, %squeeze3A_573, %squeeze3A_558 : f32
      %slice3A_575 = vector.extract_strided_slice %scan3A_555#1 {offsets = [1], sizes = [1], strides = [1]} : vector<16xi32> to vector<1xi32>
      %squeeze3A_576 = vector.extract %slice3A_575[0] : i32 from vector<1xi32>
      %select_n3A_577 = arith.select %or3A_571, %squeeze3A_576, %squeeze3A_560 : i32
      %slice3A_578 = vector.extract_strided_slice %scan3A_555#0 {offsets = [2], sizes = [1], strides = [1]} : vector<16xf32> to vector<1xf32>
      %squeeze3A_579 = vector.extract %slice3A_578[0] : f32 from vector<1xf32>
      %gt3A_580 = arith.cmpf ogt, %squeeze3A_579, %select_n3A_574 : f32
      %slice3A_581 = vector.extract_strided_slice %scan3A_555#0 {offsets = [2], sizes = [1], strides = [1]} : vector<16xf32> to vector<1xf32>
      %squeeze3A_582 = vector.extract %slice3A_581[0] : f32 from vector<1xf32>
      %eq3A_583 = arith.cmpf oeq, %squeeze3A_582, %select_n3A_574 : f32
      %slice3A_584 = vector.extract_strided_slice %scan3A_555#1 {offsets = [2], sizes = [1], strides = [1]} : vector<16xi32> to vector<1xi32>
      %squeeze3A_585 = vector.extract %slice3A_584[0] : i32 from vector<1xi32>
      %lt3A_586 = arith.cmpi slt, %squeeze3A_585, %select_n3A_577 : i32
      %and3A_587 = arith.andi %eq3A_583, %lt3A_586 : i1
      %or3A_588 = arith.ori %gt3A_580, %and3A_587 : i1
      %slice3A_589 = vector.extract_strided_slice %scan3A_555#0 {offsets = [2], sizes = [1], strides = [1]} : vector<16xf32> to vector<1xf32>
      %squeeze3A_590 = vector.extract %slice3A_589[0] : f32 from vector<1xf32>
      %select_n3A_591 = arith.select %or3A_588, %squeeze3A_590, %select_n3A_574 : f32
      %slice3A_592 = vector.extract_strided_slice %scan3A_555#1 {offsets = [2], sizes = [1], strides = [1]} : vector<16xi32> to vector<1xi32>
      %squeeze3A_593 = vector.extract %slice3A_592[0] : i32 from vector<1xi32>
      %select_n3A_594 = arith.select %or3A_588, %squeeze3A_593, %select_n3A_577 : i32
      %slice3A_595 = vector.extract_strided_slice %scan3A_555#0 {offsets = [3], sizes = [1], strides = [1]} : vector<16xf32> to vector<1xf32>
      %squeeze3A_596 = vector.extract %slice3A_595[0] : f32 from vector<1xf32>
      %gt3A_597 = arith.cmpf ogt, %squeeze3A_596, %select_n3A_591 : f32
      %slice3A_598 = vector.extract_strided_slice %scan3A_555#0 {offsets = [3], sizes = [1], strides = [1]} : vector<16xf32> to vector<1xf32>
      %squeeze3A_599 = vector.extract %slice3A_598[0] : f32 from vector<1xf32>
      %eq3A_600 = arith.cmpf oeq, %squeeze3A_599, %select_n3A_591 : f32
      %slice3A_601 = vector.extract_strided_slice %scan3A_555#1 {offsets = [3], sizes = [1], strides = [1]} : vector<16xi32> to vector<1xi32>
      %squeeze3A_602 = vector.extract %slice3A_601[0] : i32 from vector<1xi32>
      %lt3A_603 = arith.cmpi slt, %squeeze3A_602, %select_n3A_594 : i32
      %and3A_604 = arith.andi %eq3A_600, %lt3A_603 : i1
      %or3A_605 = arith.ori %gt3A_597, %and3A_604 : i1
      %slice3A_606 = vector.extract_strided_slice %scan3A_555#0 {offsets = [3], sizes = [1], strides = [1]} : vector<16xf32> to vector<1xf32>
      %squeeze3A_607 = vector.extract %slice3A_606[0] : f32 from vector<1xf32>
      %select_n3A_608 = arith.select %or3A_605, %squeeze3A_607, %select_n3A_591 : f32
      %slice3A_609 = vector.extract_strided_slice %scan3A_555#1 {offsets = [3], sizes = [1], strides = [1]} : vector<16xi32> to vector<1xi32>
      %squeeze3A_610 = vector.extract %slice3A_609[0] : i32 from vector<1xi32>
      %select_n3A_611 = arith.select %or3A_605, %squeeze3A_610, %select_n3A_594 : i32
      %slice3A_612 = vector.extract_strided_slice %scan3A_555#0 {offsets = [4], sizes = [1], strides = [1]} : vector<16xf32> to vector<1xf32>
      %squeeze3A_613 = vector.extract %slice3A_612[0] : f32 from vector<1xf32>
      %gt3A_614 = arith.cmpf ogt, %squeeze3A_613, %select_n3A_608 : f32
      %slice3A_615 = vector.extract_strided_slice %scan3A_555#0 {offsets = [4], sizes = [1], strides = [1]} : vector<16xf32> to vector<1xf32>
      %squeeze3A_616 = vector.extract %slice3A_615[0] : f32 from vector<1xf32>
      %eq3A_617 = arith.cmpf oeq, %squeeze3A_616, %select_n3A_608 : f32
      %slice3A_618 = vector.extract_strided_slice %scan3A_555#1 {offsets = [4], sizes = [1], strides = [1]} : vector<16xi32> to vector<1xi32>
      %squeeze3A_619 = vector.extract %slice3A_618[0] : i32 from vector<1xi32>
      %lt3A_620 = arith.cmpi slt, %squeeze3A_619, %select_n3A_611 : i32
      %and3A_621 = arith.andi %eq3A_617, %lt3A_620 : i1
      %or3A_622 = arith.ori %gt3A_614, %and3A_621 : i1
      %slice3A_623 = vector.extract_strided_slice %scan3A_555#0 {offsets = [4], sizes = [1], strides = [1]} : vector<16xf32> to vector<1xf32>
      %squeeze3A_624 = vector.extract %slice3A_623[0] : f32 from vector<1xf32>
      %select_n3A_625 = arith.select %or3A_622, %squeeze3A_624, %select_n3A_608 : f32
      %slice3A_626 = vector.extract_strided_slice %scan3A_555#1 {offsets = [4], sizes = [1], strides = [1]} : vector<16xi32> to vector<1xi32>
      %squeeze3A_627 = vector.extract %slice3A_626[0] : i32 from vector<1xi32>
      %select_n3A_628 = arith.select %or3A_622, %squeeze3A_627, %select_n3A_611 : i32
      %slice3A_629 = vector.extract_strided_slice %scan3A_555#0 {offsets = [5], sizes = [1], strides = [1]} : vector<16xf32> to vector<1xf32>
      %squeeze3A_630 = vector.extract %slice3A_629[0] : f32 from vector<1xf32>
      %gt3A_631 = arith.cmpf ogt, %squeeze3A_630, %select_n3A_625 : f32
      %slice3A_632 = vector.extract_strided_slice %scan3A_555#0 {offsets = [5], sizes = [1], strides = [1]} : vector<16xf32> to vector<1xf32>
      %squeeze3A_633 = vector.extract %slice3A_632[0] : f32 from vector<1xf32>
      %eq3A_634 = arith.cmpf oeq, %squeeze3A_633, %select_n3A_625 : f32
      %slice3A_635 = vector.extract_strided_slice %scan3A_555#1 {offsets = [5], sizes = [1], strides = [1]} : vector<16xi32> to vector<1xi32>
      %squeeze3A_636 = vector.extract %slice3A_635[0] : i32 from vector<1xi32>
      %lt3A_637 = arith.cmpi slt, %squeeze3A_636, %select_n3A_628 : i32
      %and3A_638 = arith.andi %eq3A_634, %lt3A_637 : i1
      %or3A_639 = arith.ori %gt3A_631, %and3A_638 : i1
      %slice3A_640 = vector.extract_strided_slice %scan3A_555#0 {offsets = [5], sizes = [1], strides = [1]} : vector<16xf32> to vector<1xf32>
      %squeeze3A_641 = vector.extract %slice3A_640[0] : f32 from vector<1xf32>
      %select_n3A_642 = arith.select %or3A_639, %squeeze3A_641, %select_n3A_625 : f32
      %slice3A_643 = vector.extract_strided_slice %scan3A_555#1 {offsets = [5], sizes = [1], strides = [1]} : vector<16xi32> to vector<1xi32>
      %squeeze3A_644 = vector.extract %slice3A_643[0] : i32 from vector<1xi32>
      %select_n3A_645 = arith.select %or3A_639, %squeeze3A_644, %select_n3A_628 : i32
      %slice3A_646 = vector.extract_strided_slice %scan3A_555#0 {offsets = [6], sizes = [1], strides = [1]} : vector<16xf32> to vector<1xf32>
      %squeeze3A_647 = vector.extract %slice3A_646[0] : f32 from vector<1xf32>
      %gt3A_648 = arith.cmpf ogt, %squeeze3A_647, %select_n3A_642 : f32
      %slice3A_649 = vector.extract_strided_slice %scan3A_555#0 {offsets = [6], sizes = [1], strides = [1]} : vector<16xf32> to vector<1xf32>
      %squeeze3A_650 = vector.extract %slice3A_649[0] : f32 from vector<1xf32>
      %eq3A_651 = arith.cmpf oeq, %squeeze3A_650, %select_n3A_642 : f32
      %slice3A_652 = vector.extract_strided_slice %scan3A_555#1 {offsets = [6], sizes = [1], strides = [1]} : vector<16xi32> to vector<1xi32>
      %squeeze3A_653 = vector.extract %slice3A_652[0] : i32 from vector<1xi32>
      %lt3A_654 = arith.cmpi slt, %squeeze3A_653, %select_n3A_645 : i32
      %and3A_655 = arith.andi %eq3A_651, %lt3A_654 : i1
      %or3A_656 = arith.ori %gt3A_648, %and3A_655 : i1
      %slice3A_657 = vector.extract_strided_slice %scan3A_555#0 {offsets = [6], sizes = [1], strides = [1]} : vector<16xf32> to vector<1xf32>
      %squeeze3A_658 = vector.extract %slice3A_657[0] : f32 from vector<1xf32>
      %select_n3A_659 = arith.select %or3A_656, %squeeze3A_658, %select_n3A_642 : f32
      %slice3A_660 = vector.extract_strided_slice %scan3A_555#1 {offsets = [6], sizes = [1], strides = [1]} : vector<16xi32> to vector<1xi32>
      %squeeze3A_661 = vector.extract %slice3A_660[0] : i32 from vector<1xi32>
      %select_n3A_662 = arith.select %or3A_656, %squeeze3A_661, %select_n3A_645 : i32
      %slice3A_663 = vector.extract_strided_slice %scan3A_555#0 {offsets = [7], sizes = [1], strides = [1]} : vector<16xf32> to vector<1xf32>
      %squeeze3A_664 = vector.extract %slice3A_663[0] : f32 from vector<1xf32>
      %gt3A_665 = arith.cmpf ogt, %squeeze3A_664, %select_n3A_659 : f32
      %slice3A_666 = vector.extract_strided_slice %scan3A_555#0 {offsets = [7], sizes = [1], strides = [1]} : vector<16xf32> to vector<1xf32>
      %squeeze3A_667 = vector.extract %slice3A_666[0] : f32 from vector<1xf32>
      %eq3A_668 = arith.cmpf oeq, %squeeze3A_667, %select_n3A_659 : f32
      %slice3A_669 = vector.extract_strided_slice %scan3A_555#1 {offsets = [7], sizes = [1], strides = [1]} : vector<16xi32> to vector<1xi32>
      %squeeze3A_670 = vector.extract %slice3A_669[0] : i32 from vector<1xi32>
      %lt3A_671 = arith.cmpi slt, %squeeze3A_670, %select_n3A_662 : i32
      %and3A_672 = arith.andi %eq3A_668, %lt3A_671 : i1
      %or3A_673 = arith.ori %gt3A_665, %and3A_672 : i1
      %slice3A_674 = vector.extract_strided_slice %scan3A_555#0 {offsets = [7], sizes = [1], strides = [1]} : vector<16xf32> to vector<1xf32>
      %squeeze3A_675 = vector.extract %slice3A_674[0] : f32 from vector<1xf32>
      %select_n3A_676 = arith.select %or3A_673, %squeeze3A_675, %select_n3A_659 : f32
      %slice3A_677 = vector.extract_strided_slice %scan3A_555#1 {offsets = [7], sizes = [1], strides = [1]} : vector<16xi32> to vector<1xi32>
      %squeeze3A_678 = vector.extract %slice3A_677[0] : i32 from vector<1xi32>
      %select_n3A_679 = arith.select %or3A_673, %squeeze3A_678, %select_n3A_662 : i32
      %slice3A_680 = vector.extract_strided_slice %scan3A_555#0 {offsets = [8], sizes = [1], strides = [1]} : vector<16xf32> to vector<1xf32>
      %squeeze3A_681 = vector.extract %slice3A_680[0] : f32 from vector<1xf32>
      %gt3A_682 = arith.cmpf ogt, %squeeze3A_681, %select_n3A_676 : f32
      %slice3A_683 = vector.extract_strided_slice %scan3A_555#0 {offsets = [8], sizes = [1], strides = [1]} : vector<16xf32> to vector<1xf32>
      %squeeze3A_684 = vector.extract %slice3A_683[0] : f32 from vector<1xf32>
      %eq3A_685 = arith.cmpf oeq, %squeeze3A_684, %select_n3A_676 : f32
      %slice3A_686 = vector.extract_strided_slice %scan3A_555#1 {offsets = [8], sizes = [1], strides = [1]} : vector<16xi32> to vector<1xi32>
      %squeeze3A_687 = vector.extract %slice3A_686[0] : i32 from vector<1xi32>
      %lt3A_688 = arith.cmpi slt, %squeeze3A_687, %select_n3A_679 : i32
      %and3A_689 = arith.andi %eq3A_685, %lt3A_688 : i1
      %or3A_690 = arith.ori %gt3A_682, %and3A_689 : i1
      %slice3A_691 = vector.extract_strided_slice %scan3A_555#0 {offsets = [8], sizes = [1], strides = [1]} : vector<16xf32> to vector<1xf32>
      %squeeze3A_692 = vector.extract %slice3A_691[0] : f32 from vector<1xf32>
      %select_n3A_693 = arith.select %or3A_690, %squeeze3A_692, %select_n3A_676 : f32
      %slice3A_694 = vector.extract_strided_slice %scan3A_555#1 {offsets = [8], sizes = [1], strides = [1]} : vector<16xi32> to vector<1xi32>
      %squeeze3A_695 = vector.extract %slice3A_694[0] : i32 from vector<1xi32>
      %select_n3A_696 = arith.select %or3A_690, %squeeze3A_695, %select_n3A_679 : i32
      %slice3A_697 = vector.extract_strided_slice %scan3A_555#0 {offsets = [9], sizes = [1], strides = [1]} : vector<16xf32> to vector<1xf32>
      %squeeze3A_698 = vector.extract %slice3A_697[0] : f32 from vector<1xf32>
      %gt3A_699 = arith.cmpf ogt, %squeeze3A_698, %select_n3A_693 : f32
      %slice3A_700 = vector.extract_strided_slice %scan3A_555#0 {offsets = [9], sizes = [1], strides = [1]} : vector<16xf32> to vector<1xf32>
      %squeeze3A_701 = vector.extract %slice3A_700[0] : f32 from vector<1xf32>
      %eq3A_702 = arith.cmpf oeq, %squeeze3A_701, %select_n3A_693 : f32
      %slice3A_703 = vector.extract_strided_slice %scan3A_555#1 {offsets = [9], sizes = [1], strides = [1]} : vector<16xi32> to vector<1xi32>
      %squeeze3A_704 = vector.extract %slice3A_703[0] : i32 from vector<1xi32>
      %lt3A_705 = arith.cmpi slt, %squeeze3A_704, %select_n3A_696 : i32
      %and3A_706 = arith.andi %eq3A_702, %lt3A_705 : i1
      %or3A_707 = arith.ori %gt3A_699, %and3A_706 : i1
      %slice3A_708 = vector.extract_strided_slice %scan3A_555#0 {offsets = [9], sizes = [1], strides = [1]} : vector<16xf32> to vector<1xf32>
      %squeeze3A_709 = vector.extract %slice3A_708[0] : f32 from vector<1xf32>
      %select_n3A_710 = arith.select %or3A_707, %squeeze3A_709, %select_n3A_693 : f32
      %slice3A_711 = vector.extract_strided_slice %scan3A_555#1 {offsets = [9], sizes = [1], strides = [1]} : vector<16xi32> to vector<1xi32>
      %squeeze3A_712 = vector.extract %slice3A_711[0] : i32 from vector<1xi32>
      %select_n3A_713 = arith.select %or3A_707, %squeeze3A_712, %select_n3A_696 : i32
      %slice3A_714 = vector.extract_strided_slice %scan3A_555#0 {offsets = [10], sizes = [1], strides = [1]} : vector<16xf32> to vector<1xf32>
      %squeeze3A_715 = vector.extract %slice3A_714[0] : f32 from vector<1xf32>
      %gt3A_716 = arith.cmpf ogt, %squeeze3A_715, %select_n3A_710 : f32
      %slice3A_717 = vector.extract_strided_slice %scan3A_555#0 {offsets = [10], sizes = [1], strides = [1]} : vector<16xf32> to vector<1xf32>
      %squeeze3A_718 = vector.extract %slice3A_717[0] : f32 from vector<1xf32>
      %eq3A_719 = arith.cmpf oeq, %squeeze3A_718, %select_n3A_710 : f32
      %slice3A_720 = vector.extract_strided_slice %scan3A_555#1 {offsets = [10], sizes = [1], strides = [1]} : vector<16xi32> to vector<1xi32>
      %squeeze3A_721 = vector.extract %slice3A_720[0] : i32 from vector<1xi32>
      %lt3A_722 = arith.cmpi slt, %squeeze3A_721, %select_n3A_713 : i32
      %and3A_723 = arith.andi %eq3A_719, %lt3A_722 : i1
      %or3A_724 = arith.ori %gt3A_716, %and3A_723 : i1
      %slice3A_725 = vector.extract_strided_slice %scan3A_555#0 {offsets = [10], sizes = [1], strides = [1]} : vector<16xf32> to vector<1xf32>
      %squeeze3A_726 = vector.extract %slice3A_725[0] : f32 from vector<1xf32>
      %select_n3A_727 = arith.select %or3A_724, %squeeze3A_726, %select_n3A_710 : f32
      %slice3A_728 = vector.extract_strided_slice %scan3A_555#1 {offsets = [10], sizes = [1], strides = [1]} : vector<16xi32> to vector<1xi32>
      %squeeze3A_729 = vector.extract %slice3A_728[0] : i32 from vector<1xi32>
      %select_n3A_730 = arith.select %or3A_724, %squeeze3A_729, %select_n3A_713 : i32
      %slice3A_731 = vector.extract_strided_slice %scan3A_555#0 {offsets = [11], sizes = [1], strides = [1]} : vector<16xf32> to vector<1xf32>
      %squeeze3A_732 = vector.extract %slice3A_731[0] : f32 from vector<1xf32>
      %gt3A_733 = arith.cmpf ogt, %squeeze3A_732, %select_n3A_727 : f32
      %slice3A_734 = vector.extract_strided_slice %scan3A_555#0 {offsets = [11], sizes = [1], strides = [1]} : vector<16xf32> to vector<1xf32>
      %squeeze3A_735 = vector.extract %slice3A_734[0] : f32 from vector<1xf32>
      %eq3A_736 = arith.cmpf oeq, %squeeze3A_735, %select_n3A_727 : f32
      %slice3A_737 = vector.extract_strided_slice %scan3A_555#1 {offsets = [11], sizes = [1], strides = [1]} : vector<16xi32> to vector<1xi32>
      %squeeze3A_738 = vector.extract %slice3A_737[0] : i32 from vector<1xi32>
      %lt3A_739 = arith.cmpi slt, %squeeze3A_738, %select_n3A_730 : i32
      %and3A_740 = arith.andi %eq3A_736, %lt3A_739 : i1
      %or3A_741 = arith.ori %gt3A_733, %and3A_740 : i1
      %slice3A_742 = vector.extract_strided_slice %scan3A_555#0 {offsets = [11], sizes = [1], strides = [1]} : vector<16xf32> to vector<1xf32>
      %squeeze3A_743 = vector.extract %slice3A_742[0] : f32 from vector<1xf32>
      %select_n3A_744 = arith.select %or3A_741, %squeeze3A_743, %select_n3A_727 : f32
      %slice3A_745 = vector.extract_strided_slice %scan3A_555#1 {offsets = [11], sizes = [1], strides = [1]} : vector<16xi32> to vector<1xi32>
      %squeeze3A_746 = vector.extract %slice3A_745[0] : i32 from vector<1xi32>
      %select_n3A_747 = arith.select %or3A_741, %squeeze3A_746, %select_n3A_730 : i32
      %slice3A_748 = vector.extract_strided_slice %scan3A_555#0 {offsets = [12], sizes = [1], strides = [1]} : vector<16xf32> to vector<1xf32>
      %squeeze3A_749 = vector.extract %slice3A_748[0] : f32 from vector<1xf32>
      %gt3A_750 = arith.cmpf ogt, %squeeze3A_749, %select_n3A_744 : f32
      %slice3A_751 = vector.extract_strided_slice %scan3A_555#0 {offsets = [12], sizes = [1], strides = [1]} : vector<16xf32> to vector<1xf32>
      %squeeze3A_752 = vector.extract %slice3A_751[0] : f32 from vector<1xf32>
      %eq3A_753 = arith.cmpf oeq, %squeeze3A_752, %select_n3A_744 : f32
      %slice3A_754 = vector.extract_strided_slice %scan3A_555#1 {offsets = [12], sizes = [1], strides = [1]} : vector<16xi32> to vector<1xi32>
      %squeeze3A_755 = vector.extract %slice3A_754[0] : i32 from vector<1xi32>
      %lt3A_756 = arith.cmpi slt, %squeeze3A_755, %select_n3A_747 : i32
      %and3A_757 = arith.andi %eq3A_753, %lt3A_756 : i1
      %or3A_758 = arith.ori %gt3A_750, %and3A_757 : i1
      %slice3A_759 = vector.extract_strided_slice %scan3A_555#0 {offsets = [12], sizes = [1], strides = [1]} : vector<16xf32> to vector<1xf32>
      %squeeze3A_760 = vector.extract %slice3A_759[0] : f32 from vector<1xf32>
      %select_n3A_761 = arith.select %or3A_758, %squeeze3A_760, %select_n3A_744 : f32
      %slice3A_762 = vector.extract_strided_slice %scan3A_555#1 {offsets = [12], sizes = [1], strides = [1]} : vector<16xi32> to vector<1xi32>
      %squeeze3A_763 = vector.extract %slice3A_762[0] : i32 from vector<1xi32>
      %select_n3A_764 = arith.select %or3A_758, %squeeze3A_763, %select_n3A_747 : i32
      %slice3A_765 = vector.extract_strided_slice %scan3A_555#0 {offsets = [13], sizes = [1], strides = [1]} : vector<16xf32> to vector<1xf32>
      %squeeze3A_766 = vector.extract %slice3A_765[0] : f32 from vector<1xf32>
      %gt3A_767 = arith.cmpf ogt, %squeeze3A_766, %select_n3A_761 : f32
      %slice3A_768 = vector.extract_strided_slice %scan3A_555#0 {offsets = [13], sizes = [1], strides = [1]} : vector<16xf32> to vector<1xf32>
      %squeeze3A_769 = vector.extract %slice3A_768[0] : f32 from vector<1xf32>
      %eq3A_770 = arith.cmpf oeq, %squeeze3A_769, %select_n3A_761 : f32
      %slice3A_771 = vector.extract_strided_slice %scan3A_555#1 {offsets = [13], sizes = [1], strides = [1]} : vector<16xi32> to vector<1xi32>
      %squeeze3A_772 = vector.extract %slice3A_771[0] : i32 from vector<1xi32>
      %lt3A_773 = arith.cmpi slt, %squeeze3A_772, %select_n3A_764 : i32
      %and3A_774 = arith.andi %eq3A_770, %lt3A_773 : i1
      %or3A_775 = arith.ori %gt3A_767, %and3A_774 : i1
      %slice3A_776 = vector.extract_strided_slice %scan3A_555#0 {offsets = [13], sizes = [1], strides = [1]} : vector<16xf32> to vector<1xf32>
      %squeeze3A_777 = vector.extract %slice3A_776[0] : f32 from vector<1xf32>
      %select_n3A_778 = arith.select %or3A_775, %squeeze3A_777, %select_n3A_761 : f32
      %slice3A_779 = vector.extract_strided_slice %scan3A_555#1 {offsets = [13], sizes = [1], strides = [1]} : vector<16xi32> to vector<1xi32>
      %squeeze3A_780 = vector.extract %slice3A_779[0] : i32 from vector<1xi32>
      %select_n3A_781 = arith.select %or3A_775, %squeeze3A_780, %select_n3A_764 : i32
      %slice3A_782 = vector.extract_strided_slice %scan3A_555#0 {offsets = [14], sizes = [1], strides = [1]} : vector<16xf32> to vector<1xf32>
      %squeeze3A_783 = vector.extract %slice3A_782[0] : f32 from vector<1xf32>
      %gt3A_784 = arith.cmpf ogt, %squeeze3A_783, %select_n3A_778 : f32
      %slice3A_785 = vector.extract_strided_slice %scan3A_555#0 {offsets = [14], sizes = [1], strides = [1]} : vector<16xf32> to vector<1xf32>
      %squeeze3A_786 = vector.extract %slice3A_785[0] : f32 from vector<1xf32>
      %eq3A_787 = arith.cmpf oeq, %squeeze3A_786, %select_n3A_778 : f32
      %slice3A_788 = vector.extract_strided_slice %scan3A_555#1 {offsets = [14], sizes = [1], strides = [1]} : vector<16xi32> to vector<1xi32>
      %squeeze3A_789 = vector.extract %slice3A_788[0] : i32 from vector<1xi32>
      %lt3A_790 = arith.cmpi slt, %squeeze3A_789, %select_n3A_781 : i32
      %and3A_791 = arith.andi %eq3A_787, %lt3A_790 : i1
      %or3A_792 = arith.ori %gt3A_784, %and3A_791 : i1
      %slice3A_793 = vector.extract_strided_slice %scan3A_555#0 {offsets = [14], sizes = [1], strides = [1]} : vector<16xf32> to vector<1xf32>
      %squeeze3A_794 = vector.extract %slice3A_793[0] : f32 from vector<1xf32>
      %select_n3A_795 = arith.select %or3A_792, %squeeze3A_794, %select_n3A_778 : f32
      %slice3A_796 = vector.extract_strided_slice %scan3A_555#1 {offsets = [14], sizes = [1], strides = [1]} : vector<16xi32> to vector<1xi32>
      %squeeze3A_797 = vector.extract %slice3A_796[0] : i32 from vector<1xi32>
      %select_n3A_798 = arith.select %or3A_792, %squeeze3A_797, %select_n3A_781 : i32
      %slice3A_799 = vector.extract_strided_slice %scan3A_555#0 {offsets = [15], sizes = [1], strides = [1]} : vector<16xf32> to vector<1xf32>
      %squeeze3A_800 = vector.extract %slice3A_799[0] : f32 from vector<1xf32>
      %gt3A_801 = arith.cmpf ogt, %squeeze3A_800, %select_n3A_795 : f32
      %slice3A_802 = vector.extract_strided_slice %scan3A_555#0 {offsets = [15], sizes = [1], strides = [1]} : vector<16xf32> to vector<1xf32>
      %squeeze3A_803 = vector.extract %slice3A_802[0] : f32 from vector<1xf32>
      %eq3A_804 = arith.cmpf oeq, %squeeze3A_803, %select_n3A_795 : f32
      %slice3A_805 = vector.extract_strided_slice %scan3A_555#1 {offsets = [15], sizes = [1], strides = [1]} : vector<16xi32> to vector<1xi32>
      %squeeze3A_806 = vector.extract %slice3A_805[0] : i32 from vector<1xi32>
      %lt3A_807 = arith.cmpi slt, %squeeze3A_806, %select_n3A_798 : i32
      %and3A_808 = arith.andi %eq3A_804, %lt3A_807 : i1
      %or3A_809 = arith.ori %gt3A_801, %and3A_808 : i1
      %slice3A_810 = vector.extract_strided_slice %scan3A_555#0 {offsets = [15], sizes = [1], strides = [1]} : vector<16xf32> to vector<1xf32>
      %squeeze3A_811 = vector.extract %slice3A_810[0] : f32 from vector<1xf32>
      %select_n3A_812 = arith.select %or3A_809, %squeeze3A_811, %select_n3A_795 : f32
      %slice3A_813 = vector.extract_strided_slice %scan3A_555#1 {offsets = [15], sizes = [1], strides = [1]} : vector<16xi32> to vector<1xi32>
      %squeeze3A_814 = vector.extract %slice3A_813[0] : i32 from vector<1xi32>
      %select_n3A_815 = arith.select %or3A_809, %squeeze3A_814, %select_n3A_798 : i32
      %and3A_816 = arith.constant 127 : i32
      %and3A_817 = arith.andi %select_n3A_815, %and3A_816 : i32
      %broadcast_in_dim3A_818 = arith.constant -3.000000e+00 : f32
      %broadcast_in_dim3A_819 = vector.broadcast %broadcast_in_dim3A_818 : f32 to vector<16xf32>
      %broadcast_in_dim3A_820 = arith.constant 1073741824 : i32
      %broadcast_in_dim3A_821 = vector.broadcast %broadcast_in_dim3A_820 : i32 to vector<16xi32>
      %scan3A_822 = arith.constant 0 : i32
      %scan3A_823 = arith.constant 128 : i32
      %scan3A_824 = arith.addi %scan3A_822, %scan3A_823 : i32
      %scan3A_825 = arith.constant 1 : i32
      %scan3A_826:2 = scf.for %scan3A_1480 = %scan3A_822 to %scan3A_824 step %scan3A_825 iter_args(%scan3A_1481 = %broadcast_in_dim3A_819, %scan3A_1482 = %broadcast_in_dim3A_821) -> (vector<16xf32>, vector<16xi32>)  : i32 {
        %mul3A_1483 = arith.constant 16 : i32
        %mul3A_1484 = arith.muli %scan3A_1480, %mul3A_1483 : i32
        %get3A_1485 = arith.index_cast %mul3A_1484 : i32 to index
        %get3A_1486 = tpu.vector_load %arg5[%get3A_1485] {strides = array<i32>} : memref<2048xf32, #tpu.memory_space<vmem>>, vector<16xf32>,
        %get3A_1487 = vector.shape_cast %get3A_1486 : vector<16xf32> to vector<16xf32>
        %mul3A_1488 = arith.constant 16 : i32
        %mul3A_1489 = arith.muli %scan3A_1480, %mul3A_1488 : i32
        %get3A_1490 = arith.index_cast %mul3A_1489 : i32 to index
        %get3A_1491 = tpu.vector_load %arg6[%get3A_1490] {strides = array<i32>} : memref<2048xi32, #tpu.memory_space<vmem>>, vector<16xi32>,
        %get3A_1492 = vector.shape_cast %get3A_1491 : vector<16xi32> to vector<16xi32>
        %gt3A_1493 = arith.cmpf ogt, %get3A_1487, %scan3A_1481 : vector<16xf32>
        %eq3A_1494 = arith.cmpf oeq, %get3A_1487, %scan3A_1481 : vector<16xf32>
        %lt3A_1495 = arith.cmpi slt, %get3A_1492, %scan3A_1482 : vector<16xi32>
        %and3A_1496 = arith.andi %eq3A_1494, %lt3A_1495 : vector<16xi1>
        %or3A_1497 = arith.ori %gt3A_1493, %and3A_1496 : vector<16xi1>
        %ne3A = vector.broadcast %select_n3A_273 : i32 to vector<16xi32>
        %ne3A_1498 = arith.cmpi ne, %get3A_1492, %ne3A : vector<16xi32>
        %and3A_1499 = arith.andi %or3A_1497, %ne3A_1498 : vector<16xi1>
        %ne3A_1500 = vector.broadcast %select_n3A_544 : i32 to vector<16xi32>
        %ne3A_1501 = arith.cmpi ne, %get3A_1492, %ne3A_1500 : vector<16xi32>
        %and3A_1502 = arith.andi %and3A_1499, %ne3A_1501 : vector<16xi1>
        %ne3A_1503 = vector.broadcast %select_n3A_815 : i32 to vector<16xi32>
        %ne3A_1504 = arith.cmpi ne, %get3A_1492, %ne3A_1503 : vector<16xi32>
        %and3A_1505 = arith.andi %and3A_1502, %ne3A_1504 : vector<16xi1>
        %select_n3A_1506 = arith.select %and3A_1505, %get3A_1487, %scan3A_1481 : vector<16xi1>, vector<16xf32>
        %select_n3A_1507 = arith.select %and3A_1505, %get3A_1492, %scan3A_1482 : vector<16xi1>, vector<16xi32>
        scf.yield %select_n3A_1506, %select_n3A_1507 : vector<16xf32>, vector<16xi32>
      }
      %scan3A_827 = arith.constant 128 : i32
      %slice3A_828 = vector.extract_strided_slice %scan3A_826#0 {offsets = [0], sizes = [1], strides = [1]} : vector<16xf32> to vector<1xf32>
      %squeeze3A_829 = vector.extract %slice3A_828[0] : f32 from vector<1xf32>
      %slice3A_830 = vector.extract_strided_slice %scan3A_826#1 {offsets = [0], sizes = [1], strides = [1]} : vector<16xi32> to vector<1xi32>
      %squeeze3A_831 = vector.extract %slice3A_830[0] : i32 from vector<1xi32>
      %slice3A_832 = vector.extract_strided_slice %scan3A_826#0 {offsets = [1], sizes = [1], strides = [1]} : vector<16xf32> to vector<1xf32>
      %squeeze3A_833 = vector.extract %slice3A_832[0] : f32 from vector<1xf32>
      %gt3A_834 = arith.cmpf ogt, %squeeze3A_833, %squeeze3A_829 : f32
      %slice3A_835 = vector.extract_strided_slice %scan3A_826#0 {offsets = [1], sizes = [1], strides = [1]} : vector<16xf32> to vector<1xf32>
      %squeeze3A_836 = vector.extract %slice3A_835[0] : f32 from vector<1xf32>
      %eq3A_837 = arith.cmpf oeq, %squeeze3A_836, %squeeze3A_829 : f32
      %slice3A_838 = vector.extract_strided_slice %scan3A_826#1 {offsets = [1], sizes = [1], strides = [1]} : vector<16xi32> to vector<1xi32>
      %squeeze3A_839 = vector.extract %slice3A_838[0] : i32 from vector<1xi32>
      %lt3A_840 = arith.cmpi slt, %squeeze3A_839, %squeeze3A_831 : i32
      %and3A_841 = arith.andi %eq3A_837, %lt3A_840 : i1
      %or3A_842 = arith.ori %gt3A_834, %and3A_841 : i1
      %slice3A_843 = vector.extract_strided_slice %scan3A_826#0 {offsets = [1], sizes = [1], strides = [1]} : vector<16xf32> to vector<1xf32>
      %squeeze3A_844 = vector.extract %slice3A_843[0] : f32 from vector<1xf32>
      %select_n3A_845 = arith.select %or3A_842, %squeeze3A_844, %squeeze3A_829 : f32
      %slice3A_846 = vector.extract_strided_slice %scan3A_826#1 {offsets = [1], sizes = [1], strides = [1]} : vector<16xi32> to vector<1xi32>
      %squeeze3A_847 = vector.extract %slice3A_846[0] : i32 from vector<1xi32>
      %select_n3A_848 = arith.select %or3A_842, %squeeze3A_847, %squeeze3A_831 : i32
      %slice3A_849 = vector.extract_strided_slice %scan3A_826#0 {offsets = [2], sizes = [1], strides = [1]} : vector<16xf32> to vector<1xf32>
      %squeeze3A_850 = vector.extract %slice3A_849[0] : f32 from vector<1xf32>
      %gt3A_851 = arith.cmpf ogt, %squeeze3A_850, %select_n3A_845 : f32
      %slice3A_852 = vector.extract_strided_slice %scan3A_826#0 {offsets = [2], sizes = [1], strides = [1]} : vector<16xf32> to vector<1xf32>
      %squeeze3A_853 = vector.extract %slice3A_852[0] : f32 from vector<1xf32>
      %eq3A_854 = arith.cmpf oeq, %squeeze3A_853, %select_n3A_845 : f32
      %slice3A_855 = vector.extract_strided_slice %scan3A_826#1 {offsets = [2], sizes = [1], strides = [1]} : vector<16xi32> to vector<1xi32>
      %squeeze3A_856 = vector.extract %slice3A_855[0] : i32 from vector<1xi32>
      %lt3A_857 = arith.cmpi slt, %squeeze3A_856, %select_n3A_848 : i32
      %and3A_858 = arith.andi %eq3A_854, %lt3A_857 : i1
      %or3A_859 = arith.ori %gt3A_851, %and3A_858 : i1
      %slice3A_860 = vector.extract_strided_slice %scan3A_826#0 {offsets = [2], sizes = [1], strides = [1]} : vector<16xf32> to vector<1xf32>
      %squeeze3A_861 = vector.extract %slice3A_860[0] : f32 from vector<1xf32>
      %select_n3A_862 = arith.select %or3A_859, %squeeze3A_861, %select_n3A_845 : f32
      %slice3A_863 = vector.extract_strided_slice %scan3A_826#1 {offsets = [2], sizes = [1], strides = [1]} : vector<16xi32> to vector<1xi32>
      %squeeze3A_864 = vector.extract %slice3A_863[0] : i32 from vector<1xi32>
      %select_n3A_865 = arith.select %or3A_859, %squeeze3A_864, %select_n3A_848 : i32
      %slice3A_866 = vector.extract_strided_slice %scan3A_826#0 {offsets = [3], sizes = [1], strides = [1]} : vector<16xf32> to vector<1xf32>
      %squeeze3A_867 = vector.extract %slice3A_866[0] : f32 from vector<1xf32>
      %gt3A_868 = arith.cmpf ogt, %squeeze3A_867, %select_n3A_862 : f32
      %slice3A_869 = vector.extract_strided_slice %scan3A_826#0 {offsets = [3], sizes = [1], strides = [1]} : vector<16xf32> to vector<1xf32>
      %squeeze3A_870 = vector.extract %slice3A_869[0] : f32 from vector<1xf32>
      %eq3A_871 = arith.cmpf oeq, %squeeze3A_870, %select_n3A_862 : f32
      %slice3A_872 = vector.extract_strided_slice %scan3A_826#1 {offsets = [3], sizes = [1], strides = [1]} : vector<16xi32> to vector<1xi32>
      %squeeze3A_873 = vector.extract %slice3A_872[0] : i32 from vector<1xi32>
      %lt3A_874 = arith.cmpi slt, %squeeze3A_873, %select_n3A_865 : i32
      %and3A_875 = arith.andi %eq3A_871, %lt3A_874 : i1
      %or3A_876 = arith.ori %gt3A_868, %and3A_875 : i1
      %slice3A_877 = vector.extract_strided_slice %scan3A_826#0 {offsets = [3], sizes = [1], strides = [1]} : vector<16xf32> to vector<1xf32>
      %squeeze3A_878 = vector.extract %slice3A_877[0] : f32 from vector<1xf32>
      %select_n3A_879 = arith.select %or3A_876, %squeeze3A_878, %select_n3A_862 : f32
      %slice3A_880 = vector.extract_strided_slice %scan3A_826#1 {offsets = [3], sizes = [1], strides = [1]} : vector<16xi32> to vector<1xi32>
      %squeeze3A_881 = vector.extract %slice3A_880[0] : i32 from vector<1xi32>
      %select_n3A_882 = arith.select %or3A_876, %squeeze3A_881, %select_n3A_865 : i32
      %slice3A_883 = vector.extract_strided_slice %scan3A_826#0 {offsets = [4], sizes = [1], strides = [1]} : vector<16xf32> to vector<1xf32>
      %squeeze3A_884 = vector.extract %slice3A_883[0] : f32 from vector<1xf32>
      %gt3A_885 = arith.cmpf ogt, %squeeze3A_884, %select_n3A_879 : f32
      %slice3A_886 = vector.extract_strided_slice %scan3A_826#0 {offsets = [4], sizes = [1], strides = [1]} : vector<16xf32> to vector<1xf32>
      %squeeze3A_887 = vector.extract %slice3A_886[0] : f32 from vector<1xf32>
      %eq3A_888 = arith.cmpf oeq, %squeeze3A_887, %select_n3A_879 : f32
      %slice3A_889 = vector.extract_strided_slice %scan3A_826#1 {offsets = [4], sizes = [1], strides = [1]} : vector<16xi32> to vector<1xi32>
      %squeeze3A_890 = vector.extract %slice3A_889[0] : i32 from vector<1xi32>
      %lt3A_891 = arith.cmpi slt, %squeeze3A_890, %select_n3A_882 : i32
      %and3A_892 = arith.andi %eq3A_888, %lt3A_891 : i1
      %or3A_893 = arith.ori %gt3A_885, %and3A_892 : i1
      %slice3A_894 = vector.extract_strided_slice %scan3A_826#0 {offsets = [4], sizes = [1], strides = [1]} : vector<16xf32> to vector<1xf32>
      %squeeze3A_895 = vector.extract %slice3A_894[0] : f32 from vector<1xf32>
      %select_n3A_896 = arith.select %or3A_893, %squeeze3A_895, %select_n3A_879 : f32
      %slice3A_897 = vector.extract_strided_slice %scan3A_826#1 {offsets = [4], sizes = [1], strides = [1]} : vector<16xi32> to vector<1xi32>
      %squeeze3A_898 = vector.extract %slice3A_897[0] : i32 from vector<1xi32>
      %select_n3A_899 = arith.select %or3A_893, %squeeze3A_898, %select_n3A_882 : i32
      %slice3A_900 = vector.extract_strided_slice %scan3A_826#0 {offsets = [5], sizes = [1], strides = [1]} : vector<16xf32> to vector<1xf32>
      %squeeze3A_901 = vector.extract %slice3A_900[0] : f32 from vector<1xf32>
      %gt3A_902 = arith.cmpf ogt, %squeeze3A_901, %select_n3A_896 : f32
      %slice3A_903 = vector.extract_strided_slice %scan3A_826#0 {offsets = [5], sizes = [1], strides = [1]} : vector<16xf32> to vector<1xf32>
      %squeeze3A_904 = vector.extract %slice3A_903[0] : f32 from vector<1xf32>
      %eq3A_905 = arith.cmpf oeq, %squeeze3A_904, %select_n3A_896 : f32
      %slice3A_906 = vector.extract_strided_slice %scan3A_826#1 {offsets = [5], sizes = [1], strides = [1]} : vector<16xi32> to vector<1xi32>
      %squeeze3A_907 = vector.extract %slice3A_906[0] : i32 from vector<1xi32>
      %lt3A_908 = arith.cmpi slt, %squeeze3A_907, %select_n3A_899 : i32
      %and3A_909 = arith.andi %eq3A_905, %lt3A_908 : i1
      %or3A_910 = arith.ori %gt3A_902, %and3A_909 : i1
      %slice3A_911 = vector.extract_strided_slice %scan3A_826#0 {offsets = [5], sizes = [1], strides = [1]} : vector<16xf32> to vector<1xf32>
      %squeeze3A_912 = vector.extract %slice3A_911[0] : f32 from vector<1xf32>
      %select_n3A_913 = arith.select %or3A_910, %squeeze3A_912, %select_n3A_896 : f32
      %slice3A_914 = vector.extract_strided_slice %scan3A_826#1 {offsets = [5], sizes = [1], strides = [1]} : vector<16xi32> to vector<1xi32>
      %squeeze3A_915 = vector.extract %slice3A_914[0] : i32 from vector<1xi32>
      %select_n3A_916 = arith.select %or3A_910, %squeeze3A_915, %select_n3A_899 : i32
      %slice3A_917 = vector.extract_strided_slice %scan3A_826#0 {offsets = [6], sizes = [1], strides = [1]} : vector<16xf32> to vector<1xf32>
      %squeeze3A_918 = vector.extract %slice3A_917[0] : f32 from vector<1xf32>
      %gt3A_919 = arith.cmpf ogt, %squeeze3A_918, %select_n3A_913 : f32
      %slice3A_920 = vector.extract_strided_slice %scan3A_826#0 {offsets = [6], sizes = [1], strides = [1]} : vector<16xf32> to vector<1xf32>
      %squeeze3A_921 = vector.extract %slice3A_920[0] : f32 from vector<1xf32>
      %eq3A_922 = arith.cmpf oeq, %squeeze3A_921, %select_n3A_913 : f32
      %slice3A_923 = vector.extract_strided_slice %scan3A_826#1 {offsets = [6], sizes = [1], strides = [1]} : vector<16xi32> to vector<1xi32>
      %squeeze3A_924 = vector.extract %slice3A_923[0] : i32 from vector<1xi32>
      %lt3A_925 = arith.cmpi slt, %squeeze3A_924, %select_n3A_916 : i32
      %and3A_926 = arith.andi %eq3A_922, %lt3A_925 : i1
      %or3A_927 = arith.ori %gt3A_919, %and3A_926 : i1
      %slice3A_928 = vector.extract_strided_slice %scan3A_826#0 {offsets = [6], sizes = [1], strides = [1]} : vector<16xf32> to vector<1xf32>
      %squeeze3A_929 = vector.extract %slice3A_928[0] : f32 from vector<1xf32>
      %select_n3A_930 = arith.select %or3A_927, %squeeze3A_929, %select_n3A_913 : f32
      %slice3A_931 = vector.extract_strided_slice %scan3A_826#1 {offsets = [6], sizes = [1], strides = [1]} : vector<16xi32> to vector<1xi32>
      %squeeze3A_932 = vector.extract %slice3A_931[0] : i32 from vector<1xi32>
      %select_n3A_933 = arith.select %or3A_927, %squeeze3A_932, %select_n3A_916 : i32
      %slice3A_934 = vector.extract_strided_slice %scan3A_826#0 {offsets = [7], sizes = [1], strides = [1]} : vector<16xf32> to vector<1xf32>
      %squeeze3A_935 = vector.extract %slice3A_934[0] : f32 from vector<1xf32>
      %gt3A_936 = arith.cmpf ogt, %squeeze3A_935, %select_n3A_930 : f32
      %slice3A_937 = vector.extract_strided_slice %scan3A_826#0 {offsets = [7], sizes = [1], strides = [1]} : vector<16xf32> to vector<1xf32>
      %squeeze3A_938 = vector.extract %slice3A_937[0] : f32 from vector<1xf32>
      %eq3A_939 = arith.cmpf oeq, %squeeze3A_938, %select_n3A_930 : f32
      %slice3A_940 = vector.extract_strided_slice %scan3A_826#1 {offsets = [7], sizes = [1], strides = [1]} : vector<16xi32> to vector<1xi32>
      %squeeze3A_941 = vector.extract %slice3A_940[0] : i32 from vector<1xi32>
      %lt3A_942 = arith.cmpi slt, %squeeze3A_941, %select_n3A_933 : i32
      %and3A_943 = arith.andi %eq3A_939, %lt3A_942 : i1
      %or3A_944 = arith.ori %gt3A_936, %and3A_943 : i1
      %slice3A_945 = vector.extract_strided_slice %scan3A_826#0 {offsets = [7], sizes = [1], strides = [1]} : vector<16xf32> to vector<1xf32>
      %squeeze3A_946 = vector.extract %slice3A_945[0] : f32 from vector<1xf32>
      %select_n3A_947 = arith.select %or3A_944, %squeeze3A_946, %select_n3A_930 : f32
      %slice3A_948 = vector.extract_strided_slice %scan3A_826#1 {offsets = [7], sizes = [1], strides = [1]} : vector<16xi32> to vector<1xi32>
      %squeeze3A_949 = vector.extract %slice3A_948[0] : i32 from vector<1xi32>
      %select_n3A_950 = arith.select %or3A_944, %squeeze3A_949, %select_n3A_933 : i32
      %slice3A_951 = vector.extract_strided_slice %scan3A_826#0 {offsets = [8], sizes = [1], strides = [1]} : vector<16xf32> to vector<1xf32>
      %squeeze3A_952 = vector.extract %slice3A_951[0] : f32 from vector<1xf32>
      %gt3A_953 = arith.cmpf ogt, %squeeze3A_952, %select_n3A_947 : f32
      %slice3A_954 = vector.extract_strided_slice %scan3A_826#0 {offsets = [8], sizes = [1], strides = [1]} : vector<16xf32> to vector<1xf32>
      %squeeze3A_955 = vector.extract %slice3A_954[0] : f32 from vector<1xf32>
      %eq3A_956 = arith.cmpf oeq, %squeeze3A_955, %select_n3A_947 : f32
      %slice3A_957 = vector.extract_strided_slice %scan3A_826#1 {offsets = [8], sizes = [1], strides = [1]} : vector<16xi32> to vector<1xi32>
      %squeeze3A_958 = vector.extract %slice3A_957[0] : i32 from vector<1xi32>
      %lt3A_959 = arith.cmpi slt, %squeeze3A_958, %select_n3A_950 : i32
      %and3A_960 = arith.andi %eq3A_956, %lt3A_959 : i1
      %or3A_961 = arith.ori %gt3A_953, %and3A_960 : i1
      %slice3A_962 = vector.extract_strided_slice %scan3A_826#0 {offsets = [8], sizes = [1], strides = [1]} : vector<16xf32> to vector<1xf32>
      %squeeze3A_963 = vector.extract %slice3A_962[0] : f32 from vector<1xf32>
      %select_n3A_964 = arith.select %or3A_961, %squeeze3A_963, %select_n3A_947 : f32
      %slice3A_965 = vector.extract_strided_slice %scan3A_826#1 {offsets = [8], sizes = [1], strides = [1]} : vector<16xi32> to vector<1xi32>
      %squeeze3A_966 = vector.extract %slice3A_965[0] : i32 from vector<1xi32>
      %select_n3A_967 = arith.select %or3A_961, %squeeze3A_966, %select_n3A_950 : i32
      %slice3A_968 = vector.extract_strided_slice %scan3A_826#0 {offsets = [9], sizes = [1], strides = [1]} : vector<16xf32> to vector<1xf32>
      %squeeze3A_969 = vector.extract %slice3A_968[0] : f32 from vector<1xf32>
      %gt3A_970 = arith.cmpf ogt, %squeeze3A_969, %select_n3A_964 : f32
      %slice3A_971 = vector.extract_strided_slice %scan3A_826#0 {offsets = [9], sizes = [1], strides = [1]} : vector<16xf32> to vector<1xf32>
      %squeeze3A_972 = vector.extract %slice3A_971[0] : f32 from vector<1xf32>
      %eq3A_973 = arith.cmpf oeq, %squeeze3A_972, %select_n3A_964 : f32
      %slice3A_974 = vector.extract_strided_slice %scan3A_826#1 {offsets = [9], sizes = [1], strides = [1]} : vector<16xi32> to vector<1xi32>
      %squeeze3A_975 = vector.extract %slice3A_974[0] : i32 from vector<1xi32>
      %lt3A_976 = arith.cmpi slt, %squeeze3A_975, %select_n3A_967 : i32
      %and3A_977 = arith.andi %eq3A_973, %lt3A_976 : i1
      %or3A_978 = arith.ori %gt3A_970, %and3A_977 : i1
      %slice3A_979 = vector.extract_strided_slice %scan3A_826#0 {offsets = [9], sizes = [1], strides = [1]} : vector<16xf32> to vector<1xf32>
      %squeeze3A_980 = vector.extract %slice3A_979[0] : f32 from vector<1xf32>
      %select_n3A_981 = arith.select %or3A_978, %squeeze3A_980, %select_n3A_964 : f32
      %slice3A_982 = vector.extract_strided_slice %scan3A_826#1 {offsets = [9], sizes = [1], strides = [1]} : vector<16xi32> to vector<1xi32>
      %squeeze3A_983 = vector.extract %slice3A_982[0] : i32 from vector<1xi32>
      %select_n3A_984 = arith.select %or3A_978, %squeeze3A_983, %select_n3A_967 : i32
      %slice3A_985 = vector.extract_strided_slice %scan3A_826#0 {offsets = [10], sizes = [1], strides = [1]} : vector<16xf32> to vector<1xf32>
      %squeeze3A_986 = vector.extract %slice3A_985[0] : f32 from vector<1xf32>
      %gt3A_987 = arith.cmpf ogt, %squeeze3A_986, %select_n3A_981 : f32
      %slice3A_988 = vector.extract_strided_slice %scan3A_826#0 {offsets = [10], sizes = [1], strides = [1]} : vector<16xf32> to vector<1xf32>
      %squeeze3A_989 = vector.extract %slice3A_988[0] : f32 from vector<1xf32>
      %eq3A_990 = arith.cmpf oeq, %squeeze3A_989, %select_n3A_981 : f32
      %slice3A_991 = vector.extract_strided_slice %scan3A_826#1 {offsets = [10], sizes = [1], strides = [1]} : vector<16xi32> to vector<1xi32>
      %squeeze3A_992 = vector.extract %slice3A_991[0] : i32 from vector<1xi32>
      %lt3A_993 = arith.cmpi slt, %squeeze3A_992, %select_n3A_984 : i32
      %and3A_994 = arith.andi %eq3A_990, %lt3A_993 : i1
      %or3A_995 = arith.ori %gt3A_987, %and3A_994 : i1
      %slice3A_996 = vector.extract_strided_slice %scan3A_826#0 {offsets = [10], sizes = [1], strides = [1]} : vector<16xf32> to vector<1xf32>
      %squeeze3A_997 = vector.extract %slice3A_996[0] : f32 from vector<1xf32>
      %select_n3A_998 = arith.select %or3A_995, %squeeze3A_997, %select_n3A_981 : f32
      %slice3A_999 = vector.extract_strided_slice %scan3A_826#1 {offsets = [10], sizes = [1], strides = [1]} : vector<16xi32> to vector<1xi32>
      %squeeze3A_1000 = vector.extract %slice3A_999[0] : i32 from vector<1xi32>
      %select_n3A_1001 = arith.select %or3A_995, %squeeze3A_1000, %select_n3A_984 : i32
      %slice3A_1002 = vector.extract_strided_slice %scan3A_826#0 {offsets = [11], sizes = [1], strides = [1]} : vector<16xf32> to vector<1xf32>
      %squeeze3A_1003 = vector.extract %slice3A_1002[0] : f32 from vector<1xf32>
      %gt3A_1004 = arith.cmpf ogt, %squeeze3A_1003, %select_n3A_998 : f32
      %slice3A_1005 = vector.extract_strided_slice %scan3A_826#0 {offsets = [11], sizes = [1], strides = [1]} : vector<16xf32> to vector<1xf32>
      %squeeze3A_1006 = vector.extract %slice3A_1005[0] : f32 from vector<1xf32>
      %eq3A_1007 = arith.cmpf oeq, %squeeze3A_1006, %select_n3A_998 : f32
      %slice3A_1008 = vector.extract_strided_slice %scan3A_826#1 {offsets = [11], sizes = [1], strides = [1]} : vector<16xi32> to vector<1xi32>
      %squeeze3A_1009 = vector.extract %slice3A_1008[0] : i32 from vector<1xi32>
      %lt3A_1010 = arith.cmpi slt, %squeeze3A_1009, %select_n3A_1001 : i32
      %and3A_1011 = arith.andi %eq3A_1007, %lt3A_1010 : i1
      %or3A_1012 = arith.ori %gt3A_1004, %and3A_1011 : i1
      %slice3A_1013 = vector.extract_strided_slice %scan3A_826#0 {offsets = [11], sizes = [1], strides = [1]} : vector<16xf32> to vector<1xf32>
      %squeeze3A_1014 = vector.extract %slice3A_1013[0] : f32 from vector<1xf32>
      %select_n3A_1015 = arith.select %or3A_1012, %squeeze3A_1014, %select_n3A_998 : f32
      %slice3A_1016 = vector.extract_strided_slice %scan3A_826#1 {offsets = [11], sizes = [1], strides = [1]} : vector<16xi32> to vector<1xi32>
      %squeeze3A_1017 = vector.extract %slice3A_1016[0] : i32 from vector<1xi32>
      %select_n3A_1018 = arith.select %or3A_1012, %squeeze3A_1017, %select_n3A_1001 : i32
      %slice3A_1019 = vector.extract_strided_slice %scan3A_826#0 {offsets = [12], sizes = [1], strides = [1]} : vector<16xf32> to vector<1xf32>
      %squeeze3A_1020 = vector.extract %slice3A_1019[0] : f32 from vector<1xf32>
      %gt3A_1021 = arith.cmpf ogt, %squeeze3A_1020, %select_n3A_1015 : f32
      %slice3A_1022 = vector.extract_strided_slice %scan3A_826#0 {offsets = [12], sizes = [1], strides = [1]} : vector<16xf32> to vector<1xf32>
      %squeeze3A_1023 = vector.extract %slice3A_1022[0] : f32 from vector<1xf32>
      %eq3A_1024 = arith.cmpf oeq, %squeeze3A_1023, %select_n3A_1015 : f32
      %slice3A_1025 = vector.extract_strided_slice %scan3A_826#1 {offsets = [12], sizes = [1], strides = [1]} : vector<16xi32> to vector<1xi32>
      %squeeze3A_1026 = vector.extract %slice3A_1025[0] : i32 from vector<1xi32>
      %lt3A_1027 = arith.cmpi slt, %squeeze3A_1026, %select_n3A_1018 : i32
      %and3A_1028 = arith.andi %eq3A_1024, %lt3A_1027 : i1
      %or3A_1029 = arith.ori %gt3A_1021, %and3A_1028 : i1
      %slice3A_1030 = vector.extract_strided_slice %scan3A_826#0 {offsets = [12], sizes = [1], strides = [1]} : vector<16xf32> to vector<1xf32>
      %squeeze3A_1031 = vector.extract %slice3A_1030[0] : f32 from vector<1xf32>
      %select_n3A_1032 = arith.select %or3A_1029, %squeeze3A_1031, %select_n3A_1015 : f32
      %slice3A_1033 = vector.extract_strided_slice %scan3A_826#1 {offsets = [12], sizes = [1], strides = [1]} : vector<16xi32> to vector<1xi32>
      %squeeze3A_1034 = vector.extract %slice3A_1033[0] : i32 from vector<1xi32>
      %select_n3A_1035 = arith.select %or3A_1029, %squeeze3A_1034, %select_n3A_1018 : i32
      %slice3A_1036 = vector.extract_strided_slice %scan3A_826#0 {offsets = [13], sizes = [1], strides = [1]} : vector<16xf32> to vector<1xf32>
      %squeeze3A_1037 = vector.extract %slice3A_1036[0] : f32 from vector<1xf32>
      %gt3A_1038 = arith.cmpf ogt, %squeeze3A_1037, %select_n3A_1032 : f32
      %slice3A_1039 = vector.extract_strided_slice %scan3A_826#0 {offsets = [13], sizes = [1], strides = [1]} : vector<16xf32> to vector<1xf32>
      %squeeze3A_1040 = vector.extract %slice3A_1039[0] : f32 from vector<1xf32>
      %eq3A_1041 = arith.cmpf oeq, %squeeze3A_1040, %select_n3A_1032 : f32
      %slice3A_1042 = vector.extract_strided_slice %scan3A_826#1 {offsets = [13], sizes = [1], strides = [1]} : vector<16xi32> to vector<1xi32>
      %squeeze3A_1043 = vector.extract %slice3A_1042[0] : i32 from vector<1xi32>
      %lt3A_1044 = arith.cmpi slt, %squeeze3A_1043, %select_n3A_1035 : i32
      %and3A_1045 = arith.andi %eq3A_1041, %lt3A_1044 : i1
      %or3A_1046 = arith.ori %gt3A_1038, %and3A_1045 : i1
      %slice3A_1047 = vector.extract_strided_slice %scan3A_826#0 {offsets = [13], sizes = [1], strides = [1]} : vector<16xf32> to vector<1xf32>
      %squeeze3A_1048 = vector.extract %slice3A_1047[0] : f32 from vector<1xf32>
      %select_n3A_1049 = arith.select %or3A_1046, %squeeze3A_1048, %select_n3A_1032 : f32
      %slice3A_1050 = vector.extract_strided_slice %scan3A_826#1 {offsets = [13], sizes = [1], strides = [1]} : vector<16xi32> to vector<1xi32>
      %squeeze3A_1051 = vector.extract %slice3A_1050[0] : i32 from vector<1xi32>
      %select_n3A_1052 = arith.select %or3A_1046, %squeeze3A_1051, %select_n3A_1035 : i32
      %slice3A_1053 = vector.extract_strided_slice %scan3A_826#0 {offsets = [14], sizes = [1], strides = [1]} : vector<16xf32> to vector<1xf32>
      %squeeze3A_1054 = vector.extract %slice3A_1053[0] : f32 from vector<1xf32>
      %gt3A_1055 = arith.cmpf ogt, %squeeze3A_1054, %select_n3A_1049 : f32
      %slice3A_1056 = vector.extract_strided_slice %scan3A_826#0 {offsets = [14], sizes = [1], strides = [1]} : vector<16xf32> to vector<1xf32>
      %squeeze3A_1057 = vector.extract %slice3A_1056[0] : f32 from vector<1xf32>
      %eq3A_1058 = arith.cmpf oeq, %squeeze3A_1057, %select_n3A_1049 : f32
      %slice3A_1059 = vector.extract_strided_slice %scan3A_826#1 {offsets = [14], sizes = [1], strides = [1]} : vector<16xi32> to vector<1xi32>
      %squeeze3A_1060 = vector.extract %slice3A_1059[0] : i32 from vector<1xi32>
      %lt3A_1061 = arith.cmpi slt, %squeeze3A_1060, %select_n3A_1052 : i32
      %and3A_1062 = arith.andi %eq3A_1058, %lt3A_1061 : i1
      %or3A_1063 = arith.ori %gt3A_1055, %and3A_1062 : i1
      %slice3A_1064 = vector.extract_strided_slice %scan3A_826#0 {offsets = [14], sizes = [1], strides = [1]} : vector<16xf32> to vector<1xf32>
      %squeeze3A_1065 = vector.extract %slice3A_1064[0] : f32 from vector<1xf32>
      %select_n3A_1066 = arith.select %or3A_1063, %squeeze3A_1065, %select_n3A_1049 : f32
      %slice3A_1067 = vector.extract_strided_slice %scan3A_826#1 {offsets = [14], sizes = [1], strides = [1]} : vector<16xi32> to vector<1xi32>
      %squeeze3A_1068 = vector.extract %slice3A_1067[0] : i32 from vector<1xi32>
      %select_n3A_1069 = arith.select %or3A_1063, %squeeze3A_1068, %select_n3A_1052 : i32
      %slice3A_1070 = vector.extract_strided_slice %scan3A_826#0 {offsets = [15], sizes = [1], strides = [1]} : vector<16xf32> to vector<1xf32>
      %squeeze3A_1071 = vector.extract %slice3A_1070[0] : f32 from vector<1xf32>
      %gt3A_1072 = arith.cmpf ogt, %squeeze3A_1071, %select_n3A_1066 : f32
      %slice3A_1073 = vector.extract_strided_slice %scan3A_826#0 {offsets = [15], sizes = [1], strides = [1]} : vector<16xf32> to vector<1xf32>
      %squeeze3A_1074 = vector.extract %slice3A_1073[0] : f32 from vector<1xf32>
      %eq3A_1075 = arith.cmpf oeq, %squeeze3A_1074, %select_n3A_1066 : f32
      %slice3A_1076 = vector.extract_strided_slice %scan3A_826#1 {offsets = [15], sizes = [1], strides = [1]} : vector<16xi32> to vector<1xi32>
      %squeeze3A_1077 = vector.extract %slice3A_1076[0] : i32 from vector<1xi32>
      %lt3A_1078 = arith.cmpi slt, %squeeze3A_1077, %select_n3A_1069 : i32
      %and3A_1079 = arith.andi %eq3A_1075, %lt3A_1078 : i1
      %or3A_1080 = arith.ori %gt3A_1072, %and3A_1079 : i1
      %slice3A_1081 = vector.extract_strided_slice %scan3A_826#0 {offsets = [15], sizes = [1], strides = [1]} : vector<16xf32> to vector<1xf32>
      %squeeze3A_1082 = vector.extract %slice3A_1081[0] : f32 from vector<1xf32>
      %select_n3A_1083 = arith.select %or3A_1080, %squeeze3A_1082, %select_n3A_1066 : f32
      %slice3A_1084 = vector.extract_strided_slice %scan3A_826#1 {offsets = [15], sizes = [1], strides = [1]} : vector<16xi32> to vector<1xi32>
      %squeeze3A_1085 = vector.extract %slice3A_1084[0] : i32 from vector<1xi32>
      %select_n3A_1086 = arith.select %or3A_1080, %squeeze3A_1085, %select_n3A_1069 : i32
      %and3A_1087 = arith.constant 127 : i32
      %and3A_1088 = arith.andi %select_n3A_1086, %and3A_1087 : i32
      %broadcast_in_dim3A_1089 = arith.constant -3.000000e+00 : f32
      %broadcast_in_dim3A_1090 = vector.broadcast %broadcast_in_dim3A_1089 : f32 to vector<16xf32>
      %broadcast_in_dim3A_1091 = arith.constant 1073741824 : i32
      %broadcast_in_dim3A_1092 = vector.broadcast %broadcast_in_dim3A_1091 : i32 to vector<16xi32>
      %scan3A_1093 = arith.constant 0 : i32
      %scan3A_1094 = arith.constant 128 : i32
      %scan3A_1095 = arith.addi %scan3A_1093, %scan3A_1094 : i32
      %scan3A_1096 = arith.constant 1 : i32
      %scan3A_1097:2 = scf.for %scan3A_1480 = %scan3A_1093 to %scan3A_1095 step %scan3A_1096 iter_args(%scan3A_1481 = %broadcast_in_dim3A_1090, %scan3A_1482 = %broadcast_in_dim3A_1092) -> (vector<16xf32>, vector<16xi32>)  : i32 {
        %mul3A_1483 = arith.constant 16 : i32
        %mul3A_1484 = arith.muli %scan3A_1480, %mul3A_1483 : i32
        %get3A_1485 = arith.index_cast %mul3A_1484 : i32 to index
        %get3A_1486 = tpu.vector_load %arg5[%get3A_1485] {strides = array<i32>} : memref<2048xf32, #tpu.memory_space<vmem>>, vector<16xf32>,
        %get3A_1487 = vector.shape_cast %get3A_1486 : vector<16xf32> to vector<16xf32>
        %mul3A_1488 = arith.constant 16 : i32
        %mul3A_1489 = arith.muli %scan3A_1480, %mul3A_1488 : i32
        %get3A_1490 = arith.index_cast %mul3A_1489 : i32 to index
        %get3A_1491 = tpu.vector_load %arg6[%get3A_1490] {strides = array<i32>} : memref<2048xi32, #tpu.memory_space<vmem>>, vector<16xi32>,
        %get3A_1492 = vector.shape_cast %get3A_1491 : vector<16xi32> to vector<16xi32>
        %gt3A_1493 = arith.cmpf ogt, %get3A_1487, %scan3A_1481 : vector<16xf32>
        %eq3A_1494 = arith.cmpf oeq, %get3A_1487, %scan3A_1481 : vector<16xf32>
        %lt3A_1495 = arith.cmpi slt, %get3A_1492, %scan3A_1482 : vector<16xi32>
        %and3A_1496 = arith.andi %eq3A_1494, %lt3A_1495 : vector<16xi1>
        %or3A_1497 = arith.ori %gt3A_1493, %and3A_1496 : vector<16xi1>
        %ne3A = vector.broadcast %select_n3A_273 : i32 to vector<16xi32>
        %ne3A_1498 = arith.cmpi ne, %get3A_1492, %ne3A : vector<16xi32>
        %and3A_1499 = arith.andi %or3A_1497, %ne3A_1498 : vector<16xi1>
        %ne3A_1500 = vector.broadcast %select_n3A_544 : i32 to vector<16xi32>
        %ne3A_1501 = arith.cmpi ne, %get3A_1492, %ne3A_1500 : vector<16xi32>
        %and3A_1502 = arith.andi %and3A_1499, %ne3A_1501 : vector<16xi1>
        %ne3A_1503 = vector.broadcast %select_n3A_815 : i32 to vector<16xi32>
        %ne3A_1504 = arith.cmpi ne, %get3A_1492, %ne3A_1503 : vector<16xi32>
        %and3A_1505 = arith.andi %and3A_1502, %ne3A_1504 : vector<16xi1>
        %ne3A_1506 = vector.broadcast %select_n3A_1086 : i32 to vector<16xi32>
        %ne3A_1507 = arith.cmpi ne, %get3A_1492, %ne3A_1506 : vector<16xi32>
        %and3A_1508 = arith.andi %and3A_1505, %ne3A_1507 : vector<16xi1>
        %select_n3A_1509 = arith.select %and3A_1508, %get3A_1487, %scan3A_1481 : vector<16xi1>, vector<16xf32>
        %select_n3A_1510 = arith.select %and3A_1508, %get3A_1492, %scan3A_1482 : vector<16xi1>, vector<16xi32>
        scf.yield %select_n3A_1509, %select_n3A_1510 : vector<16xf32>, vector<16xi32>
      }
      %scan3A_1098 = arith.constant 128 : i32
      %slice3A_1099 = vector.extract_strided_slice %scan3A_1097#0 {offsets = [0], sizes = [1], strides = [1]} : vector<16xf32> to vector<1xf32>
      %squeeze3A_1100 = vector.extract %slice3A_1099[0] : f32 from vector<1xf32>
      %slice3A_1101 = vector.extract_strided_slice %scan3A_1097#1 {offsets = [0], sizes = [1], strides = [1]} : vector<16xi32> to vector<1xi32>
      %squeeze3A_1102 = vector.extract %slice3A_1101[0] : i32 from vector<1xi32>
      %slice3A_1103 = vector.extract_strided_slice %scan3A_1097#0 {offsets = [1], sizes = [1], strides = [1]} : vector<16xf32> to vector<1xf32>
      %squeeze3A_1104 = vector.extract %slice3A_1103[0] : f32 from vector<1xf32>
      %gt3A_1105 = arith.cmpf ogt, %squeeze3A_1104, %squeeze3A_1100 : f32
      %slice3A_1106 = vector.extract_strided_slice %scan3A_1097#0 {offsets = [1], sizes = [1], strides = [1]} : vector<16xf32> to vector<1xf32>
      %squeeze3A_1107 = vector.extract %slice3A_1106[0] : f32 from vector<1xf32>
      %eq3A_1108 = arith.cmpf oeq, %squeeze3A_1107, %squeeze3A_1100 : f32
      %slice3A_1109 = vector.extract_strided_slice %scan3A_1097#1 {offsets = [1], sizes = [1], strides = [1]} : vector<16xi32> to vector<1xi32>
      %squeeze3A_1110 = vector.extract %slice3A_1109[0] : i32 from vector<1xi32>
      %lt3A_1111 = arith.cmpi slt, %squeeze3A_1110, %squeeze3A_1102 : i32
      %and3A_1112 = arith.andi %eq3A_1108, %lt3A_1111 : i1
      %or3A_1113 = arith.ori %gt3A_1105, %and3A_1112 : i1
      %slice3A_1114 = vector.extract_strided_slice %scan3A_1097#0 {offsets = [1], sizes = [1], strides = [1]} : vector<16xf32> to vector<1xf32>
      %squeeze3A_1115 = vector.extract %slice3A_1114[0] : f32 from vector<1xf32>
      %select_n3A_1116 = arith.select %or3A_1113, %squeeze3A_1115, %squeeze3A_1100 : f32
      %slice3A_1117 = vector.extract_strided_slice %scan3A_1097#1 {offsets = [1], sizes = [1], strides = [1]} : vector<16xi32> to vector<1xi32>
      %squeeze3A_1118 = vector.extract %slice3A_1117[0] : i32 from vector<1xi32>
      %select_n3A_1119 = arith.select %or3A_1113, %squeeze3A_1118, %squeeze3A_1102 : i32
      %slice3A_1120 = vector.extract_strided_slice %scan3A_1097#0 {offsets = [2], sizes = [1], strides = [1]} : vector<16xf32> to vector<1xf32>
      %squeeze3A_1121 = vector.extract %slice3A_1120[0] : f32 from vector<1xf32>
      %gt3A_1122 = arith.cmpf ogt, %squeeze3A_1121, %select_n3A_1116 : f32
      %slice3A_1123 = vector.extract_strided_slice %scan3A_1097#0 {offsets = [2], sizes = [1], strides = [1]} : vector<16xf32> to vector<1xf32>
      %squeeze3A_1124 = vector.extract %slice3A_1123[0] : f32 from vector<1xf32>
      %eq3A_1125 = arith.cmpf oeq, %squeeze3A_1124, %select_n3A_1116 : f32
      %slice3A_1126 = vector.extract_strided_slice %scan3A_1097#1 {offsets = [2], sizes = [1], strides = [1]} : vector<16xi32> to vector<1xi32>
      %squeeze3A_1127 = vector.extract %slice3A_1126[0] : i32 from vector<1xi32>
      %lt3A_1128 = arith.cmpi slt, %squeeze3A_1127, %select_n3A_1119 : i32
      %and3A_1129 = arith.andi %eq3A_1125, %lt3A_1128 : i1
      %or3A_1130 = arith.ori %gt3A_1122, %and3A_1129 : i1
      %slice3A_1131 = vector.extract_strided_slice %scan3A_1097#0 {offsets = [2], sizes = [1], strides = [1]} : vector<16xf32> to vector<1xf32>
      %squeeze3A_1132 = vector.extract %slice3A_1131[0] : f32 from vector<1xf32>
      %select_n3A_1133 = arith.select %or3A_1130, %squeeze3A_1132, %select_n3A_1116 : f32
      %slice3A_1134 = vector.extract_strided_slice %scan3A_1097#1 {offsets = [2], sizes = [1], strides = [1]} : vector<16xi32> to vector<1xi32>
      %squeeze3A_1135 = vector.extract %slice3A_1134[0] : i32 from vector<1xi32>
      %select_n3A_1136 = arith.select %or3A_1130, %squeeze3A_1135, %select_n3A_1119 : i32
      %slice3A_1137 = vector.extract_strided_slice %scan3A_1097#0 {offsets = [3], sizes = [1], strides = [1]} : vector<16xf32> to vector<1xf32>
      %squeeze3A_1138 = vector.extract %slice3A_1137[0] : f32 from vector<1xf32>
      %gt3A_1139 = arith.cmpf ogt, %squeeze3A_1138, %select_n3A_1133 : f32
      %slice3A_1140 = vector.extract_strided_slice %scan3A_1097#0 {offsets = [3], sizes = [1], strides = [1]} : vector<16xf32> to vector<1xf32>
      %squeeze3A_1141 = vector.extract %slice3A_1140[0] : f32 from vector<1xf32>
      %eq3A_1142 = arith.cmpf oeq, %squeeze3A_1141, %select_n3A_1133 : f32
      %slice3A_1143 = vector.extract_strided_slice %scan3A_1097#1 {offsets = [3], sizes = [1], strides = [1]} : vector<16xi32> to vector<1xi32>
      %squeeze3A_1144 = vector.extract %slice3A_1143[0] : i32 from vector<1xi32>
      %lt3A_1145 = arith.cmpi slt, %squeeze3A_1144, %select_n3A_1136 : i32
      %and3A_1146 = arith.andi %eq3A_1142, %lt3A_1145 : i1
      %or3A_1147 = arith.ori %gt3A_1139, %and3A_1146 : i1
      %slice3A_1148 = vector.extract_strided_slice %scan3A_1097#0 {offsets = [3], sizes = [1], strides = [1]} : vector<16xf32> to vector<1xf32>
      %squeeze3A_1149 = vector.extract %slice3A_1148[0] : f32 from vector<1xf32>
      %select_n3A_1150 = arith.select %or3A_1147, %squeeze3A_1149, %select_n3A_1133 : f32
      %slice3A_1151 = vector.extract_strided_slice %scan3A_1097#1 {offsets = [3], sizes = [1], strides = [1]} : vector<16xi32> to vector<1xi32>
      %squeeze3A_1152 = vector.extract %slice3A_1151[0] : i32 from vector<1xi32>
      %select_n3A_1153 = arith.select %or3A_1147, %squeeze3A_1152, %select_n3A_1136 : i32
      %slice3A_1154 = vector.extract_strided_slice %scan3A_1097#0 {offsets = [4], sizes = [1], strides = [1]} : vector<16xf32> to vector<1xf32>
      %squeeze3A_1155 = vector.extract %slice3A_1154[0] : f32 from vector<1xf32>
      %gt3A_1156 = arith.cmpf ogt, %squeeze3A_1155, %select_n3A_1150 : f32
      %slice3A_1157 = vector.extract_strided_slice %scan3A_1097#0 {offsets = [4], sizes = [1], strides = [1]} : vector<16xf32> to vector<1xf32>
      %squeeze3A_1158 = vector.extract %slice3A_1157[0] : f32 from vector<1xf32>
      %eq3A_1159 = arith.cmpf oeq, %squeeze3A_1158, %select_n3A_1150 : f32
      %slice3A_1160 = vector.extract_strided_slice %scan3A_1097#1 {offsets = [4], sizes = [1], strides = [1]} : vector<16xi32> to vector<1xi32>
      %squeeze3A_1161 = vector.extract %slice3A_1160[0] : i32 from vector<1xi32>
      %lt3A_1162 = arith.cmpi slt, %squeeze3A_1161, %select_n3A_1153 : i32
      %and3A_1163 = arith.andi %eq3A_1159, %lt3A_1162 : i1
      %or3A_1164 = arith.ori %gt3A_1156, %and3A_1163 : i1
      %slice3A_1165 = vector.extract_strided_slice %scan3A_1097#0 {offsets = [4], sizes = [1], strides = [1]} : vector<16xf32> to vector<1xf32>
      %squeeze3A_1166 = vector.extract %slice3A_1165[0] : f32 from vector<1xf32>
      %select_n3A_1167 = arith.select %or3A_1164, %squeeze3A_1166, %select_n3A_1150 : f32
      %slice3A_1168 = vector.extract_strided_slice %scan3A_1097#1 {offsets = [4], sizes = [1], strides = [1]} : vector<16xi32> to vector<1xi32>
      %squeeze3A_1169 = vector.extract %slice3A_1168[0] : i32 from vector<1xi32>
      %select_n3A_1170 = arith.select %or3A_1164, %squeeze3A_1169, %select_n3A_1153 : i32
      %slice3A_1171 = vector.extract_strided_slice %scan3A_1097#0 {offsets = [5], sizes = [1], strides = [1]} : vector<16xf32> to vector<1xf32>
      %squeeze3A_1172 = vector.extract %slice3A_1171[0] : f32 from vector<1xf32>
      %gt3A_1173 = arith.cmpf ogt, %squeeze3A_1172, %select_n3A_1167 : f32
      %slice3A_1174 = vector.extract_strided_slice %scan3A_1097#0 {offsets = [5], sizes = [1], strides = [1]} : vector<16xf32> to vector<1xf32>
      %squeeze3A_1175 = vector.extract %slice3A_1174[0] : f32 from vector<1xf32>
      %eq3A_1176 = arith.cmpf oeq, %squeeze3A_1175, %select_n3A_1167 : f32
      %slice3A_1177 = vector.extract_strided_slice %scan3A_1097#1 {offsets = [5], sizes = [1], strides = [1]} : vector<16xi32> to vector<1xi32>
      %squeeze3A_1178 = vector.extract %slice3A_1177[0] : i32 from vector<1xi32>
      %lt3A_1179 = arith.cmpi slt, %squeeze3A_1178, %select_n3A_1170 : i32
      %and3A_1180 = arith.andi %eq3A_1176, %lt3A_1179 : i1
      %or3A_1181 = arith.ori %gt3A_1173, %and3A_1180 : i1
      %slice3A_1182 = vector.extract_strided_slice %scan3A_1097#0 {offsets = [5], sizes = [1], strides = [1]} : vector<16xf32> to vector<1xf32>
      %squeeze3A_1183 = vector.extract %slice3A_1182[0] : f32 from vector<1xf32>
      %select_n3A_1184 = arith.select %or3A_1181, %squeeze3A_1183, %select_n3A_1167 : f32
      %slice3A_1185 = vector.extract_strided_slice %scan3A_1097#1 {offsets = [5], sizes = [1], strides = [1]} : vector<16xi32> to vector<1xi32>
      %squeeze3A_1186 = vector.extract %slice3A_1185[0] : i32 from vector<1xi32>
      %select_n3A_1187 = arith.select %or3A_1181, %squeeze3A_1186, %select_n3A_1170 : i32
      %slice3A_1188 = vector.extract_strided_slice %scan3A_1097#0 {offsets = [6], sizes = [1], strides = [1]} : vector<16xf32> to vector<1xf32>
      %squeeze3A_1189 = vector.extract %slice3A_1188[0] : f32 from vector<1xf32>
      %gt3A_1190 = arith.cmpf ogt, %squeeze3A_1189, %select_n3A_1184 : f32
      %slice3A_1191 = vector.extract_strided_slice %scan3A_1097#0 {offsets = [6], sizes = [1], strides = [1]} : vector<16xf32> to vector<1xf32>
      %squeeze3A_1192 = vector.extract %slice3A_1191[0] : f32 from vector<1xf32>
      %eq3A_1193 = arith.cmpf oeq, %squeeze3A_1192, %select_n3A_1184 : f32
      %slice3A_1194 = vector.extract_strided_slice %scan3A_1097#1 {offsets = [6], sizes = [1], strides = [1]} : vector<16xi32> to vector<1xi32>
      %squeeze3A_1195 = vector.extract %slice3A_1194[0] : i32 from vector<1xi32>
      %lt3A_1196 = arith.cmpi slt, %squeeze3A_1195, %select_n3A_1187 : i32
      %and3A_1197 = arith.andi %eq3A_1193, %lt3A_1196 : i1
      %or3A_1198 = arith.ori %gt3A_1190, %and3A_1197 : i1
      %slice3A_1199 = vector.extract_strided_slice %scan3A_1097#0 {offsets = [6], sizes = [1], strides = [1]} : vector<16xf32> to vector<1xf32>
      %squeeze3A_1200 = vector.extract %slice3A_1199[0] : f32 from vector<1xf32>
      %select_n3A_1201 = arith.select %or3A_1198, %squeeze3A_1200, %select_n3A_1184 : f32
      %slice3A_1202 = vector.extract_strided_slice %scan3A_1097#1 {offsets = [6], sizes = [1], strides = [1]} : vector<16xi32> to vector<1xi32>
      %squeeze3A_1203 = vector.extract %slice3A_1202[0] : i32 from vector<1xi32>
      %select_n3A_1204 = arith.select %or3A_1198, %squeeze3A_1203, %select_n3A_1187 : i32
      %slice3A_1205 = vector.extract_strided_slice %scan3A_1097#0 {offsets = [7], sizes = [1], strides = [1]} : vector<16xf32> to vector<1xf32>
      %squeeze3A_1206 = vector.extract %slice3A_1205[0] : f32 from vector<1xf32>
      %gt3A_1207 = arith.cmpf ogt, %squeeze3A_1206, %select_n3A_1201 : f32
      %slice3A_1208 = vector.extract_strided_slice %scan3A_1097#0 {offsets = [7], sizes = [1], strides = [1]} : vector<16xf32> to vector<1xf32>
      %squeeze3A_1209 = vector.extract %slice3A_1208[0] : f32 from vector<1xf32>
      %eq3A_1210 = arith.cmpf oeq, %squeeze3A_1209, %select_n3A_1201 : f32
      %slice3A_1211 = vector.extract_strided_slice %scan3A_1097#1 {offsets = [7], sizes = [1], strides = [1]} : vector<16xi32> to vector<1xi32>
      %squeeze3A_1212 = vector.extract %slice3A_1211[0] : i32 from vector<1xi32>
      %lt3A_1213 = arith.cmpi slt, %squeeze3A_1212, %select_n3A_1204 : i32
      %and3A_1214 = arith.andi %eq3A_1210, %lt3A_1213 : i1
      %or3A_1215 = arith.ori %gt3A_1207, %and3A_1214 : i1
      %slice3A_1216 = vector.extract_strided_slice %scan3A_1097#0 {offsets = [7], sizes = [1], strides = [1]} : vector<16xf32> to vector<1xf32>
      %squeeze3A_1217 = vector.extract %slice3A_1216[0] : f32 from vector<1xf32>
      %select_n3A_1218 = arith.select %or3A_1215, %squeeze3A_1217, %select_n3A_1201 : f32
      %slice3A_1219 = vector.extract_strided_slice %scan3A_1097#1 {offsets = [7], sizes = [1], strides = [1]} : vector<16xi32> to vector<1xi32>
      %squeeze3A_1220 = vector.extract %slice3A_1219[0] : i32 from vector<1xi32>
      %select_n3A_1221 = arith.select %or3A_1215, %squeeze3A_1220, %select_n3A_1204 : i32
      %slice3A_1222 = vector.extract_strided_slice %scan3A_1097#0 {offsets = [8], sizes = [1], strides = [1]} : vector<16xf32> to vector<1xf32>
      %squeeze3A_1223 = vector.extract %slice3A_1222[0] : f32 from vector<1xf32>
      %gt3A_1224 = arith.cmpf ogt, %squeeze3A_1223, %select_n3A_1218 : f32
      %slice3A_1225 = vector.extract_strided_slice %scan3A_1097#0 {offsets = [8], sizes = [1], strides = [1]} : vector<16xf32> to vector<1xf32>
      %squeeze3A_1226 = vector.extract %slice3A_1225[0] : f32 from vector<1xf32>
      %eq3A_1227 = arith.cmpf oeq, %squeeze3A_1226, %select_n3A_1218 : f32
      %slice3A_1228 = vector.extract_strided_slice %scan3A_1097#1 {offsets = [8], sizes = [1], strides = [1]} : vector<16xi32> to vector<1xi32>
      %squeeze3A_1229 = vector.extract %slice3A_1228[0] : i32 from vector<1xi32>
      %lt3A_1230 = arith.cmpi slt, %squeeze3A_1229, %select_n3A_1221 : i32
      %and3A_1231 = arith.andi %eq3A_1227, %lt3A_1230 : i1
      %or3A_1232 = arith.ori %gt3A_1224, %and3A_1231 : i1
      %slice3A_1233 = vector.extract_strided_slice %scan3A_1097#0 {offsets = [8], sizes = [1], strides = [1]} : vector<16xf32> to vector<1xf32>
      %squeeze3A_1234 = vector.extract %slice3A_1233[0] : f32 from vector<1xf32>
      %select_n3A_1235 = arith.select %or3A_1232, %squeeze3A_1234, %select_n3A_1218 : f32
      %slice3A_1236 = vector.extract_strided_slice %scan3A_1097#1 {offsets = [8], sizes = [1], strides = [1]} : vector<16xi32> to vector<1xi32>
      %squeeze3A_1237 = vector.extract %slice3A_1236[0] : i32 from vector<1xi32>
      %select_n3A_1238 = arith.select %or3A_1232, %squeeze3A_1237, %select_n3A_1221 : i32
      %slice3A_1239 = vector.extract_strided_slice %scan3A_1097#0 {offsets = [9], sizes = [1], strides = [1]} : vector<16xf32> to vector<1xf32>
      %squeeze3A_1240 = vector.extract %slice3A_1239[0] : f32 from vector<1xf32>
      %gt3A_1241 = arith.cmpf ogt, %squeeze3A_1240, %select_n3A_1235 : f32
      %slice3A_1242 = vector.extract_strided_slice %scan3A_1097#0 {offsets = [9], sizes = [1], strides = [1]} : vector<16xf32> to vector<1xf32>
      %squeeze3A_1243 = vector.extract %slice3A_1242[0] : f32 from vector<1xf32>
      %eq3A_1244 = arith.cmpf oeq, %squeeze3A_1243, %select_n3A_1235 : f32
      %slice3A_1245 = vector.extract_strided_slice %scan3A_1097#1 {offsets = [9], sizes = [1], strides = [1]} : vector<16xi32> to vector<1xi32>
      %squeeze3A_1246 = vector.extract %slice3A_1245[0] : i32 from vector<1xi32>
      %lt3A_1247 = arith.cmpi slt, %squeeze3A_1246, %select_n3A_1238 : i32
      %and3A_1248 = arith.andi %eq3A_1244, %lt3A_1247 : i1
      %or3A_1249 = arith.ori %gt3A_1241, %and3A_1248 : i1
      %slice3A_1250 = vector.extract_strided_slice %scan3A_1097#0 {offsets = [9], sizes = [1], strides = [1]} : vector<16xf32> to vector<1xf32>
      %squeeze3A_1251 = vector.extract %slice3A_1250[0] : f32 from vector<1xf32>
      %select_n3A_1252 = arith.select %or3A_1249, %squeeze3A_1251, %select_n3A_1235 : f32
      %slice3A_1253 = vector.extract_strided_slice %scan3A_1097#1 {offsets = [9], sizes = [1], strides = [1]} : vector<16xi32> to vector<1xi32>
      %squeeze3A_1254 = vector.extract %slice3A_1253[0] : i32 from vector<1xi32>
      %select_n3A_1255 = arith.select %or3A_1249, %squeeze3A_1254, %select_n3A_1238 : i32
      %slice3A_1256 = vector.extract_strided_slice %scan3A_1097#0 {offsets = [10], sizes = [1], strides = [1]} : vector<16xf32> to vector<1xf32>
      %squeeze3A_1257 = vector.extract %slice3A_1256[0] : f32 from vector<1xf32>
      %gt3A_1258 = arith.cmpf ogt, %squeeze3A_1257, %select_n3A_1252 : f32
      %slice3A_1259 = vector.extract_strided_slice %scan3A_1097#0 {offsets = [10], sizes = [1], strides = [1]} : vector<16xf32> to vector<1xf32>
      %squeeze3A_1260 = vector.extract %slice3A_1259[0] : f32 from vector<1xf32>
      %eq3A_1261 = arith.cmpf oeq, %squeeze3A_1260, %select_n3A_1252 : f32
      %slice3A_1262 = vector.extract_strided_slice %scan3A_1097#1 {offsets = [10], sizes = [1], strides = [1]} : vector<16xi32> to vector<1xi32>
      %squeeze3A_1263 = vector.extract %slice3A_1262[0] : i32 from vector<1xi32>
      %lt3A_1264 = arith.cmpi slt, %squeeze3A_1263, %select_n3A_1255 : i32
      %and3A_1265 = arith.andi %eq3A_1261, %lt3A_1264 : i1
      %or3A_1266 = arith.ori %gt3A_1258, %and3A_1265 : i1
      %slice3A_1267 = vector.extract_strided_slice %scan3A_1097#0 {offsets = [10], sizes = [1], strides = [1]} : vector<16xf32> to vector<1xf32>
      %squeeze3A_1268 = vector.extract %slice3A_1267[0] : f32 from vector<1xf32>
      %select_n3A_1269 = arith.select %or3A_1266, %squeeze3A_1268, %select_n3A_1252 : f32
      %slice3A_1270 = vector.extract_strided_slice %scan3A_1097#1 {offsets = [10], sizes = [1], strides = [1]} : vector<16xi32> to vector<1xi32>
      %squeeze3A_1271 = vector.extract %slice3A_1270[0] : i32 from vector<1xi32>
      %select_n3A_1272 = arith.select %or3A_1266, %squeeze3A_1271, %select_n3A_1255 : i32
      %slice3A_1273 = vector.extract_strided_slice %scan3A_1097#0 {offsets = [11], sizes = [1], strides = [1]} : vector<16xf32> to vector<1xf32>
      %squeeze3A_1274 = vector.extract %slice3A_1273[0] : f32 from vector<1xf32>
      %gt3A_1275 = arith.cmpf ogt, %squeeze3A_1274, %select_n3A_1269 : f32
      %slice3A_1276 = vector.extract_strided_slice %scan3A_1097#0 {offsets = [11], sizes = [1], strides = [1]} : vector<16xf32> to vector<1xf32>
      %squeeze3A_1277 = vector.extract %slice3A_1276[0] : f32 from vector<1xf32>
      %eq3A_1278 = arith.cmpf oeq, %squeeze3A_1277, %select_n3A_1269 : f32
      %slice3A_1279 = vector.extract_strided_slice %scan3A_1097#1 {offsets = [11], sizes = [1], strides = [1]} : vector<16xi32> to vector<1xi32>
      %squeeze3A_1280 = vector.extract %slice3A_1279[0] : i32 from vector<1xi32>
      %lt3A_1281 = arith.cmpi slt, %squeeze3A_1280, %select_n3A_1272 : i32
      %and3A_1282 = arith.andi %eq3A_1278, %lt3A_1281 : i1
      %or3A_1283 = arith.ori %gt3A_1275, %and3A_1282 : i1
      %slice3A_1284 = vector.extract_strided_slice %scan3A_1097#0 {offsets = [11], sizes = [1], strides = [1]} : vector<16xf32> to vector<1xf32>
      %squeeze3A_1285 = vector.extract %slice3A_1284[0] : f32 from vector<1xf32>
      %select_n3A_1286 = arith.select %or3A_1283, %squeeze3A_1285, %select_n3A_1269 : f32
      %slice3A_1287 = vector.extract_strided_slice %scan3A_1097#1 {offsets = [11], sizes = [1], strides = [1]} : vector<16xi32> to vector<1xi32>
      %squeeze3A_1288 = vector.extract %slice3A_1287[0] : i32 from vector<1xi32>
      %select_n3A_1289 = arith.select %or3A_1283, %squeeze3A_1288, %select_n3A_1272 : i32
      %slice3A_1290 = vector.extract_strided_slice %scan3A_1097#0 {offsets = [12], sizes = [1], strides = [1]} : vector<16xf32> to vector<1xf32>
      %squeeze3A_1291 = vector.extract %slice3A_1290[0] : f32 from vector<1xf32>
      %gt3A_1292 = arith.cmpf ogt, %squeeze3A_1291, %select_n3A_1286 : f32
      %slice3A_1293 = vector.extract_strided_slice %scan3A_1097#0 {offsets = [12], sizes = [1], strides = [1]} : vector<16xf32> to vector<1xf32>
      %squeeze3A_1294 = vector.extract %slice3A_1293[0] : f32 from vector<1xf32>
      %eq3A_1295 = arith.cmpf oeq, %squeeze3A_1294, %select_n3A_1286 : f32
      %slice3A_1296 = vector.extract_strided_slice %scan3A_1097#1 {offsets = [12], sizes = [1], strides = [1]} : vector<16xi32> to vector<1xi32>
      %squeeze3A_1297 = vector.extract %slice3A_1296[0] : i32 from vector<1xi32>
      %lt3A_1298 = arith.cmpi slt, %squeeze3A_1297, %select_n3A_1289 : i32
      %and3A_1299 = arith.andi %eq3A_1295, %lt3A_1298 : i1
      %or3A_1300 = arith.ori %gt3A_1292, %and3A_1299 : i1
      %slice3A_1301 = vector.extract_strided_slice %scan3A_1097#0 {offsets = [12], sizes = [1], strides = [1]} : vector<16xf32> to vector<1xf32>
      %squeeze3A_1302 = vector.extract %slice3A_1301[0] : f32 from vector<1xf32>
      %select_n3A_1303 = arith.select %or3A_1300, %squeeze3A_1302, %select_n3A_1286 : f32
      %slice3A_1304 = vector.extract_strided_slice %scan3A_1097#1 {offsets = [12], sizes = [1], strides = [1]} : vector<16xi32> to vector<1xi32>
      %squeeze3A_1305 = vector.extract %slice3A_1304[0] : i32 from vector<1xi32>
      %select_n3A_1306 = arith.select %or3A_1300, %squeeze3A_1305, %select_n3A_1289 : i32
      %slice3A_1307 = vector.extract_strided_slice %scan3A_1097#0 {offsets = [13], sizes = [1], strides = [1]} : vector<16xf32> to vector<1xf32>
      %squeeze3A_1308 = vector.extract %slice3A_1307[0] : f32 from vector<1xf32>
      %gt3A_1309 = arith.cmpf ogt, %squeeze3A_1308, %select_n3A_1303 : f32
      %slice3A_1310 = vector.extract_strided_slice %scan3A_1097#0 {offsets = [13], sizes = [1], strides = [1]} : vector<16xf32> to vector<1xf32>
      %squeeze3A_1311 = vector.extract %slice3A_1310[0] : f32 from vector<1xf32>
      %eq3A_1312 = arith.cmpf oeq, %squeeze3A_1311, %select_n3A_1303 : f32
      %slice3A_1313 = vector.extract_strided_slice %scan3A_1097#1 {offsets = [13], sizes = [1], strides = [1]} : vector<16xi32> to vector<1xi32>
      %squeeze3A_1314 = vector.extract %slice3A_1313[0] : i32 from vector<1xi32>
      %lt3A_1315 = arith.cmpi slt, %squeeze3A_1314, %select_n3A_1306 : i32
      %and3A_1316 = arith.andi %eq3A_1312, %lt3A_1315 : i1
      %or3A_1317 = arith.ori %gt3A_1309, %and3A_1316 : i1
      %slice3A_1318 = vector.extract_strided_slice %scan3A_1097#0 {offsets = [13], sizes = [1], strides = [1]} : vector<16xf32> to vector<1xf32>
      %squeeze3A_1319 = vector.extract %slice3A_1318[0] : f32 from vector<1xf32>
      %select_n3A_1320 = arith.select %or3A_1317, %squeeze3A_1319, %select_n3A_1303 : f32
      %slice3A_1321 = vector.extract_strided_slice %scan3A_1097#1 {offsets = [13], sizes = [1], strides = [1]} : vector<16xi32> to vector<1xi32>
      %squeeze3A_1322 = vector.extract %slice3A_1321[0] : i32 from vector<1xi32>
      %select_n3A_1323 = arith.select %or3A_1317, %squeeze3A_1322, %select_n3A_1306 : i32
      %slice3A_1324 = vector.extract_strided_slice %scan3A_1097#0 {offsets = [14], sizes = [1], strides = [1]} : vector<16xf32> to vector<1xf32>
      %squeeze3A_1325 = vector.extract %slice3A_1324[0] : f32 from vector<1xf32>
      %gt3A_1326 = arith.cmpf ogt, %squeeze3A_1325, %select_n3A_1320 : f32
      %slice3A_1327 = vector.extract_strided_slice %scan3A_1097#0 {offsets = [14], sizes = [1], strides = [1]} : vector<16xf32> to vector<1xf32>
      %squeeze3A_1328 = vector.extract %slice3A_1327[0] : f32 from vector<1xf32>
      %eq3A_1329 = arith.cmpf oeq, %squeeze3A_1328, %select_n3A_1320 : f32
      %slice3A_1330 = vector.extract_strided_slice %scan3A_1097#1 {offsets = [14], sizes = [1], strides = [1]} : vector<16xi32> to vector<1xi32>
      %squeeze3A_1331 = vector.extract %slice3A_1330[0] : i32 from vector<1xi32>
      %lt3A_1332 = arith.cmpi slt, %squeeze3A_1331, %select_n3A_1323 : i32
      %and3A_1333 = arith.andi %eq3A_1329, %lt3A_1332 : i1
      %or3A_1334 = arith.ori %gt3A_1326, %and3A_1333 : i1
      %slice3A_1335 = vector.extract_strided_slice %scan3A_1097#0 {offsets = [14], sizes = [1], strides = [1]} : vector<16xf32> to vector<1xf32>
      %squeeze3A_1336 = vector.extract %slice3A_1335[0] : f32 from vector<1xf32>
      %select_n3A_1337 = arith.select %or3A_1334, %squeeze3A_1336, %select_n3A_1320 : f32
      %slice3A_1338 = vector.extract_strided_slice %scan3A_1097#1 {offsets = [14], sizes = [1], strides = [1]} : vector<16xi32> to vector<1xi32>
      %squeeze3A_1339 = vector.extract %slice3A_1338[0] : i32 from vector<1xi32>
      %select_n3A_1340 = arith.select %or3A_1334, %squeeze3A_1339, %select_n3A_1323 : i32
      %slice3A_1341 = vector.extract_strided_slice %scan3A_1097#0 {offsets = [15], sizes = [1], strides = [1]} : vector<16xf32> to vector<1xf32>
      %squeeze3A_1342 = vector.extract %slice3A_1341[0] : f32 from vector<1xf32>
      %gt3A_1343 = arith.cmpf ogt, %squeeze3A_1342, %select_n3A_1337 : f32
      %slice3A_1344 = vector.extract_strided_slice %scan3A_1097#0 {offsets = [15], sizes = [1], strides = [1]} : vector<16xf32> to vector<1xf32>
      %squeeze3A_1345 = vector.extract %slice3A_1344[0] : f32 from vector<1xf32>
      %eq3A_1346 = arith.cmpf oeq, %squeeze3A_1345, %select_n3A_1337 : f32
      %slice3A_1347 = vector.extract_strided_slice %scan3A_1097#1 {offsets = [15], sizes = [1], strides = [1]} : vector<16xi32> to vector<1xi32>
      %squeeze3A_1348 = vector.extract %slice3A_1347[0] : i32 from vector<1xi32>
      %lt3A_1349 = arith.cmpi slt, %squeeze3A_1348, %select_n3A_1340 : i32
      %and3A_1350 = arith.andi %eq3A_1346, %lt3A_1349 : i1
      %or3A_1351 = arith.ori %gt3A_1343, %and3A_1350 : i1
      %slice3A_1352 = vector.extract_strided_slice %scan3A_1097#0 {offsets = [15], sizes = [1], strides = [1]} : vector<16xf32> to vector<1xf32>
      %squeeze3A_1353 = vector.extract %slice3A_1352[0] : f32 from vector<1xf32>
      %select_n3A_1354 = arith.select %or3A_1351, %squeeze3A_1353, %select_n3A_1337 : f32
      %slice3A_1355 = vector.extract_strided_slice %scan3A_1097#1 {offsets = [15], sizes = [1], strides = [1]} : vector<16xi32> to vector<1xi32>
      %squeeze3A_1356 = vector.extract %slice3A_1355[0] : i32 from vector<1xi32>
      %select_n3A_1357 = arith.select %or3A_1351, %squeeze3A_1356, %select_n3A_1340 : i32
      %and3A_1358 = arith.constant 127 : i32
      %and3A_1359 = arith.andi %select_n3A_1357, %and3A_1358 : i32
      %eq3A_1360 = arith.cmpi eq, %and3A_275, %and3A_275 : i32
      %convert_element_type3A = arith.extui %eq3A_1360 : i1 to i32
      %add3A_1361 = arith.constant 0 : i32
      %add3A_1362 = arith.addi %add3A_1361, %convert_element_type3A : i32
      %eq3A_1363 = arith.cmpi eq, %and3A_275, %and3A_546 : i32
      %convert_element_type3A_1364 = arith.extui %eq3A_1363 : i1 to i32
      %add3A_1365 = arith.addi %add3A_1362, %convert_element_type3A_1364 : i32
      %eq3A_1366 = arith.cmpi eq, %and3A_275, %and3A_817 : i32
      %convert_element_type3A_1367 = arith.extui %eq3A_1366 : i1 to i32
      %add3A_1368 = arith.addi %add3A_1365, %convert_element_type3A_1367 : i32
      %eq3A_1369 = arith.cmpi eq, %and3A_275, %and3A_1088 : i32
      %convert_element_type3A_1370 = arith.extui %eq3A_1369 : i1 to i32
      %add3A_1371 = arith.addi %add3A_1368, %convert_element_type3A_1370 : i32
      %eq3A_1372 = arith.cmpi eq, %and3A_275, %and3A_1359 : i32
      %convert_element_type3A_1373 = arith.extui %eq3A_1372 : i1 to i32
      %add3A_1374 = arith.addi %add3A_1371, %convert_element_type3A_1373 : i32
      %mul3A_1375 = arith.constant 1048576 : i32
      %mul3A_1376 = arith.muli %add3A_1374, %mul3A_1375 : i32
      %sub3A = arith.subi %mul3A_1376, %and3A_275 : i32
      %gt3A_1377 = arith.constant -1073741824 : i32
      %gt3A_1378 = arith.cmpi sgt, %sub3A, %gt3A_1377 : i32
      %jit3A = arith.constant 0 : i32
      %select_n3A_1379 = arith.select %gt3A_1378, %and3A_275, %jit3A : i32
      %max3A = arith.constant -1073741824 : i32
      %max3A_1380 = arith.maxsi %sub3A, %max3A : i32
      %eq3A_1381 = arith.cmpi eq, %and3A_546, %and3A_275 : i32
      %convert_element_type3A_1382 = arith.extui %eq3A_1381 : i1 to i32
      %add3A_1383 = arith.constant 0 : i32
      %add3A_1384 = arith.addi %add3A_1383, %convert_element_type3A_1382 : i32
      %eq3A_1385 = arith.cmpi eq, %and3A_546, %and3A_546 : i32
      %convert_element_type3A_1386 = arith.extui %eq3A_1385 : i1 to i32
      %add3A_1387 = arith.addi %add3A_1384, %convert_element_type3A_1386 : i32
      %eq3A_1388 = arith.cmpi eq, %and3A_546, %and3A_817 : i32
      %convert_element_type3A_1389 = arith.extui %eq3A_1388 : i1 to i32
      %add3A_1390 = arith.addi %add3A_1387, %convert_element_type3A_1389 : i32
      %eq3A_1391 = arith.cmpi eq, %and3A_546, %and3A_1088 : i32
      %convert_element_type3A_1392 = arith.extui %eq3A_1391 : i1 to i32
      %add3A_1393 = arith.addi %add3A_1390, %convert_element_type3A_1392 : i32
      %eq3A_1394 = arith.cmpi eq, %and3A_546, %and3A_1359 : i32
      %convert_element_type3A_1395 = arith.extui %eq3A_1394 : i1 to i32
      %add3A_1396 = arith.addi %add3A_1393, %convert_element_type3A_1395 : i32
      %mul3A_1397 = arith.constant 1048576 : i32
      %mul3A_1398 = arith.muli %add3A_1396, %mul3A_1397 : i32
      %sub3A_1399 = arith.subi %mul3A_1398, %and3A_546 : i32
      %gt3A_1400 = arith.cmpi sgt, %sub3A_1399, %max3A_1380 : i32
      %select_n3A_1401 = arith.select %gt3A_1400, %and3A_546, %select_n3A_1379 : i32
      %max3A_1402 = arith.maxsi %sub3A_1399, %max3A_1380 : i32
      %eq3A_1403 = arith.cmpi eq, %and3A_817, %and3A_275 : i32
      %convert_element_type3A_1404 = arith.extui %eq3A_1403 : i1 to i32
      %add3A_1405 = arith.constant 0 : i32
      %add3A_1406 = arith.addi %add3A_1405, %convert_element_type3A_1404 : i32
      %eq3A_1407 = arith.cmpi eq, %and3A_817, %and3A_546 : i32
      %convert_element_type3A_1408 = arith.extui %eq3A_1407 : i1 to i32
      %add3A_1409 = arith.addi %add3A_1406, %convert_element_type3A_1408 : i32
      %eq3A_1410 = arith.cmpi eq, %and3A_817, %and3A_817 : i32
      %convert_element_type3A_1411 = arith.extui %eq3A_1410 : i1 to i32
      %add3A_1412 = arith.addi %add3A_1409, %convert_element_type3A_1411 : i32
      %eq3A_1413 = arith.cmpi eq, %and3A_817, %and3A_1088 : i32
      %convert_element_type3A_1414 = arith.extui %eq3A_1413 : i1 to i32
      %add3A_1415 = arith.addi %add3A_1412, %convert_element_type3A_1414 : i32
      %eq3A_1416 = arith.cmpi eq, %and3A_817, %and3A_1359 : i32
      %convert_element_type3A_1417 = arith.extui %eq3A_1416 : i1 to i32
      %add3A_1418 = arith.addi %add3A_1415, %convert_element_type3A_1417 : i32
      %mul3A_1419 = arith.constant 1048576 : i32
      %mul3A_1420 = arith.muli %add3A_1418, %mul3A_1419 : i32
      %sub3A_1421 = arith.subi %mul3A_1420, %and3A_817 : i32
      %gt3A_1422 = arith.cmpi sgt, %sub3A_1421, %max3A_1402 : i32
      %select_n3A_1423 = arith.select %gt3A_1422, %and3A_817, %select_n3A_1401 : i32
      %max3A_1424 = arith.maxsi %sub3A_1421, %max3A_1402 : i32
      %eq3A_1425 = arith.cmpi eq, %and3A_1088, %and3A_275 : i32
      %convert_element_type3A_1426 = arith.extui %eq3A_1425 : i1 to i32
      %add3A_1427 = arith.constant 0 : i32
      %add3A_1428 = arith.addi %add3A_1427, %convert_element_type3A_1426 : i32
      %eq3A_1429 = arith.cmpi eq, %and3A_1088, %and3A_546 : i32
      %convert_element_type3A_1430 = arith.extui %eq3A_1429 : i1 to i32
      %add3A_1431 = arith.addi %add3A_1428, %convert_element_type3A_1430 : i32
      %eq3A_1432 = arith.cmpi eq, %and3A_1088, %and3A_817 : i32
      %convert_element_type3A_1433 = arith.extui %eq3A_1432 : i1 to i32
      %add3A_1434 = arith.addi %add3A_1431, %convert_element_type3A_1433 : i32
      %eq3A_1435 = arith.cmpi eq, %and3A_1088, %and3A_1088 : i32
      %convert_element_type3A_1436 = arith.extui %eq3A_1435 : i1 to i32
      %add3A_1437 = arith.addi %add3A_1434, %convert_element_type3A_1436 : i32
      %eq3A_1438 = arith.cmpi eq, %and3A_1088, %and3A_1359 : i32
      %convert_element_type3A_1439 = arith.extui %eq3A_1438 : i1 to i32
      %add3A_1440 = arith.addi %add3A_1437, %convert_element_type3A_1439 : i32
      %mul3A_1441 = arith.constant 1048576 : i32
      %mul3A_1442 = arith.muli %add3A_1440, %mul3A_1441 : i32
      %sub3A_1443 = arith.subi %mul3A_1442, %and3A_1088 : i32
      %gt3A_1444 = arith.cmpi sgt, %sub3A_1443, %max3A_1424 : i32
      %select_n3A_1445 = arith.select %gt3A_1444, %and3A_1088, %select_n3A_1423 : i32
      %max3A_1446 = arith.maxsi %sub3A_1443, %max3A_1424 : i32
      %eq3A_1447 = arith.cmpi eq, %and3A_1359, %and3A_275 : i32
      %convert_element_type3A_1448 = arith.extui %eq3A_1447 : i1 to i32
      %add3A_1449 = arith.constant 0 : i32
      %add3A_1450 = arith.addi %add3A_1449, %convert_element_type3A_1448 : i32
      %eq3A_1451 = arith.cmpi eq, %and3A_1359, %and3A_546 : i32
      %convert_element_type3A_1452 = arith.extui %eq3A_1451 : i1 to i32
      %add3A_1453 = arith.addi %add3A_1450, %convert_element_type3A_1452 : i32
      %eq3A_1454 = arith.cmpi eq, %and3A_1359, %and3A_817 : i32
      %convert_element_type3A_1455 = arith.extui %eq3A_1454 : i1 to i32
      %add3A_1456 = arith.addi %add3A_1453, %convert_element_type3A_1455 : i32
      %eq3A_1457 = arith.cmpi eq, %and3A_1359, %and3A_1088 : i32
      %convert_element_type3A_1458 = arith.extui %eq3A_1457 : i1 to i32
      %add3A_1459 = arith.addi %add3A_1456, %convert_element_type3A_1458 : i32
      %eq3A_1460 = arith.cmpi eq, %and3A_1359, %and3A_1359 : i32
      %convert_element_type3A_1461 = arith.extui %eq3A_1460 : i1 to i32
      %add3A_1462 = arith.addi %add3A_1459, %convert_element_type3A_1461 : i32
      %mul3A_1463 = arith.constant 1048576 : i32
      %mul3A_1464 = arith.muli %add3A_1462, %mul3A_1463 : i32
      %sub3A_1465 = arith.subi %mul3A_1464, %and3A_1359 : i32
      %gt3A_1466 = arith.cmpi sgt, %sub3A_1465, %max3A_1446 : i32
      %select_n3A_1467 = arith.select %gt3A_1466, %and3A_1359, %select_n3A_1445 : i32
      %max3A_1468 = arith.maxsi %sub3A_1465, %max3A_1446 : i32
      %iota3A = tpu.iota {dimensions = array<i32: 0>} : vector<16xi32>
      %eq3A_1469 = arith.constant 0 : i32
      %eq3A_1470 = vector.broadcast %eq3A_1469 : i32 to vector<16xi32>
      %eq3A_1471 = arith.cmpi eq, %iota3A, %eq3A_1470 : vector<16xi32>
      %get3A = arith.index_cast %scan3A_11 : i32 to index
      %get3A_1472 = tpu.vector_load %arg8[%get3A] {strides = array<i32>} : memref<48xi32, #tpu.memory_space<vmem>>, vector<16xi32>,
      %get3A_1473 = vector.shape_cast %get3A_1472 : vector<16xi32> to vector<16xi32>
      %broadcast_in_dim3A_1474 = vector.broadcast %select_n3A_1467 : i32 to vector<16xi32>
      %select_n3A_1475 = arith.select %eq3A_1471, %broadcast_in_dim3A_1474, %get3A_1473 : vector<16xi1>, vector<16xi32>
      %swap3A = arith.index_cast %scan3A_11 : i32 to index
      %swap3A_1476 = tpu.vector_load %arg8[%swap3A] {strides = array<i32>} : memref<48xi32, #tpu.memory_space<vmem>>, vector<16xi32>,
      %swap3A_1477 = vector.shape_cast %swap3A_1476 : vector<16xi32> to vector<16xi32>
      %swap3A_1478 = vector.shape_cast %select_n3A_1475 : vector<16xi32> to vector<16xi32>
      tpu.vector_store %arg8[%swap3A], %swap3A_1478 {strides = array<i32>} : memref<48xi32, #tpu.memory_space<vmem>>, vector<16xi32>,
      %scan3A_1479 = arith.constant 0 : i32
      scf.yield %scan3A_1479 : i32
    }
    %scan3A_8 = arith.constant 24 : i32
    %mul3A_9 = arith.constant 32 : i32
    %mul3A_10 = arith.muli %add3A, %mul3A_9 : i32
    "tpu.region"() ({
      %run_scoped3A = tpu.sem_alloc : memref<!tpu.dma_semaphore, #tpu.memory_space<semaphore_mem>>
      %dma_start3A = arith.constant 0 : i32
      %dma_start3A_11 = tpu.memref_slice %arg8[%dma_start3A] : memref<48xi32, #tpu.memory_space<vmem>> -> memref<32xi32, #tpu.memory_space<vmem>>
      %dma_start3A_12 = tpu.memref_slice %arg4[%mul3A_10] : memref<1024xi32, #tpu.memory_space<hbm>> -> memref<32xi32, #tpu.memory_space<hbm>>
      %dma_start3A_13 = tpu.memref_slice %arg4[%mul3A_10] : memref<1024xi32, #tpu.memory_space<hbm>> -> memref<32xi32, #tpu.memory_space<hbm>>
      %dma_start3A_14 = arith.constant 0 : i32
      %dma_start3A_15 = tpu.memref_slice %arg8[%dma_start3A_14] : memref<48xi32, #tpu.memory_space<vmem>> -> memref<32xi32, #tpu.memory_space<vmem>>
      tpu.enqueue_dma source(%dma_start3A_15 : memref<32xi32, #tpu.memory_space<vmem>>) target(%dma_start3A_13 : memref<32xi32, #tpu.memory_space<hbm>>) target_semaphore(%run_scoped3A : memref<!tpu.dma_semaphore, #tpu.memory_space<semaphore_mem>>)
      %dma_wait3A = arith.constant 0 : i32
      %dma_wait3A_16 = tpu.memref_slice %arg8[%dma_wait3A] : memref<48xi32, #tpu.memory_space<vmem>> -> memref<32xi32, #tpu.memory_space<vmem>>
      %dma_wait3A_17 = tpu.memref_slice %arg4[%mul3A_10] : memref<1024xi32, #tpu.memory_space<hbm>> -> memref<32xi32, #tpu.memory_space<hbm>>
      %dma_wait3A_18 = tpu.memref_slice %arg4[%mul3A_10] : memref<1024xi32, #tpu.memory_space<hbm>> -> memref<32xi32, #tpu.memory_space<hbm>>
      %dma_wait3A_19 = arith.constant 0 : i32
      %dma_wait3A_20 = tpu.memref_slice %arg8[%dma_wait3A_19] : memref<48xi32, #tpu.memory_space<vmem>> -> memref<32xi32, #tpu.memory_space<vmem>>
      tpu.wait_dma2 semaphore(%run_scoped3A : memref<!tpu.dma_semaphore, #tpu.memory_space<semaphore_mem>>) src(%dma_wait3A_20 : memref<32xi32, #tpu.memory_space<vmem>>) dst(%dma_wait3A_18 : memref<32xi32, #tpu.memory_space<hbm>>)
      tpu.yield
    }) : () -> ()
    return
  }
}

module attributes {stable_mosaic.version = 14 : i64} {
  func.func @_finish_body(%arg0: memref<768x2048xf32, #tpu.memory_space<vmem>>, %arg1: memref<1x2048xi32, #tpu.memory_space<vmem>>, %arg2: memref<768x1xi32, #tpu.memory_space<vmem>>, %arg3: memref<1x1xf32, #tpu.memory_space<vmem>>) attributes {dimension_semantics = [], scalar_prefetch = 0 : i64, scratch_operands = 0 : i64, tpu.core_type = #tpu.core_type<tc>} {
    %get3A = arith.constant 0 : index
    %get3A_0 = arith.constant 0 : index
    %get3A_1 = vector.load %arg0[%get3A, %get3A_0] : memref<768x2048xf32, #tpu.memory_space<vmem>>, vector<768x2048xf32>
    %get3A_2 = arith.constant 0 : index
    %get3A_3 = arith.constant 0 : index
    %get3A_4 = vector.load %arg1[%get3A_2, %get3A_3] : memref<1x2048xi32, #tpu.memory_space<vmem>>, vector<1x2048xi32>
    %get3A_5 = arith.constant 0 : index
    %get3A_6 = arith.constant 0 : index
    %get3A_7 = vector.load %arg2[%get3A_5, %get3A_6] : memref<768x1xi32, #tpu.memory_space<vmem>>, vector<768x1xi32>
    %eq3A = vector.broadcast %get3A_4 : vector<1x2048xi32> to vector<768x2048xi32>
    %eq3A_8 = vector.broadcast %get3A_7 : vector<768x1xi32> to vector<768x2048xi32>
    %eq3A_9 = arith.cmpi eq, %eq3A, %eq3A_8 : vector<768x2048xi32>
    %jit3A = arith.constant -3.000000e+00 : f32
    %broadcast_in_dim3A = vector.broadcast %jit3A : f32 to vector<768x2048xf32>
    %select_n3A = arith.select %eq3A_9, %get3A_1, %broadcast_in_dim3A : vector<768x2048xi1>, vector<768x2048xf32>
    %broadcast_in_dim3A_10 = arith.constant 0.000000e+00 : f32
    %broadcast_in_dim3A_11 = vector.broadcast %broadcast_in_dim3A_10 : f32 to vector<768x1xf32>
    %broadcast_in_dim3A_12 = arith.constant 4.000000e+00 : f32
    %broadcast_in_dim3A_13 = vector.broadcast %broadcast_in_dim3A_12 : f32 to vector<768x1xf32>
    %reduce_max3A = arith.constant dense<0xFF800000> : vector<768xf32>
    %reduce_max3A_14 = vector.multi_reduction <maximumf>, %select_n3A, %reduce_max3A [1] : vector<768x2048xf32> to vector<768xf32>
    %broadcast_in_dim3A_15 = vector.shape_cast %reduce_max3A_14 : vector<768xf32> to vector<768x1xf32>
    %eq3A_16 = vector.broadcast %broadcast_in_dim3A_15 : vector<768x1xf32> to vector<768x2048xf32>
    %eq3A_17 = arith.cmpf oeq, %select_n3A, %eq3A_16 : vector<768x2048xf32>
    %convert_element_type3A = arith.extui %eq3A_17 : vector<768x2048xi1> to vector<768x2048xi32>
    %convert_element_type3A_18 = arith.sitofp %convert_element_type3A : vector<768x2048xi32> to vector<768x2048xf32>
    %reduce_sum3A = arith.constant dense<0.000000e+00> : vector<768xf32>
    %reduce_sum3A_19 = vector.multi_reduction <add>, %convert_element_type3A_18, %reduce_sum3A [1] : vector<768x2048xf32> to vector<768xf32>
    %broadcast_in_dim3A_20 = vector.shape_cast %reduce_sum3A_19 : vector<768xf32> to vector<768x1xf32>
    %min3A = arith.minimumf %broadcast_in_dim3A_20, %broadcast_in_dim3A_13 : vector<768x1xf32>
    %gt3A = arith.constant -2.000000e+00 : f32
    %gt3A_21 = vector.broadcast %gt3A : f32 to vector<768x1xf32>
    %gt3A_22 = arith.cmpf ogt, %broadcast_in_dim3A_15, %gt3A_21 : vector<768x1xf32>
    %mul3A = arith.mulf %broadcast_in_dim3A_15, %min3A : vector<768x1xf32>
    %jit3A_23 = arith.constant 0.000000e+00 : f32
    %broadcast_in_dim3A_24 = vector.broadcast %jit3A_23 : f32 to vector<768x1xf32>
    %select_n3A_25 = arith.select %gt3A_22, %mul3A, %broadcast_in_dim3A_24 : vector<768x1xi1>, vector<768x1xf32>
    %add3A = arith.addf %broadcast_in_dim3A_11, %select_n3A_25 : vector<768x1xf32>
    %sub3A = arith.subf %broadcast_in_dim3A_13, %min3A : vector<768x1xf32>
    %jit3A_26 = arith.constant -3.000000e+00 : f32
    %broadcast_in_dim3A_27 = vector.broadcast %jit3A_26 : f32 to vector<768x2048xf32>
    %select_n3A_28 = arith.select %eq3A_17, %broadcast_in_dim3A_27, %select_n3A : vector<768x2048xi1>, vector<768x2048xf32>
    %reduce_max3A_29 = arith.constant dense<0xFF800000> : vector<768xf32>
    %reduce_max3A_30 = vector.multi_reduction <maximumf>, %select_n3A_28, %reduce_max3A_29 [1] : vector<768x2048xf32> to vector<768xf32>
    %broadcast_in_dim3A_31 = vector.shape_cast %reduce_max3A_30 : vector<768xf32> to vector<768x1xf32>
    %eq3A_32 = vector.broadcast %broadcast_in_dim3A_31 : vector<768x1xf32> to vector<768x2048xf32>
    %eq3A_33 = arith.cmpf oeq, %select_n3A_28, %eq3A_32 : vector<768x2048xf32>
    %convert_element_type3A_34 = arith.extui %eq3A_33 : vector<768x2048xi1> to vector<768x2048xi32>
    %convert_element_type3A_35 = arith.sitofp %convert_element_type3A_34 : vector<768x2048xi32> to vector<768x2048xf32>
    %reduce_sum3A_36 = arith.constant dense<0.000000e+00> : vector<768xf32>
    %reduce_sum3A_37 = vector.multi_reduction <add>, %convert_element_type3A_35, %reduce_sum3A_36 [1] : vector<768x2048xf32> to vector<768xf32>
    %broadcast_in_dim3A_38 = vector.shape_cast %reduce_sum3A_37 : vector<768xf32> to vector<768x1xf32>
    %min3A_39 = arith.minimumf %broadcast_in_dim3A_38, %sub3A : vector<768x1xf32>
    %gt3A_40 = arith.constant -2.000000e+00 : f32
    %gt3A_41 = vector.broadcast %gt3A_40 : f32 to vector<768x1xf32>
    %gt3A_42 = arith.cmpf ogt, %broadcast_in_dim3A_31, %gt3A_41 : vector<768x1xf32>
    %mul3A_43 = arith.mulf %broadcast_in_dim3A_31, %min3A_39 : vector<768x1xf32>
    %jit3A_44 = arith.constant 0.000000e+00 : f32
    %broadcast_in_dim3A_45 = vector.broadcast %jit3A_44 : f32 to vector<768x1xf32>
    %select_n3A_46 = arith.select %gt3A_42, %mul3A_43, %broadcast_in_dim3A_45 : vector<768x1xi1>, vector<768x1xf32>
    %add3A_47 = arith.addf %add3A, %select_n3A_46 : vector<768x1xf32>
    %sub3A_48 = arith.subf %sub3A, %min3A_39 : vector<768x1xf32>
    %jit3A_49 = arith.constant -3.000000e+00 : f32
    %broadcast_in_dim3A_50 = vector.broadcast %jit3A_49 : f32 to vector<768x2048xf32>
    %select_n3A_51 = arith.select %eq3A_33, %broadcast_in_dim3A_50, %select_n3A_28 : vector<768x2048xi1>, vector<768x2048xf32>
    %reduce_max3A_52 = arith.constant dense<0xFF800000> : vector<768xf32>
    %reduce_max3A_53 = vector.multi_reduction <maximumf>, %select_n3A_51, %reduce_max3A_52 [1] : vector<768x2048xf32> to vector<768xf32>
    %broadcast_in_dim3A_54 = vector.shape_cast %reduce_max3A_53 : vector<768xf32> to vector<768x1xf32>
    %eq3A_55 = vector.broadcast %broadcast_in_dim3A_54 : vector<768x1xf32> to vector<768x2048xf32>
    %eq3A_56 = arith.cmpf oeq, %select_n3A_51, %eq3A_55 : vector<768x2048xf32>
    %convert_element_type3A_57 = arith.extui %eq3A_56 : vector<768x2048xi1> to vector<768x2048xi32>
    %convert_element_type3A_58 = arith.sitofp %convert_element_type3A_57 : vector<768x2048xi32> to vector<768x2048xf32>
    %reduce_sum3A_59 = arith.constant dense<0.000000e+00> : vector<768xf32>
    %reduce_sum3A_60 = vector.multi_reduction <add>, %convert_element_type3A_58, %reduce_sum3A_59 [1] : vector<768x2048xf32> to vector<768xf32>
    %broadcast_in_dim3A_61 = vector.shape_cast %reduce_sum3A_60 : vector<768xf32> to vector<768x1xf32>
    %min3A_62 = arith.minimumf %broadcast_in_dim3A_61, %sub3A_48 : vector<768x1xf32>
    %gt3A_63 = arith.constant -2.000000e+00 : f32
    %gt3A_64 = vector.broadcast %gt3A_63 : f32 to vector<768x1xf32>
    %gt3A_65 = arith.cmpf ogt, %broadcast_in_dim3A_54, %gt3A_64 : vector<768x1xf32>
    %mul3A_66 = arith.mulf %broadcast_in_dim3A_54, %min3A_62 : vector<768x1xf32>
    %jit3A_67 = arith.constant 0.000000e+00 : f32
    %broadcast_in_dim3A_68 = vector.broadcast %jit3A_67 : f32 to vector<768x1xf32>
    %select_n3A_69 = arith.select %gt3A_65, %mul3A_66, %broadcast_in_dim3A_68 : vector<768x1xi1>, vector<768x1xf32>
    %add3A_70 = arith.addf %add3A_47, %select_n3A_69 : vector<768x1xf32>
    %sub3A_71 = arith.subf %sub3A_48, %min3A_62 : vector<768x1xf32>
    %jit3A_72 = arith.constant -3.000000e+00 : f32
    %broadcast_in_dim3A_73 = vector.broadcast %jit3A_72 : f32 to vector<768x2048xf32>
    %select_n3A_74 = arith.select %eq3A_56, %broadcast_in_dim3A_73, %select_n3A_51 : vector<768x2048xi1>, vector<768x2048xf32>
    %reduce_max3A_75 = arith.constant dense<0xFF800000> : vector<768xf32>
    %reduce_max3A_76 = vector.multi_reduction <maximumf>, %select_n3A_74, %reduce_max3A_75 [1] : vector<768x2048xf32> to vector<768xf32>
    %broadcast_in_dim3A_77 = vector.shape_cast %reduce_max3A_76 : vector<768xf32> to vector<768x1xf32>
    %eq3A_78 = vector.broadcast %broadcast_in_dim3A_77 : vector<768x1xf32> to vector<768x2048xf32>
    %eq3A_79 = arith.cmpf oeq, %select_n3A_74, %eq3A_78 : vector<768x2048xf32>
    %convert_element_type3A_80 = arith.extui %eq3A_79 : vector<768x2048xi1> to vector<768x2048xi32>
    %convert_element_type3A_81 = arith.sitofp %convert_element_type3A_80 : vector<768x2048xi32> to vector<768x2048xf32>
    %reduce_sum3A_82 = arith.constant dense<0.000000e+00> : vector<768xf32>
    %reduce_sum3A_83 = vector.multi_reduction <add>, %convert_element_type3A_81, %reduce_sum3A_82 [1] : vector<768x2048xf32> to vector<768xf32>
    %broadcast_in_dim3A_84 = vector.shape_cast %reduce_sum3A_83 : vector<768xf32> to vector<768x1xf32>
    %min3A_85 = arith.minimumf %broadcast_in_dim3A_84, %sub3A_71 : vector<768x1xf32>
    %gt3A_86 = arith.constant -2.000000e+00 : f32
    %gt3A_87 = vector.broadcast %gt3A_86 : f32 to vector<768x1xf32>
    %gt3A_88 = arith.cmpf ogt, %broadcast_in_dim3A_77, %gt3A_87 : vector<768x1xf32>
    %mul3A_89 = arith.mulf %broadcast_in_dim3A_77, %min3A_85 : vector<768x1xf32>
    %jit3A_90 = arith.constant 0.000000e+00 : f32
    %broadcast_in_dim3A_91 = vector.broadcast %jit3A_90 : f32 to vector<768x1xf32>
    %select_n3A_92 = arith.select %gt3A_88, %mul3A_89, %broadcast_in_dim3A_91 : vector<768x1xi1>, vector<768x1xf32>
    %add3A_93 = arith.addf %add3A_70, %select_n3A_92 : vector<768x1xf32>
    %not3A = arith.constant dense<true> : vector<768x2048xi1>
    %not3A_94 = arith.xori %eq3A_9, %not3A : vector<768x2048xi1>
    %jit3A_95 = arith.constant -3.000000e+00 : f32
    %broadcast_in_dim3A_96 = vector.broadcast %jit3A_95 : f32 to vector<768x2048xf32>
    %select_n3A_97 = arith.select %not3A_94, %get3A_1, %broadcast_in_dim3A_96 : vector<768x2048xi1>, vector<768x2048xf32>
    %broadcast_in_dim3A_98 = arith.constant 0.000000e+00 : f32
    %broadcast_in_dim3A_99 = vector.broadcast %broadcast_in_dim3A_98 : f32 to vector<768x1xf32>
    %broadcast_in_dim3A_100 = arith.constant 4.000000e+00 : f32
    %broadcast_in_dim3A_101 = vector.broadcast %broadcast_in_dim3A_100 : f32 to vector<768x1xf32>
    %reduce_max3A_102 = arith.constant dense<0xFF800000> : vector<768xf32>
    %reduce_max3A_103 = vector.multi_reduction <maximumf>, %select_n3A_97, %reduce_max3A_102 [1] : vector<768x2048xf32> to vector<768xf32>
    %broadcast_in_dim3A_104 = vector.shape_cast %reduce_max3A_103 : vector<768xf32> to vector<768x1xf32>
    %eq3A_105 = vector.broadcast %broadcast_in_dim3A_104 : vector<768x1xf32> to vector<768x2048xf32>
    %eq3A_106 = arith.cmpf oeq, %select_n3A_97, %eq3A_105 : vector<768x2048xf32>
    %convert_element_type3A_107 = arith.extui %eq3A_106 : vector<768x2048xi1> to vector<768x2048xi32>
    %convert_element_type3A_108 = arith.sitofp %convert_element_type3A_107 : vector<768x2048xi32> to vector<768x2048xf32>
    %reduce_sum3A_109 = arith.constant dense<0.000000e+00> : vector<768xf32>
    %reduce_sum3A_110 = vector.multi_reduction <add>, %convert_element_type3A_108, %reduce_sum3A_109 [1] : vector<768x2048xf32> to vector<768xf32>
    %broadcast_in_dim3A_111 = vector.shape_cast %reduce_sum3A_110 : vector<768xf32> to vector<768x1xf32>
    %min3A_112 = arith.minimumf %broadcast_in_dim3A_111, %broadcast_in_dim3A_101 : vector<768x1xf32>
    %gt3A_113 = arith.constant -2.000000e+00 : f32
    %gt3A_114 = vector.broadcast %gt3A_113 : f32 to vector<768x1xf32>
    %gt3A_115 = arith.cmpf ogt, %broadcast_in_dim3A_104, %gt3A_114 : vector<768x1xf32>
    %mul3A_116 = arith.mulf %broadcast_in_dim3A_104, %min3A_112 : vector<768x1xf32>
    %jit3A_117 = arith.constant 0.000000e+00 : f32
    %broadcast_in_dim3A_118 = vector.broadcast %jit3A_117 : f32 to vector<768x1xf32>
    %select_n3A_119 = arith.select %gt3A_115, %mul3A_116, %broadcast_in_dim3A_118 : vector<768x1xi1>, vector<768x1xf32>
    %add3A_120 = arith.addf %broadcast_in_dim3A_99, %select_n3A_119 : vector<768x1xf32>
    %sub3A_121 = arith.subf %broadcast_in_dim3A_101, %min3A_112 : vector<768x1xf32>
    %jit3A_122 = arith.constant -3.000000e+00 : f32
    %broadcast_in_dim3A_123 = vector.broadcast %jit3A_122 : f32 to vector<768x2048xf32>
    %select_n3A_124 = arith.select %eq3A_106, %broadcast_in_dim3A_123, %select_n3A_97 : vector<768x2048xi1>, vector<768x2048xf32>
    %reduce_max3A_125 = arith.constant dense<0xFF800000> : vector<768xf32>
    %reduce_max3A_126 = vector.multi_reduction <maximumf>, %select_n3A_124, %reduce_max3A_125 [1] : vector<768x2048xf32> to vector<768xf32>
    %broadcast_in_dim3A_127 = vector.shape_cast %reduce_max3A_126 : vector<768xf32> to vector<768x1xf32>
    %eq3A_128 = vector.broadcast %broadcast_in_dim3A_127 : vector<768x1xf32> to vector<768x2048xf32>
    %eq3A_129 = arith.cmpf oeq, %select_n3A_124, %eq3A_128 : vector<768x2048xf32>
    %convert_element_type3A_130 = arith.extui %eq3A_129 : vector<768x2048xi1> to vector<768x2048xi32>
    %convert_element_type3A_131 = arith.sitofp %convert_element_type3A_130 : vector<768x2048xi32> to vector<768x2048xf32>
    %reduce_sum3A_132 = arith.constant dense<0.000000e+00> : vector<768xf32>
    %reduce_sum3A_133 = vector.multi_reduction <add>, %convert_element_type3A_131, %reduce_sum3A_132 [1] : vector<768x2048xf32> to vector<768xf32>
    %broadcast_in_dim3A_134 = vector.shape_cast %reduce_sum3A_133 : vector<768xf32> to vector<768x1xf32>
    %min3A_135 = arith.minimumf %broadcast_in_dim3A_134, %sub3A_121 : vector<768x1xf32>
    %gt3A_136 = arith.constant -2.000000e+00 : f32
    %gt3A_137 = vector.broadcast %gt3A_136 : f32 to vector<768x1xf32>
    %gt3A_138 = arith.cmpf ogt, %broadcast_in_dim3A_127, %gt3A_137 : vector<768x1xf32>
    %mul3A_139 = arith.mulf %broadcast_in_dim3A_127, %min3A_135 : vector<768x1xf32>
    %jit3A_140 = arith.constant 0.000000e+00 : f32
    %broadcast_in_dim3A_141 = vector.broadcast %jit3A_140 : f32 to vector<768x1xf32>
    %select_n3A_142 = arith.select %gt3A_138, %mul3A_139, %broadcast_in_dim3A_141 : vector<768x1xi1>, vector<768x1xf32>
    %add3A_143 = arith.addf %add3A_120, %select_n3A_142 : vector<768x1xf32>
    %sub3A_144 = arith.subf %sub3A_121, %min3A_135 : vector<768x1xf32>
    %jit3A_145 = arith.constant -3.000000e+00 : f32
    %broadcast_in_dim3A_146 = vector.broadcast %jit3A_145 : f32 to vector<768x2048xf32>
    %select_n3A_147 = arith.select %eq3A_129, %broadcast_in_dim3A_146, %select_n3A_124 : vector<768x2048xi1>, vector<768x2048xf32>
    %reduce_max3A_148 = arith.constant dense<0xFF800000> : vector<768xf32>
    %reduce_max3A_149 = vector.multi_reduction <maximumf>, %select_n3A_147, %reduce_max3A_148 [1] : vector<768x2048xf32> to vector<768xf32>
    %broadcast_in_dim3A_150 = vector.shape_cast %reduce_max3A_149 : vector<768xf32> to vector<768x1xf32>
    %eq3A_151 = vector.broadcast %broadcast_in_dim3A_150 : vector<768x1xf32> to vector<768x2048xf32>
    %eq3A_152 = arith.cmpf oeq, %select_n3A_147, %eq3A_151 : vector<768x2048xf32>
    %convert_element_type3A_153 = arith.extui %eq3A_152 : vector<768x2048xi1> to vector<768x2048xi32>
    %convert_element_type3A_154 = arith.sitofp %convert_element_type3A_153 : vector<768x2048xi32> to vector<768x2048xf32>
    %reduce_sum3A_155 = arith.constant dense<0.000000e+00> : vector<768xf32>
    %reduce_sum3A_156 = vector.multi_reduction <add>, %convert_element_type3A_154, %reduce_sum3A_155 [1] : vector<768x2048xf32> to vector<768xf32>
    %broadcast_in_dim3A_157 = vector.shape_cast %reduce_sum3A_156 : vector<768xf32> to vector<768x1xf32>
    %min3A_158 = arith.minimumf %broadcast_in_dim3A_157, %sub3A_144 : vector<768x1xf32>
    %gt3A_159 = arith.constant -2.000000e+00 : f32
    %gt3A_160 = vector.broadcast %gt3A_159 : f32 to vector<768x1xf32>
    %gt3A_161 = arith.cmpf ogt, %broadcast_in_dim3A_150, %gt3A_160 : vector<768x1xf32>
    %mul3A_162 = arith.mulf %broadcast_in_dim3A_150, %min3A_158 : vector<768x1xf32>
    %jit3A_163 = arith.constant 0.000000e+00 : f32
    %broadcast_in_dim3A_164 = vector.broadcast %jit3A_163 : f32 to vector<768x1xf32>
    %select_n3A_165 = arith.select %gt3A_161, %mul3A_162, %broadcast_in_dim3A_164 : vector<768x1xi1>, vector<768x1xf32>
    %add3A_166 = arith.addf %add3A_143, %select_n3A_165 : vector<768x1xf32>
    %sub3A_167 = arith.subf %sub3A_144, %min3A_158 : vector<768x1xf32>
    %jit3A_168 = arith.constant -3.000000e+00 : f32
    %broadcast_in_dim3A_169 = vector.broadcast %jit3A_168 : f32 to vector<768x2048xf32>
    %select_n3A_170 = arith.select %eq3A_152, %broadcast_in_dim3A_169, %select_n3A_147 : vector<768x2048xi1>, vector<768x2048xf32>
    %reduce_max3A_171 = arith.constant dense<0xFF800000> : vector<768xf32>
    %reduce_max3A_172 = vector.multi_reduction <maximumf>, %select_n3A_170, %reduce_max3A_171 [1] : vector<768x2048xf32> to vector<768xf32>
    %broadcast_in_dim3A_173 = vector.shape_cast %reduce_max3A_172 : vector<768xf32> to vector<768x1xf32>
    %eq3A_174 = vector.broadcast %broadcast_in_dim3A_173 : vector<768x1xf32> to vector<768x2048xf32>
    %eq3A_175 = arith.cmpf oeq, %select_n3A_170, %eq3A_174 : vector<768x2048xf32>
    %convert_element_type3A_176 = arith.extui %eq3A_175 : vector<768x2048xi1> to vector<768x2048xi32>
    %convert_element_type3A_177 = arith.sitofp %convert_element_type3A_176 : vector<768x2048xi32> to vector<768x2048xf32>
    %reduce_sum3A_178 = arith.constant dense<0.000000e+00> : vector<768xf32>
    %reduce_sum3A_179 = vector.multi_reduction <add>, %convert_element_type3A_177, %reduce_sum3A_178 [1] : vector<768x2048xf32> to vector<768xf32>
    %broadcast_in_dim3A_180 = vector.shape_cast %reduce_sum3A_179 : vector<768xf32> to vector<768x1xf32>
    %min3A_181 = arith.minimumf %broadcast_in_dim3A_180, %sub3A_167 : vector<768x1xf32>
    %gt3A_182 = arith.constant -2.000000e+00 : f32
    %gt3A_183 = vector.broadcast %gt3A_182 : f32 to vector<768x1xf32>
    %gt3A_184 = arith.cmpf ogt, %broadcast_in_dim3A_173, %gt3A_183 : vector<768x1xf32>
    %mul3A_185 = arith.mulf %broadcast_in_dim3A_173, %min3A_181 : vector<768x1xf32>
    %jit3A_186 = arith.constant 0.000000e+00 : f32
    %broadcast_in_dim3A_187 = vector.broadcast %jit3A_186 : f32 to vector<768x1xf32>
    %select_n3A_188 = arith.select %gt3A_184, %mul3A_185, %broadcast_in_dim3A_187 : vector<768x1xi1>, vector<768x1xf32>
    %add3A_189 = arith.addf %add3A_166, %select_n3A_188 : vector<768x1xf32>
    %div3A = arith.divf %add3A_93, %add3A_189 : vector<768x1xf32>
    %reduce_max3A_190 = arith.constant dense<0xFF800000> : vector<768xf32>
    %reduce_max3A_191 = vector.multi_reduction <maximumf>, %get3A_1, %reduce_max3A_190 [1] : vector<768x2048xf32> to vector<768xf32>
    %broadcast_in_dim3A_192 = vector.shape_cast %reduce_max3A_191 : vector<768xf32> to vector<768x1xf32>
    %sub3A_193 = vector.broadcast %broadcast_in_dim3A_192 : vector<768x1xf32> to vector<768x2048xf32>
    %sub3A_194 = arith.subf %get3A_1, %sub3A_193 : vector<768x2048xf32>
    %mul3A_195 = arith.constant 14.2857141 : f32
    %mul3A_196 = vector.broadcast %mul3A_195 : f32 to vector<768x2048xf32>
    %mul3A_197 = arith.mulf %sub3A_194, %mul3A_196 : vector<768x2048xf32>
    %exp3A = math.exp %mul3A_197 : vector<768x2048xf32>
    %reduce_sum3A_198 = arith.constant dense<0.000000e+00> : vector<768xf32>
    %reduce_sum3A_199 = vector.multi_reduction <add>, %exp3A, %reduce_sum3A_198 [1] : vector<768x2048xf32> to vector<768xf32>
    %broadcast_in_dim3A_200 = vector.shape_cast %reduce_sum3A_199 : vector<768xf32> to vector<768x1xf32>
    %jit3A_201 = arith.constant 0.000000e+00 : f32
    %broadcast_in_dim3A_202 = vector.broadcast %jit3A_201 : f32 to vector<768x2048xf32>
    %select_n3A_203 = arith.select %eq3A_9, %exp3A, %broadcast_in_dim3A_202 : vector<768x2048xi1>, vector<768x2048xf32>
    %reduce_sum3A_204 = arith.constant dense<0.000000e+00> : vector<768xf32>
    %reduce_sum3A_205 = vector.multi_reduction <add>, %select_n3A_203, %reduce_sum3A_204 [1] : vector<768x2048xf32> to vector<768xf32>
    %broadcast_in_dim3A_206 = vector.shape_cast %reduce_sum3A_205 : vector<768xf32> to vector<768x1xf32>
    %div3A_207 = arith.divf %broadcast_in_dim3A_206, %broadcast_in_dim3A_200 : vector<768x1xf32>
    %add3A_208 = arith.constant 9.99999997E-7 : f32
    %add3A_209 = vector.broadcast %add3A_208 : f32 to vector<768x1xf32>
    %add3A_210 = arith.addf %div3A_207, %add3A_209 : vector<768x1xf32>
    %log3A = math.log %add3A_210 : vector<768x1xf32>
    %iota3A = tpu.iota {dimensions = array<i32: 0>} : vector<768x768xi32>
    %iota3A_211 = tpu.iota {dimensions = array<i32: 1>} : vector<768x768xi32>
    %broadcast_in_dim3A_212 = vector.shape_cast %div3A : vector<768x1xf32> to vector<768x1xf32>
    %broadcast_in_dim3A_213 = vector.broadcast %broadcast_in_dim3A_212 : vector<768x1xf32> to vector<768x768xf32>
    %eq3A_214 = arith.cmpi eq, %iota3A, %iota3A_211 : vector<768x768xi32>
    %jit3A_215 = arith.constant 0.000000e+00 : f32
    %broadcast_in_dim3A_216 = vector.broadcast %jit3A_215 : f32 to vector<768x768xf32>
    %select_n3A_217 = arith.select %eq3A_214, %broadcast_in_dim3A_213, %broadcast_in_dim3A_216 : vector<768x768xi1>, vector<768x768xf32>
    %reduce_sum3A_218 = arith.constant dense<0.000000e+00> : vector<768xf32>
    %reduce_sum3A_219 = vector.multi_reduction <add>, %select_n3A_217, %reduce_sum3A_218 [0] : vector<768x768xf32> to vector<768xf32>
    %broadcast_in_dim3A_220 = vector.shape_cast %reduce_sum3A_219 : vector<768xf32> to vector<1x768xf32>
    %gt3A_221 = vector.broadcast %broadcast_in_dim3A_220 : vector<1x768xf32> to vector<768x768xf32>
    %gt3A_222 = vector.broadcast %div3A : vector<768x1xf32> to vector<768x768xf32>
    %gt3A_223 = arith.cmpf ogt, %gt3A_221, %gt3A_222 : vector<768x768xf32>
    %eq3A_224 = vector.broadcast %broadcast_in_dim3A_220 : vector<1x768xf32> to vector<768x768xf32>
    %eq3A_225 = vector.broadcast %div3A : vector<768x1xf32> to vector<768x768xf32>
    %eq3A_226 = arith.cmpf oeq, %eq3A_224, %eq3A_225 : vector<768x768xf32>
    %lt3A = arith.cmpi slt, %iota3A_211, %iota3A : vector<768x768xi32>
    %and3A = arith.andi %eq3A_226, %lt3A : vector<768x768xi1>
    %or3A = arith.ori %gt3A_223, %and3A : vector<768x768xi1>
    %convert_element_type3A_227 = arith.extui %or3A : vector<768x768xi1> to vector<768x768xi32>
    %reduce_sum3A_228 = arith.constant dense<0> : vector<768xi32>
    %reduce_sum3A_229 = vector.multi_reduction <add>, %convert_element_type3A_227, %reduce_sum3A_228 [1] : vector<768x768xi32> to vector<768xi32>
    %broadcast_in_dim3A_230 = vector.shape_cast %reduce_sum3A_229 : vector<768xi32> to vector<768x1xi32>
    %lt3A_231 = arith.constant 512 : i32
    %lt3A_232 = vector.broadcast %lt3A_231 : i32 to vector<768x1xi32>
    %lt3A_233 = arith.cmpi slt, %broadcast_in_dim3A_230, %lt3A_232 : vector<768x1xi32>
    %jit3A_234 = arith.constant 0.000000e+00 : f32
    %broadcast_in_dim3A_235 = vector.broadcast %jit3A_234 : f32 to vector<768x1xf32>
    %select_n3A_236 = arith.select %lt3A_233, %log3A, %broadcast_in_dim3A_235 : vector<768x1xi1>, vector<768x1xf32>
    %reduce_sum3A_237 = arith.constant dense<0.000000e+00> : vector<1xf32>
    %reduce_sum3A_238 = vector.multi_reduction <add>, %select_n3A_236, %reduce_sum3A_237 [0] : vector<768x1xf32> to vector<1xf32>
    %broadcast_in_dim3A_239 = vector.shape_cast %reduce_sum3A_238 : vector<1xf32> to vector<1x1xf32>
    %neg3A = arith.constant 0.000000e+00 : f32
    %neg3A_240 = vector.broadcast %neg3A : f32 to vector<1x1xf32>
    %neg3A_241 = arith.subf %neg3A_240, %broadcast_in_dim3A_239 : vector<1x1xf32>
    %div3A_242 = arith.constant 5.120000e+02 : f32
    %div3A_243 = vector.broadcast %div3A_242 : f32 to vector<1x1xf32>
    %div3A_244 = arith.divf %neg3A_241, %div3A_243 : vector<1x1xf32>
    %swap3A = arith.constant 0 : index
    %swap3A_245 = arith.constant 0 : index
    %swap3A_246 = vector.load %arg3[%swap3A, %swap3A_245] : memref<1x1xf32, #tpu.memory_space<vmem>>, vector<1x1xf32>
    tpu.vector_store %arg3[%swap3A, %swap3A_245], %div3A_244 {strides = array<i32>} : memref<1x1xf32, #tpu.memory_space<vmem>>, vector<1x1xf32>,
    return
  }
}

module attributes {stable_mosaic.version = 14 : i64} {
  func.func @_sim_body(%arg0: memref<2048x1024xf32, #tpu.memory_space<vmem>>, %arg1: memref<1x2048xi32, #tpu.memory_space<vmem>>, %arg2: memref<768x1024xf32, #tpu.memory_space<vmem>>, %arg3: memref<768x2048xf32, #tpu.memory_space<vmem>>, %arg4: memref<1x2048xi32, #tpu.memory_space<vmem>>) attributes {dimension_semantics = [], scalar_prefetch = 0 : i64, scratch_operands = 0 : i64, tpu.core_type = #tpu.core_type<tc>} {
    %get3A = arith.constant 0 : index
    %get3A_0 = arith.constant 0 : index
    %get3A_1 = vector.load %arg0[%get3A, %get3A_0] : memref<2048x1024xf32, #tpu.memory_space<vmem>>, vector<2048x1024xf32>
    %get3A_2 = arith.constant 0 : index
    %get3A_3 = arith.constant 0 : index
    %get3A_4 = vector.load %arg2[%get3A_2, %get3A_3] : memref<768x1024xf32, #tpu.memory_space<vmem>>, vector<768x1024xf32>
    %get3A_5 = arith.constant 0 : index
    %get3A_6 = arith.constant 0 : index
    %get3A_7 = vector.load %arg1[%get3A_5, %get3A_6] : memref<1x2048xi32, #tpu.memory_space<vmem>>, vector<1x2048xi32>
    %mul3A = arith.mulf %get3A_1, %get3A_1 : vector<2048x1024xf32>
    %reduce_sum3A = arith.constant dense<0.000000e+00> : vector<2048xf32>
    %reduce_sum3A_8 = vector.multi_reduction <add>, %mul3A, %reduce_sum3A [1] : vector<2048x1024xf32> to vector<2048xf32>
    %broadcast_in_dim3A = vector.shape_cast %reduce_sum3A_8 : vector<2048xf32> to vector<2048x1xf32>
    %sqrt3A = math.sqrt %broadcast_in_dim3A : vector<2048x1xf32>
    %max3A = arith.constant 9.99999996E-13 : f32
    %max3A_9 = vector.broadcast %max3A : f32 to vector<2048x1xf32>
    %max3A_10 = arith.maximumf %sqrt3A, %max3A_9 : vector<2048x1xf32>
    %mul3A_11 = arith.mulf %get3A_4, %get3A_4 : vector<768x1024xf32>
    %reduce_sum3A_12 = arith.constant dense<0.000000e+00> : vector<768xf32>
    %reduce_sum3A_13 = vector.multi_reduction <add>, %mul3A_11, %reduce_sum3A_12 [1] : vector<768x1024xf32> to vector<768xf32>
    %broadcast_in_dim3A_14 = vector.shape_cast %reduce_sum3A_13 : vector<768xf32> to vector<768x1xf32>
    %sqrt3A_15 = math.sqrt %broadcast_in_dim3A_14 : vector<768x1xf32>
    %max3A_16 = arith.constant 9.99999996E-13 : f32
    %max3A_17 = vector.broadcast %max3A_16 : f32 to vector<768x1xf32>
    %max3A_18 = arith.maximumf %sqrt3A_15, %max3A_17 : vector<768x1xf32>
    %div3A = vector.broadcast %max3A_10 : vector<2048x1xf32> to vector<2048x1024xf32>
    %div3A_19 = arith.divf %get3A_1, %div3A : vector<2048x1024xf32>
    %div3A_20 = vector.broadcast %max3A_18 : vector<768x1xf32> to vector<768x1024xf32>
    %div3A_21 = arith.divf %get3A_4, %div3A_20 : vector<768x1024xf32>
    %dot_general3A = arith.constant dense<0.000000e+00> : vector<768x2048xf32>
    %dot_general3A_22 = tpu.matmul %div3A_21, %div3A_19, %dot_general3A {dimension_numbers = #tpu.dot_dimension_numbers<[1], [1], [0], [0], [0, 0, 1, 0], [], []>, transpose_lhs_hint = false} : vector<768x1024xf32>, vector<2048x1024xf32>, vector<768x2048xf32> -> vector<768x2048xf32>
    %swap3A = arith.constant 0 : index
    %swap3A_23 = arith.constant 0 : index
    %swap3A_24 = vector.load %arg3[%swap3A, %swap3A_23] : memref<768x2048xf32, #tpu.memory_space<vmem>>, vector<768x2048xf32>
    tpu.vector_store %arg3[%swap3A, %swap3A_23], %dot_general3A_22 {strides = array<i32>} : memref<768x2048xf32, #tpu.memory_space<vmem>>, vector<768x2048xf32>,
    %iota3A = tpu.iota {dimensions = array<i32: 1>} : vector<1x2048xi32>
    %mul3A_25 = arith.constant 128 : i32
    %mul3A_26 = vector.broadcast %mul3A_25 : i32 to vector<1x2048xi32>
    %mul3A_27 = arith.muli %iota3A, %mul3A_26 : vector<1x2048xi32>
    %add3A = arith.addi %mul3A_27, %get3A_7 : vector<1x2048xi32>
    %swap3A_28 = arith.constant 0 : index
    %swap3A_29 = arith.constant 0 : index
    %swap3A_30 = vector.load %arg4[%swap3A_28, %swap3A_29] : memref<1x2048xi32, #tpu.memory_space<vmem>>, vector<1x2048xi32>
    tpu.vector_store %arg4[%swap3A_28, %swap3A_29], %add3A {strides = array<i32>} : memref<1x2048xi32, #tpu.memory_space<vmem>>, vector<1x2048xi32>,
    return
  }
}

</mosaic_0001>

<sc_bundles>
// kernel: kernel.5.cloned.1.call-start
scs
__scs_entry_jumppad:
0x0: {  	(pc) =	sbr.rel $0x88, $3  }
0x1: {  	(tag) =	ssettag $0x0;
	lr =	simm.s32 $0x1  }
0x2: {  	[smem:$0x3F9E] =	sst lr;
	_ =	strace $0xD0000000  }
0x3: {  	_ = 	snop  }
0x4: {  	_ = 	snop  }
0x5: {  	_ = 	snop  }
0x6: {  	_ = 	snop  }
0x7: {  	_ = 	snop  }
__scs_overlays_trampoline_lowered:
0x8: {  	[smem:$0x3FAD] =	sst s0  }
0x9: {  	[smem:$0x3FAE] =	sst s1  }
0xa: {  	[smem:$0x3FAF] =	sst s2  }
0xb: {  	[smem:$0x3FB0] =	sst s3  }
0xc: {  	[smem:$0x3FB1] =	sst s4  }
0xd: {  	[smem:$0x3FB2] =	sst s5  }
0xe: {  	[smem:$0x3FB3] =	sst s6  }
0xf: {  	[smem:$0x3FB4] =	sst s7  }
0x10: {  	[smem:$0x3FB5] =	sst s8  }
0x11: {  	[smem:$0x3FB6] =	sst s9;
	s0 =	simm.s32 @!p0 $0x0  }
0x12: {  	s1 =	sld [smem:$0x3F9C];
	s0 =	simm.s32 @p0 $0x1  }
0x13: {  	[smem:$0x3FB7] =	sst s0;
	s0 =	simm.s32 @!p1 $0x0  }
0x14: {  	s2 =	sld [smem:$0x3F9B];
	s0 =	simm.s32 @p1 $0x1  }
0x15: {  	[smem:$0x3FB8] =	sst s0;
	s0 =	simm.s32 @!p2 $0x0  }
0x16: {  	s3 =	sld [smem:$0x3FDB];
	s0 =	simm.s32 @p2 $0x1  }
0x17: {  	s4 =	simm.s32 $0x1BF5;
	[smem:$0x3FBA] =	sst s0  }
0x18: {  	s0 =	sld [smem:$0x3F9D];
	_ =	swait.ge [sflag:s4], $0x0  }
0x19: {  	s7 =	sld [smem:$0x3F9E]  }
0x1a: {  	s8 =	sadd.s32 $0xFFFFE003, lr  }
0x1b: {  	s9 =	sadd.s32 $0xFFFFFEF7, lr;
	s5 =	simm.s32 $0xFFFFFFFF;
	p2 =	slt.u32 s8, $0xFFFFF086  }
0x1c: {  	p1 =	slt.u32 s9, $0xF7A;
	s5 =	simm.s32 @!p2 $0x0  }
0x1d: {  	s5 =	simm.s32 @p1 $0x1;
	p0 =	seq.s32 s7, s2  }
0x1e: {  	s7 =	smul.u32 @!p0 $0xF7A, s2;
	p2 =	seq.s32 @!p0 s5, $0x0  }
0x1f: {  	s9 =	smul.u32 $0xF7A, s1;
	s8 =	simm.s32 @!p0 $0x1BF5;
	p2 =	por !p2, p0  }
0x20: {  	[sflag:s8] =	ssyncset.s32 @!p0 $0xFFFFF086;
	s6 =	sadd.s32 @!p0 s3, s7;
	s7 =	simm.s32 @!p0 $0x108  }
0x21: {  	s3 =	sadd.s32 s3, s9;
	s6 =	sadd.s32 @!p0 $0x88, s6;
	s7 =	simm.s32 @p2 $0x1082  }
0x22: {  	[simem:s7], [sflag:s8] =	dma.local @!p0 [hbm:s6], $0xF7A  }
0x23: {  	s9 =	sor.u32 $0xD0000000, s2;
	s6 =	simm.s32 $0x108;
	_ =	swait.ge @!p0 [sflag:s8], $0x0  }
0x24: {  	s3 =	sadd.s32 $0x88, s3;
	s6 =	simm.s32 @!p1 $0x1082;
	[sflag:s4] =	ssyncset.s32 $0xFFFFF086  }
0x25: {  	[simem:s6], [sflag:s4] =	dma.local [hbm:s3], $0xF7A  }
0x26: {  	[smem:$0x3F9E] =	sst s1;
	(tag) =	ssettag s2;
	_ =	strace s9  }
0x27: {  	s1 =	sld [smem:$0x3FAE]  }
0x28: {  	s2 =	sld [smem:$0x3FAF]  }
0x29: {  	s4 =	sld [smem:$0x3FB1]  }
0x2a: {  	p0 =	seq.s32 s5, $0x0;
	s5 =	sld [smem:$0x3FB2]  }
0x2b: {  	s6 =	sld [smem:$0x3FB3]  }
0x2c: {  	s7 =	sld [smem:$0x3FB4]  }
0x2d: {  	s3 =	simm.s32 $0x108;
	s8 =	sld [smem:$0x3FB5]  }
0x2e: {  	s3 =	simm.s32 @!p0 $0x1082;
	s9 =	sld [smem:$0x3FB6]  }
0x2f: {  	lr =	sadd.s32 s0, s3;
	s0 =	sld [smem:$0x3FAD]  }
0x30: {  	s3 =	sld [smem:$0x3FB0]  }
0x31: {  	[smem:$0x3FB9] =	sst s10  }
0x32: {  	s10 =	sld [smem:$0x3FB7];
	_ =	sdelay $0x3  }
0x33: {  	p0 =	seq.s32 s10, $0x1;
	s10 =	sld [smem:$0x3FB9];
	_ =	sdelay $0x3  }
0x34: {  	[smem:$0x3FB9] =	sst s10  }
0x35: {  	s10 =	sld [smem:$0x3FB8];
	_ =	sdelay $0x3  }
0x36: {  	p1 =	seq.s32 s10, $0x1;
	s10 =	sld [smem:$0x3FB9];
	_ =	sdelay $0x3  }
0x37: {  	[smem:$0x3FB9] =	sst s10  }
0x38: {  	s10 =	sld [smem:$0x3FBA]  }
0x39: {  	_ = 	snop;
	(pc) =	sbr.ind lr, $3  }
0x3a: {  	_ = 	snop  }
0x3b: {  	_ = 	snop  }
0x3c: {  	p2 =	seq.s32 s10, $0x1;
	s10 =	sld [smem:$0x3FB9]  }
0x3d: {  	_ =	shalt  }
0x3e: {  	_ =	shalt  }
0x3f: {  	_ =	shalt  }
0x40: {  	_ =	shalt  }
0x41: {  	_ =	shalt  }
0x42: {  	_ =	shalt  }
0x43: {  	_ =	shalt  }
0x44: {  	_ =	shalt  }
0x45: {  	_ =	shalt  }
0x46: {  	_ =	shalt  }
0x47: {  	_ =	shalt  }
0x48: {  	_ =	shalt  }
0x49: {  	_ =	shalt  }
0x4a: {  	_ =	shalt  }
0x4b: {  	_ =	shalt  }
0x4c: {  	_ =	shalt  }
0x4d: {  	_ =	shalt  }
0x4e: {  	_ =	shalt  }
0x4f: {  	_ =	shalt  }
0x50: {  	_ =	shalt  }
0x51: {  	_ =	shalt  }
0x52: {  	_ =	shalt  }
0x53: {  	_ =	shalt  }
0x54: {  	_ =	shalt  }
0x55: {  	_ =	shalt  }
0x56: {  	_ =	shalt  }
0x57: {  	_ =	shalt  }
0x58: {  	_ =	shalt  }
0x59: {  	_ =	shalt  }
0x5a: {  	_ =	shalt  }
0x5b: {  	_ =	shalt  }
0x5c: {  	_ =	shalt  }
0x5d: {  	_ =	shalt  }
0x5e: {  	_ =	shalt  }
0x5f: {  	_ =	shalt  }
0x60: {  	_ =	shalt  }
0x61: {  	_ =	shalt  }
0x62: {  	_ =	shalt  }
0x63: {  	_ =	shalt  }
0x64: {  	_ =	shalt  }
0x65: {  	_ =	shalt  }
0x66: {  	_ =	shalt  }
0x67: {  	_ =	shalt  }
0x68: {  	_ =	shalt  }
0x69: {  	_ =	shalt  }
0x6a: {  	_ =	shalt  }
0x6b: {  	_ =	shalt  }
0x6c: {  	_ =	shalt  }
0x6d: {  	_ =	shalt  }
0x6e: {  	_ =	shalt  }
0x6f: {  	_ =	shalt  }
0x70: {  	_ =	shalt  }
0x71: {  	_ =	shalt  }
0x72: {  	_ =	shalt  }
0x73: {  	_ =	shalt  }
0x74: {  	_ =	shalt  }
0x75: {  	_ =	shalt  }
0x76: {  	_ =	shalt  }
0x77: {  	_ =	shalt  }
0x78: {  	_ =	shalt  }
0x79: {  	_ =	shalt  }
0x7a: {  	_ =	shalt  }
0x7b: {  	_ =	shalt  }
0x7c: {  	_ =	shalt  }
0x7d: {  	_ =	shalt  }
0x7e: {  	_ =	shalt  }
0x7f: {  	_ =	shalt  }
0x80: {  	_ =	shalt  }
0x81: {  	_ =	shalt  }
0x82: {  	_ =	shalt  }
0x83: {  	_ =	shalt  }
0x84: {  	_ =	shalt  }
0x85: {  	_ =	shalt  }
0x86: {  	_ =	shalt  }
0x87: {  	_ =	shalt  }
.Lfunc_end0:
.L_simem_size_0:
called_computation_lowered:
.L_overlay_start_0:
0x88: {  	s2 =	sld [smem:$0x3FD9]  }
0x89: {  	s3 =	sld [smem:$0x3FFE];
	_ =	sdelay $0x1  }
0x8a: {  	s1 =	srdreg.scid  }
0x8b: {  	s0 =	sand.u32 $0x1, s1  }
0x8c: {  	s16 =	sshll.u32 s0, $0xA;
	s2 =	sadd.s32 s3, s2  }
0x8d: {  	s2 =	sadd.s32 s2, s16  }
0x8e: {  	[smem:$0x3FC5] =	sst s2  }
0x8f: {  	_ = 	snop  }
0x90: {  	(tm) =	ssettm $0x1  }
0x91: {  	s17 =	sld [smem:$0x3FFB];
	_ =	sdelay $0x3  }
0x92: {  	_ =	strace s17  }
0x93: {  	s2 =	sld [smem:$0x3FFC];
	_ =	sdelay $0x3  }
0x94: {  	_ =	strace s2  }
0x95: {  	s2 =	sld [smem:$0x3FFD];
	_ =	sdelay $0x3  }
0x96: {  	_ =	strace s2  }
0x97: {  	_ =	strace $0x8FFFFFFF  }
0x98: {  	s18 =	sld [smem:$0x3FDB];
	_ =	sdelay $0x1  }
0x99: {  	s19 =	simm.s32 $_scs_section_size  }
0x9a: {  	s4 =	simm.s32 $_size__tile_overlayer_lowered;
	s5 =	simm.s32 $_tile_overlayer_lowered  }
0x9b: {  	s22 =	simm.s32 $0x1BFF;
	s21 =	sshll.u32 s5, $0x1;
	s2 =	sadd.s32 s19, s18  }
0x9c: {  	s6 =	simm.s32 $0x0;
	s20 =	sshll.u32 s4, $0x1;
	s4 =	sadd.s32 s21, s2  }
0x9d: {  	[timem:s6], [sflag:s22] =	dma.local [hbm:s4], s20  }
0x9e: {  	_ =	swait.ge [sflag:s22], s20  }
0x9f: {  	s3 =	ssub.s32 $0x0, s20;
	[sflag:s22] =	ssyncset.done $0x0  }
0xa0: {  	[sflag:s22] =	ssyncadd.s32 s3;
	_ =	sdelay $0x1  }
0xa1: {  	s23 =	simm.s32 $0x1B8B  }
0xa2: {  	_ =	swait.ge [sflag:s23], $0x1  }
0xa3: {  	[sflag:s23] =	ssyncset.done $0x0  }
0xa4: {  	s25 =	simm.s32 $0x1B8E;
	s24 =	sld [smem:$0x3FFE];
	[sflag:s23] =	ssyncadd.s32 $0xFFFFFFFF  }
0xa5: {  	s26 =	simm.s32 $execute0_lowered;
	[smem:$0x3FD2] =	sst s25  }
0xa6: {  	s4 =	sshll.u32 s26, $0x1;
	_ =	strace $0x80000046;
	[dreg:$0x1] =	wrdreg $0xFFFFFFFF  }
0xa7: {  	s28 =	simm.s32 $_size_execute0_lowered;
	s2 =	sadd.s32 s2, s4;
	[dreg:$0x0] =	wrdreg $0x0  }
0xa8: {  	s4 =	sshll.u32 s28, $0x1;
	[dreg:$0x2] =	wrdreg s2  }
0xa9: {  	[dreg:$0x3] =	wrdreg s4  }
0xaa: {  	[dreg:$0x4] =	wrdreg $0xC0  }
0xab: {  	_ =	task [dreg:s6], $0x5FFFF  }
0xac: {  	[dreg:$0x1] =	wrdreg $0xFFFFFFFF  }
0xad: {  	[dreg:$0x0] =	wrdreg $0x60  }
0xae: {  	[dreg:$0x2] =	wrdreg s24  }
0xaf: {  	[dreg:$0x3] =	wrdreg $0x9  }
0xb0: {  	_ =	task.clear_ibuf [dreg:s6], $0x4FFFF;
	_ =	strace $0x90000046  }
0xb1: {  	s29 =	simm.s32 $0x9;
	_ =	strace $0x80000048  }
0xb2: {  	_ =	swait.ge [sflag:s29], $0x1  }
0xb3: {  	[sflag:s29] =	ssyncadd.s32 $0xFFFFFFFF  }
0xb4: {  	_ =	strace $0x90000048  }
0xb5: {  	_ =	sfence  }
0xb6: {  	s30 =	sld [smem:$0x0];
	_ =	sdelay $0x2  }
0xb7: {  	s31 =	sshll.u32 s1, $0xD;
	s1 =	sshrl.u32 s1, $0x2  }
0xb8: {  	s3 =	sand.u32 $0x4000, s31;
	s1 =	sadd.s32 s1, s30  }
0xb9: {  	s0 =	sor.u32 s3, s0;
	s1 =	sshll.u32 s1, $0x11  }
0xba: {  	s0 =	sor.u32 s1, s0  }
0xbb: {  	s0 =	sadd.s32 $0x8F2B, s0  }
0xbc: {  	[sflag:s0] =	ssyncadd.remote.s32 $0x1  }
0xbd: {  	_ =	sfence.sel $0xFFFF  }
0xbe: {  	[dreg:$0x0] =	wrdreg $0xFFFFFFFF;
	(pc) =	sbr.abs _section_cstart, $3  }
0xbf: {  	[dreg:$0x1] =	wrdreg $0xFFFFFFFF  }
0xc0: {  	_ =	task.clear_ibuf [dreg:s6], $0x2FFFF;
	_ =	strace $0x9FFFFFFF  }
0xc1: {  	(tm) =	ssettm $0x7FFFFFFF  }
tec
execute0_lowered:
.L_overlay_start_1:
0x0: {  	(tag) =	ssettag $0x1  }
0x1: {  	s5 =	rddreg [dreg:$0x0]  }
0x2: {  	s0 =	rddreg [dreg:$0x1]  }
0x3: {  	s2 =	simm.s32 $0x0;
	s3 =	srdreg.scid;
	s1 =	stileid.u32  }
0x4: {  	s10 =	simm.s32 $0x80;
	s11 =	simm.s32 $0x400;
	s12 =	simm.s32 $0x1000  }
0x5: {  	[smem:$0x7FF] =	sst s2;
	s3 =	sand.u32 $0x1, s3;
	s4 =	sshll.u32 s1, $0x1  }
0x6: {  	s13 =	simm.s32 $0x0;
	_ =	strace $0x80000047;
	s6 =	sor.u32 s3, s4  }
0x7: {  	s7 =	ssub.s32 $0x2, s3;
	s3 =	sadd.s32 $0x1200, s5;
	s8 =	sshll.u32 s6, $0x2  }
0x8: {  	s4 =	sadd.s32 $0x31200, s5;
	s9 =	sshrl.u32 s7, $0x1;
	s8 =	sadd.s32 s8, s5  }
0x9: {  	s7 =	ssub.s32 s7, s9;
	s5 =	smul.u32 $0x18, s6;
	s9 =	simm.s32 $0x1  }
0xa: {  	v0 =	vlaneseq.u32;
	s6 =	sadd.s32 $0x31400, s8;
	s7 =	smax.u32 s7, $0x1;
	s8 =	simm.s32 $0x800  }
.LBB2_1:
0xb: {  	[tilespmem:s8], [sflag:$0x1] =	stream.linear.gather [hbm4b:s4+s2], $0x800, $0x38;
	[tilespmem:$0x1080] =	vst v63  }
0xc: {  	_ =	swait.ge [sflag:s9], $0x800  }
0xd: {  	[sflag:s9] =	ssyncset.done $0x0  }
0xe: {  	s14 =	simm.s32 $0x0;
	[sflag:s9] =	ssyncadd.s32 $0xFFFFF800  }
.LBB2_2:
0xf: {  	s15 =	sadd.s32 s5, s14;
	s16 =	sshll.u32 s14, $0x4  }
0x10: {  	s15 =	sshll.u32 s15, $0x8;
	s16 =	sand.u32 $0x70, s16  }
0x11: {  	s15 =	sand.u32 $0xFFFF800, s15;
	s16 =	sadd.s32 s3, s16  }
0x12: {  	s30 =	simm.s32 $0x0;
	s15 =	sadd.s32 s15, s16  }
0x13: {  	[tilespmem:s30], [sflag:$0x1] =	stream.strided.gather [hbm4b:s15+s10], $0x800, s11, s10, $0x38;
	[tilespmem:$0x1080] =	vst v63  }
0x14: {  	_ =	swait.ge [sflag:s9], $0x800  }
0x15: {  	[sflag:s9] =	ssyncset.done $0x0  }
0x16: {  	s31 =	simm.s32 $0x0;
	[sflag:s9] =	ssyncadd.s32 $0xFFFFF800  }
0x17: {  	v2 =	vld [tilespmem:s31+$0x0]  }
0x18: {  	v4 =	vld [tilespmem:s31+$0x800];
	_ =	sdelay $0x1  }
0x19: {  	v1 =	vimm.f32 $-3.000000000e+00;
	v3 =	vimm.s32 $0x40000000;
	s15 =	simm.s32 $0x40  }
.LBB2_3:
0x1a: {  	p0 =	sne.s32 s15, $0x1FC0  }
.Ltmp0:
0x1b: {  	s16 =	sshra.s32 s15, $0x2;
	v5 =	vmov v2;
	(pc) =	sbr.rel @p0 .LBB2_3-.Ltmp0, $4  }
0x1c: {  	s15 =	sadd.s32 $0x40, s15;
	v2 =	vld [tilespmem:s16+$0x0];
	vm0 =	veq.f32 v5, v1;
	vm1 =	vlt.s32 v4, v3;
	v6 =	vmov v4  }
0x1d: {  	vm2 =	vgt.f32 v5, v1;
	v4 =	vld [tilespmem:s16+$0x800];
	vm0 =	vmand vm0, vm1  }
0x1e: {  	vm0 =	vmor vm2, vm0  }
0x1f: {  	v1 =	vsel vm0, v5, v1;
	v3 =	vsel vm0, v6, v3  }
0x20: {  	_ =	sdelay $0x1  }
0x21: {  	vm0 =	veq.f32 v2, v1;
	vm1 =	vlt.s32 v4, v3  }
0x22: {  	vm2 =	vgt.f32 v2, v1;
	vm0 =	vmand vm0, vm1  }
0x23: {  	vm0 =	vmor vm2, vm0  }
0x24: {  	v2 =	vsel vm0, v2, v1  }
0x25: {  	v1 =	vsel vm0, v4, v3;
	(v2sf) =	vpush v2, $0x0  }
0x26: {  	(v2sf) =	vpush v1, $0x0;
	_ =	sdelay $0x1  }
0x27: {  	(v2sf) =	vpush v2, $0x1  }
0x28: {  	(v2sf) =	vpush v1, $0x1;
	_ =	sdelay $0x4  }
0x29: {  	(v2sf) =	vpush v2, $0x2  }
0x2a: {  	(v2sf) =	vpush v1, $0x2;
	_ =	sdelay $0x4  }
0x2b: {  	s16 =	spop (v2sf);
	(v2sf) =	vpush v2, $0x3  }
0x2c: {  	s15 =	spop (v2sf);
	(v2sf) =	vpush v1, $0x3;
	_ =	sdelay $0x1  }
0x2d: {  	s17 =	spop (v2sf)  }
0x2e: {  	p0 =	seq.f32 s17, s16;
	s18 =	spop (v2sf)  }
0x2f: {  	p1 =	slt.s32 s18, s15  }
0x30: {  	(v2sf) =	vpush v2, $0x4;
	p2 =	sgt.f32 s17, s16;
	p0 =	por !p0, !p1  }
0x31: {  	p0 =	por !p0, !p0  }
0x32: {  	p0 =	por p2, p0  }
0x33: {  	(v2sf) =	vpush v1, $0x4;
	s16 =	smov.u32 @p0 s17;
	s17 =	spop (v2sf)  }
0x34: {  	s15 =	smov.u32 @p0 s18;
	p4 =	seq.f32 s17, s16;
	s18 =	spop (v2sf)  }
0x35: {  	p5 =	slt.s32 s18, s15  }
0x36: {  	p6 =	sgt.f32 s17, s16;
	p0 =	por !p4, !p5  }
0x37: {  	p0 =	por !p0, !p0  }
0x38: {  	(v2sf) =	vpush v2, $0x5;
	p0 =	por p6, p0  }
0x39: {  	(v2sf) =	vpush v1, $0x5;
	s16 =	smov.u32 @p0 s17;
	s17 =	spop (v2sf)  }
0x3a: {  	s15 =	smov.u32 @p0 s18;
	p1 =	seq.f32 s17, s16;
	s18 =	spop (v2sf)  }
0x3b: {  	p2 =	slt.s32 s18, s15  }
0x3c: {  	p3 =	sgt.f32 s17, s16;
	p0 =	por !p1, !p2  }
0x3d: {  	p0 =	por !p0, !p0  }
0x3e: {  	(v2sf) =	vpush v2, $0x6;
	p0 =	por p3, p0  }
0x3f: {  	s16 =	smov.u32 @p0 s17;
	s17 =	spop (v2sf);
	(v2sf) =	vpush v1, $0x6;
	_ =	sdelay $0x2  }
0x40: {  	s15 =	smov.u32 @p0 s18;
	p4 =	seq.f32 s17, s16;
	s18 =	spop (v2sf)  }
0x41: {  	p5 =	slt.s32 s18, s15  }
0x42: {  	p6 =	sgt.f32 s17, s16;
	(v2sf) =	vpush v2, $0x7;
	p0 =	por !p4, !p5  }
0x43: {  	p0 =	por !p0, !p0  }
0x44: {  	p0 =	por p6, p0  }
0x45: {  	s16 =	smov.u32 @p0 s17;
	s17 =	spop (v2sf);
	(v2sf) =	vpush v1, $0x7  }
0x46: {  	s15 =	smov.u32 @p0 s18;
	p1 =	seq.f32 s17, s16;
	s18 =	spop (v2sf)  }
0x47: {  	p2 =	slt.s32 s18, s15  }
0x48: {  	p3 =	sgt.f32 s17, s16;
	p0 =	por !p1, !p2  }
0x49: {  	p0 =	por !p0, !p0  }
0x4a: {  	(v2sf) =	vpush v2, $0x8;
	p0 =	por p3, p0  }
0x4b: {  	s16 =	smov.u32 @p0 s17;
	s17 =	spop (v2sf);
	(v2sf) =	vpush v1, $0x8  }
0x4c: {  	s15 =	smov.u32 @p0 s18;
	p4 =	seq.f32 s17, s16;
	s18 =	spop (v2sf)  }
0x4d: {  	p5 =	slt.s32 s18, s15  }
0x4e: {  	p6 =	sgt.f32 s17, s16;
	p0 =	por !p4, !p5  }
0x4f: {  	p0 =	por !p0, !p0  }
0x50: {  	(v2sf) =	vpush v2, $0x9;
	p0 =	por p6, p0  }
0x51: {  	s16 =	smov.u32 @p0 s17;
	s17 =	spop (v2sf);
	(v2sf) =	vpush v1, $0x9;
	_ =	sdelay $0x2  }
0x52: {  	s15 =	smov.u32 @p0 s18;
	p1 =	seq.f32 s17, s16;
	s18 =	spop (v2sf)  }
0x53: {  	p2 =	slt.s32 s18, s15  }
0x54: {  	p3 =	sgt.f32 s17, s16;
	(v2sf) =	vpush v2, $0xA;
	p0 =	por !p1, !p2  }
0x55: {  	p0 =	por !p0, !p0  }
0x56: {  	p0 =	por p3, p0  }
0x57: {  	s16 =	smov.u32 @p0 s17;
	s17 =	spop (v2sf);
	(v2sf) =	vpush v1, $0xA  }
0x58: {  	s15 =	smov.u32 @p0 s18;
	p4 =	seq.f32 s17, s16;
	s18 =	spop (v2sf)  }
0x59: {  	p5 =	slt.s32 s18, s15  }
0x5a: {  	p6 =	sgt.f32 s17, s16;
	p0 =	por !p4, !p5  }
0x5b: {  	p0 =	por !p0, !p0  }
0x5c: {  	(v2sf) =	vpush v2, $0xB;
	p0 =	por p6, p0  }
0x5d: {  	s16 =	smov.u32 @p0 s17;
	s17 =	spop (v2sf);
	(v2sf) =	vpush v1, $0xB  }
0x5e: {  	s15 =	smov.u32 @p0 s18;
	p1 =	seq.f32 s17, s16;
	s18 =	spop (v2sf)  }
0x5f: {  	p2 =	slt.s32 s18, s15  }
0x60: {  	p3 =	sgt.f32 s17, s16;
	p0 =	por !p1, !p2  }
0x61: {  	p0 =	por !p0, !p0  }
0x62: {  	(v2sf) =	vpush v2, $0xC;
	p0 =	por p3, p0  }
0x63: {  	s16 =	smov.u32 @p0 s17;
	s17 =	spop (v2sf);
	(v2sf) =	vpush v1, $0xC;
	_ =	sdelay $0x2  }
0x64: {  	s15 =	smov.u32 @p0 s18;
	p4 =	seq.f32 s17, s16;
	s18 =	spop (v2sf)  }
0x65: {  	p5 =	slt.s32 s18, s15  }
0x66: {  	p6 =	sgt.f32 s17, s16;
	(v2sf) =	vpush v2, $0xD;
	p0 =	por !p4, !p5  }
0x67: {  	(v2sf) =	vpush v1, $0xD;
	p0 =	por !p0, !p0  }
0x68: {  	p0 =	por p6, p0  }
0x69: {  	s16 =	smov.u32 @p0 s17;
	s17 =	spop (v2sf)  }
0x6a: {  	s15 =	smov.u32 @p0 s18;
	p1 =	seq.f32 s17, s16;
	s18 =	spop (v2sf)  }
0x6b: {  	p2 =	slt.s32 s18, s15  }
0x6c: {  	(v2sf) =	vpush v2, $0xE;
	p3 =	sgt.f32 s17, s16;
	p0 =	por !p1, !p2  }
0x6d: {  	(v2sf) =	vpush v1, $0xE;
	p0 =	por !p0, !p0  }
0x6e: {  	p0 =	por p3, p0  }
0x6f: {  	s16 =	smov.u32 @p0 s17;
	s17 =	spop (v2sf)  }
0x70: {  	s15 =	smov.u32 @p0 s18;
	p4 =	seq.f32 s17, s16;
	s18 =	spop (v2sf)  }
0x71: {  	(v2sf) =	vpush v2, $0xF;
	p5 =	slt.s32 s18, s15  }
0x72: {  	p6 =	sgt.f32 s17, s16;
	(v2sf) =	vpush v1, $0xF;
	p0 =	por !p4, !p5  }
0x73: {  	p0 =	por !p0, !p0  }
0x74: {  	p0 =	por p6, p0  }
0x75: {  	s19 =	spop (v2sf);
	s16 =	smov.u32 @p0 s17  }
0x76: {  	s17 =	spop (v2sf);
	s15 =	smov.u32 @p0 s18;
	p1 =	seq.f32 s19, s16  }
0x77: {  	p2 =	slt.s32 s17, s15  }
0x78: {  	p3 =	sgt.f32 s19, s16;
	p0 =	por !p1, !p2  }
0x79: {  	p0 =	por !p0, !p0  }
0x7a: {  	p0 =	por p3, p0  }
0x7b: {  	s18 =	spop (v2sf);
	s16 =	smov.u32 @p0 s19  }
0x7c: {  	s19 =	spop (v2sf);
	s15 =	smov.u32 @p0 s17;
	p4 =	seq.f32 s18, s16  }
0x7d: {  	p5 =	slt.s32 s19, s15  }
0x7e: {  	p6 =	sgt.f32 s18, s16;
	p0 =	por !p4, !p5  }
0x7f: {  	p0 =	por !p0, !p0  }
0x80: {  	s31 =	simm.s32 $0x0;
	s30 =	spop (v2sf);
	p0 =	por p6, p0  }
0x81: {  	s16 =	smov.u32 @p0 s18;
	s15 =	smov.u32 @p0 s19;
	s18 =	spop (v2sf)  }
0x82: {  	v2 =	vld [tilespmem:s31+$0x0];
	p0 =	seq.f32 s30, s16;
	p1 =	slt.s32 s18, s15;
	s19 =	smov.u32 s15  }
0x83: {  	v5 =	vld [tilespmem:s31+$0x800];
	p2 =	sgt.f32 s30, s16;
	s19 =	smov.u32 @p1 s18  }
0x84: {  	s15 =	smov.u32 @p0 s19  }
0x85: {  	s15 =	smov.u32 @p2 s18  }
0x86: {  	v3 =	vimm.f32 $-3.000000000e+00;
	v4 =	vimm.s32 $0x40000000;
	s16 =	simm.s32 $0x40;
	v1 =	vmov s15  }
.LBB2_5:
0x87: {  	s17 =	sshra.s32 s16, $0x2;
	v6 =	vmov v2;
	p0 =	sne.s32 s16, $0x1FC0  }
.Ltmp1:
0x88: {  	s16 =	sadd.s32 $0x40, s16;
	v2 =	vld [tilespmem:s17+$0x0];
	vm0 =	veq.f32 v6, v3;
	vm1 =	vlt.s32 v5, v4;
	v7 =	vmov v5;
	(pc) =	sbr.rel @p0 .LBB2_5-.Ltmp1, $4  }
0x89: {  	vm2 =	vgt.f32 v6, v3;
	v5 =	vld [tilespmem:s17+$0x800];
	vm0 =	vmand vm0, vm1  }
0x8a: {  	vm1 =	vne.s32 v7, v1;
	vm0 =	vmor vm2, vm0  }
0x8b: {  	vm0 =	vmand vm1, vm0  }
0x8c: {  	v3 =	vsel vm0, v6, v3;
	v4 =	vsel vm0, v7, v4  }
0x8d: {  	_ = 	snop  }
0x8e: {  	vm0 =	veq.f32 v2, v3;
	vm1 =	vlt.s32 v5, v4  }
0x8f: {  	vm2 =	vgt.f32 v2, v3;
	vm0 =	vmand vm0, vm1  }
0x90: {  	vm1 =	vne.s32 v5, v1;
	vm0 =	vmor vm2, vm0  }
0x91: {  	vm0 =	vmand vm1, vm0  }
0x92: {  	v3 =	vsel vm0, v2, v3  }
0x93: {  	v2 =	vsel vm0, v5, v4;
	(v2sf) =	vpush v3, $0x0  }
0x94: {  	(v2sf) =	vpush v2, $0x0;
	_ =	sdelay $0x1  }
0x95: {  	(v2sf) =	vpush v3, $0x1  }
0x96: {  	(v2sf) =	vpush v2, $0x1;
	_ =	sdelay $0x4  }
0x97: {  	(v2sf) =	vpush v3, $0x2  }
0x98: {  	(v2sf) =	vpush v2, $0x2;
	_ =	sdelay $0x4  }
0x99: {  	s17 =	spop (v2sf);
	(v2sf) =	vpush v3, $0x3  }
0x9a: {  	s16 =	spop (v2sf);
	(v2sf) =	vpush v2, $0x3;
	_ =	sdelay $0x1  }
0x9b: {  	s18 =	spop (v2sf)  }
0x9c: {  	p0 =	seq.f32 s18, s17;
	s19 =	spop (v2sf)  }
0x9d: {  	p1 =	slt.s32 s19, s16  }
0x9e: {  	(v2sf) =	vpush v3, $0x4;
	p2 =	sgt.f32 s18, s17;
	p0 =	por !p0, !p1  }
0x9f: {  	p0 =	por !p0, !p0  }
0xa0: {  	p0 =	por p2, p0  }
0xa1: {  	(v2sf) =	vpush v2, $0x4;
	s17 =	smov.u32 @p0 s18;
	s18 =	spop (v2sf)  }
0xa2: {  	s16 =	smov.u32 @p0 s19;
	p4 =	seq.f32 s18, s17;
	s19 =	spop (v2sf)  }
0xa3: {  	p5 =	slt.s32 s19, s16  }
0xa4: {  	p6 =	sgt.f32 s18, s17;
	p0 =	por !p4, !p5  }
0xa5: {  	p0 =	por !p0, !p0  }
0xa6: {  	(v2sf) =	vpush v3, $0x5;
	p0 =	por p6, p0  }
0xa7: {  	(v2sf) =	vpush v2, $0x5;
	s17 =	smov.u32 @p0 s18;
	s18 =	spop (v2sf)  }
0xa8: {  	s16 =	smov.u32 @p0 s19;
	p1 =	seq.f32 s18, s17;
	s19 =	spop (v2sf)  }
0xa9: {  	p2 =	slt.s32 s19, s16  }
0xaa: {  	p3 =	sgt.f32 s18, s17;
	p0 =	por !p1, !p2  }
0xab: {  	p0 =	por !p0, !p0  }
0xac: {  	(v2sf) =	vpush v3, $0x6;
	p0 =	por p3, p0  }
0xad: {  	s17 =	smov.u32 @p0 s18;
	s18 =	spop (v2sf);
	(v2sf) =	vpush v2, $0x6;
	_ =	sdelay $0x2  }
0xae: {  	s16 =	smov.u32 @p0 s19;
	p4 =	seq.f32 s18, s17;
	s19 =	spop (v2sf)  }
0xaf: {  	p5 =	slt.s32 s19, s16  }
0xb0: {  	p6 =	sgt.f32 s18, s17;
	(v2sf) =	vpush v3, $0x7;
	p0 =	por !p4, !p5  }
0xb1: {  	p0 =	por !p0, !p0  }
0xb2: {  	p0 =	por p6, p0  }
0xb3: {  	s17 =	smov.u32 @p0 s18;
	s18 =	spop (v2sf);
	(v2sf) =	vpush v2, $0x7  }
0xb4: {  	s16 =	smov.u32 @p0 s19;
	p1 =	seq.f32 s18, s17;
	s19 =	spop (v2sf)  }
0xb5: {  	p2 =	slt.s32 s19, s16  }
0xb6: {  	p3 =	sgt.f32 s18, s17;
	p0 =	por !p1, !p2  }
0xb7: {  	p0 =	por !p0, !p0  }
0xb8: {  	(v2sf) =	vpush v3, $0x8;
	p0 =	por p3, p0  }
0xb9: {  	s17 =	smov.u32 @p0 s18;
	s18 =	spop (v2sf);
	(v2sf) =	vpush v2, $0x8  }
0xba: {  	s16 =	smov.u32 @p0 s19;
	p4 =	seq.f32 s18, s17;
	s19 =	spop (v2sf)  }
0xbb: {  	p5 =	slt.s32 s19, s16  }
0xbc: {  	p6 =	sgt.f32 s18, s17;
	p0 =	por !p4, !p5  }
0xbd: {  	p0 =	por !p0, !p0  }
0xbe: {  	(v2sf) =	vpush v3, $0x9;
	p0 =	por p6, p0  }
0xbf: {  	s17 =	smov.u32 @p0 s18;
	s18 =	spop (v2sf);
	(v2sf) =	vpush v2, $0x9;
	_ =	sdelay $0x2  }
0xc0: {  	s16 =	smov.u32 @p0 s19;
	p1 =	seq.f32 s18, s17;
	s19 =	spop (v2sf)  }
0xc1: {  	p2 =	slt.s32 s19, s16  }
0xc2: {  	p3 =	sgt.f32 s18, s17;
	(v2sf) =	vpush v3, $0xA;
	p0 =	por !p1, !p2  }
0xc3: {  	p0 =	por !p0, !p0  }
0xc4: {  	p0 =	por p3, p0  }
0xc5: {  	s17 =	smov.u32 @p0 s18;
	s18 =	spop (v2sf);
	(v2sf) =	vpush v2, $0xA  }
0xc6: {  	s16 =	smov.u32 @p0 s19;
	p4 =	seq.f32 s18, s17;
	s19 =	spop (v2sf)  }
0xc7: {  	p5 =	slt.s32 s19, s16  }
0xc8: {  	p6 =	sgt.f32 s18, s17;
	p0 =	por !p4, !p5  }
0xc9: {  	p0 =	por !p0, !p0  }
0xca: {  	(v2sf) =	vpush v3, $0xB;
	p0 =	por p6, p0  }
0xcb: {  	s17 =	smov.u32 @p0 s18;
	s18 =	spop (v2sf);
	(v2sf) =	vpush v2, $0xB  }
0xcc: {  	s16 =	smov.u32 @p0 s19;
	p1 =	seq.f32 s18, s17;
	s19 =	spop (v2sf)  }
0xcd: {  	p2 =	slt.s32 s19, s16  }
0xce: {  	p3 =	sgt.f32 s18, s17;
	p0 =	por !p1, !p2  }
0xcf: {  	p0 =	por !p0, !p0  }
0xd0: {  	(v2sf) =	vpush v3, $0xC;
	p0 =	por p3, p0  }
0xd1: {  	s17 =	smov.u32 @p0 s18;
	s18 =	spop (v2sf);
	(v2sf) =	vpush v2, $0xC;
	_ =	sdelay $0x2  }
0xd2: {  	s16 =	smov.u32 @p0 s19;
	p4 =	seq.f32 s18, s17;
	s19 =	spop (v2sf)  }
0xd3: {  	p5 =	slt.s32 s19, s16  }
0xd4: {  	p6 =	sgt.f32 s18, s17;
	(v2sf) =	vpush v3, $0xD;
	p0 =	por !p4, !p5  }
0xd5: {  	(v2sf) =	vpush v2, $0xD;
	p0 =	por !p0, !p0  }
0xd6: {  	p0 =	por p6, p0  }
0xd7: {  	s17 =	smov.u32 @p0 s18;
	s18 =	spop (v2sf)  }
0xd8: {  	s16 =	smov.u32 @p0 s19;
	p1 =	seq.f32 s18, s17;
	s19 =	spop (v2sf)  }
0xd9: {  	p2 =	slt.s32 s19, s16  }
0xda: {  	(v2sf) =	vpush v3, $0xE;
	p3 =	sgt.f32 s18, s17;
	p0 =	por !p1, !p2  }
0xdb: {  	(v2sf) =	vpush v2, $0xE;
	p0 =	por !p0, !p0  }
0xdc: {  	p0 =	por p3, p0  }
0xdd: {  	s17 =	smov.u32 @p0 s18;
	s18 =	spop (v2sf)  }
0xde: {  	s16 =	smov.u32 @p0 s19;
	p4 =	seq.f32 s18, s17;
	s19 =	spop (v2sf)  }
0xdf: {  	(v2sf) =	vpush v3, $0xF;
	p5 =	slt.s32 s19, s16  }
0xe0: {  	p6 =	sgt.f32 s18, s17;
	(v2sf) =	vpush v2, $0xF;
	p0 =	por !p4, !p5  }
0xe1: {  	p0 =	por !p0, !p0  }
0xe2: {  	p0 =	por p6, p0  }
0xe3: {  	s20 =	spop (v2sf);
	s17 =	smov.u32 @p0 s18  }
0xe4: {  	s18 =	spop (v2sf);
	s16 =	smov.u32 @p0 s19;
	p1 =	seq.f32 s20, s17  }
0xe5: {  	p2 =	slt.s32 s18, s16  }
0xe6: {  	p3 =	sgt.f32 s20, s17;
	p0 =	por !p1, !p2  }
0xe7: {  	p0 =	por !p0, !p0  }
0xe8: {  	p0 =	por p3, p0  }
0xe9: {  	s19 =	spop (v2sf);
	s17 =	smov.u32 @p0 s20  }
0xea: {  	s20 =	spop (v2sf);
	s16 =	smov.u32 @p0 s18;
	p4 =	seq.f32 s19, s17  }
0xeb: {  	s29 =	simm.s32 $0x0;
	p5 =	slt.s32 s20, s16  }
0xec: {  	v4 =	vld [tilespmem:s29+$0x800];
	p6 =	sgt.f32 s19, s17;
	p0 =	por !p4, !p5  }
0xed: {  	v3 =	vld [tilespmem:s29+$0x0];
	p0 =	por !p0, !p0  }
0xee: {  	s30 =	spop (v2sf);
	p0 =	por p6, p0  }
0xef: {  	s17 =	smov.u32 @p0 s19;
	s16 =	smov.u32 @p0 s20;
	s19 =	spop (v2sf)  }
0xf0: {  	p0 =	seq.f32 s30, s17;
	p1 =	slt.s32 s19, s16;
	s20 =	smov.u32 s16  }
0xf1: {  	v6 =	vimm.s32 $0x40000000;
	s31 =	simm.s32 $0x10;
	v5 =	vimm.f32 $-3.000000000e+00;
	p2 =	sgt.f32 s30, s17;
	s20 =	smov.u32 @p1 s19  }
0xf2: {  	v7 =	vld [tilespmem:s31+$0x0];
	vm1 =	vlt.s32 v4, v6;
	vm0 =	veq.f32 v3, v5;
	s16 =	smov.u32 @p0 s20  }
0xf3: {  	v8 =	vld [tilespmem:s31+$0x800];
	vm2 =	vgt.f32 v3, v5;
	vm0 =	vmand vm0, vm1;
	s16 =	smov.u32 @p2 s19  }
0xf4: {  	vm1 =	vne.s32 v4, v1;
	vm0 =	vmor vm2, vm0;
	v2 =	vmov s16  }
0xf5: {  	vm0 =	vmand vm1, vm0;
	vm1 =	vne.s32 v4, v2  }
0xf6: {  	s17 =	simm.s32 $0x80;
	vm0 =	vmand vm1, vm0  }
.LBB2_7:
0xf7: {  	s18 =	sshra.s32 s17, $0x2;
	v5 =	vsel vm0, v3, v5;
	v6 =	vsel vm0, v4, v6;
	v3 =	vmov v7;
	p0 =	sne.s32 s17, $0x1FC0  }
.Ltmp2:
0xf8: {  	s17 =	sadd.s32 $0x40, s17;
	v7 =	vld [tilespmem:s18+$0x0];
	vm0 =	veq.f32 v3, v5;
	vm1 =	vlt.s32 v8, v6;
	v4 =	vmov v8;
	(pc) =	sbr.rel @p0 .LBB2_7-.Ltmp2, $4  }
0xf9: {  	vm2 =	vgt.f32 v3, v5;
	v8 =	vld [tilespmem:s18+$0x800];
	vm0 =	vmand vm0, vm1  }
0xfa: {  	vm1 =	vne.s32 v4, v1;
	vm0 =	vmor vm2, vm0  }
0xfb: {  	vm0 =	vmand vm1, vm0;
	vm1 =	vne.s32 v4, v2  }
0xfc: {  	vm0 =	vmand vm1, vm0  }
0xfd: {  	v3 =	vsel vm0, v3, v5;
	v5 =	vsel vm0, v4, v6  }
0xfe: {  	vm0 =	veq.f32 v7, v3;
	vm1 =	vlt.s32 v8, v5  }
0xff: {  	vm2 =	vgt.f32 v7, v3;
	vm0 =	vmand vm0, vm1  }
0x100: {  	vm1 =	vne.s32 v8, v1;
	vm0 =	vmor vm2, vm0  }
0x101: {  	vm0 =	vmand vm1, vm0;
	vm1 =	vne.s32 v8, v2  }
0x102: {  	vm0 =	vmand vm1, vm0  }
0x103: {  	v4 =	vsel vm0, v7, v3  }
0x104: {  	v3 =	vsel vm0, v8, v5;
	(v2sf) =	vpush v4, $0x0  }
0x105: {  	(v2sf) =	vpush v3, $0x0;
	_ =	sdelay $0x1  }
0x106: {  	(v2sf) =	vpush v4, $0x1  }
0x107: {  	(v2sf) =	vpush v3, $0x1;
	_ =	sdelay $0x4  }
0x108: {  	(v2sf) =	vpush v4, $0x2  }
0x109: {  	(v2sf) =	vpush v3, $0x2;
	_ =	sdelay $0x4  }
0x10a: {  	s18 =	spop (v2sf);
	(v2sf) =	vpush v4, $0x3  }
0x10b: {  	s17 =	spop (v2sf);
	(v2sf) =	vpush v3, $0x3;
	_ =	sdelay $0x1  }
0x10c: {  	s19 =	spop (v2sf)  }
0x10d: {  	p0 =	seq.f32 s19, s18;
	s20 =	spop (v2sf)  }
0x10e: {  	p1 =	slt.s32 s20, s17  }
0x10f: {  	(v2sf) =	vpush v4, $0x4;
	p2 =	sgt.f32 s19, s18;
	p0 =	por !p0, !p1  }
0x110: {  	p0 =	por !p0, !p0  }
0x111: {  	p0 =	por p2, p0  }
0x112: {  	(v2sf) =	vpush v3, $0x4;
	s18 =	smov.u32 @p0 s19;
	s19 =	spop (v2sf)  }
0x113: {  	s17 =	smov.u32 @p0 s20;
	p4 =	seq.f32 s19, s18;
	s20 =	spop (v2sf)  }
0x114: {  	p5 =	slt.s32 s20, s17  }
0x115: {  	p6 =	sgt.f32 s19, s18;
	p0 =	por !p4, !p5  }
0x116: {  	p0 =	por !p0, !p0  }
0x117: {  	(v2sf) =	vpush v4, $0x5;
	p0 =	por p6, p0  }
0x118: {  	(v2sf) =	vpush v3, $0x5;
	s18 =	smov.u32 @p0 s19;
	s19 =	spop (v2sf)  }
0x119: {  	s17 =	smov.u32 @p0 s20;
	p1 =	seq.f32 s19, s18;
	s20 =	spop (v2sf)  }
0x11a: {  	p2 =	slt.s32 s20, s17  }
0x11b: {  	p3 =	sgt.f32 s19, s18;
	p0 =	por !p1, !p2  }
0x11c: {  	p0 =	por !p0, !p0  }
0x11d: {  	(v2sf) =	vpush v4, $0x6;
	p0 =	por p3, p0  }
0x11e: {  	s18 =	smov.u32 @p0 s19;
	s19 =	spop (v2sf);
	(v2sf) =	vpush v3, $0x6;
	_ =	sdelay $0x2  }
0x11f: {  	s17 =	smov.u32 @p0 s20;
	p4 =	seq.f32 s19, s18;
	s20 =	spop (v2sf)  }
0x120: {  	p5 =	slt.s32 s20, s17  }
0x121: {  	p6 =	sgt.f32 s19, s18;
	(v2sf) =	vpush v4, $0x7;
	p0 =	por !p4, !p5  }
0x122: {  	p0 =	por !p0, !p0  }
0x123: {  	p0 =	por p6, p0  }
0x124: {  	s18 =	smov.u32 @p0 s19;
	s19 =	spop (v2sf);
	(v2sf) =	vpush v3, $0x7  }
0x125: {  	s17 =	smov.u32 @p0 s20;
	p1 =	seq.f32 s19, s18;
	s20 =	spop (v2sf)  }
0x126: {  	p2 =	slt.s32 s20, s17  }
0x127: {  	p3 =	sgt.f32 s19, s18;
	p0 =	por !p1, !p2  }
0x128: {  	p0 =	por !p0, !p0  }
0x129: {  	(v2sf) =	vpush v4, $0x8;
	p0 =	por p3, p0  }
0x12a: {  	s18 =	smov.u32 @p0 s19;
	s19 =	spop (v2sf);
	(v2sf) =	vpush v3, $0x8  }
0x12b: {  	s17 =	smov.u32 @p0 s20;
	p4 =	seq.f32 s19, s18;
	s20 =	spop (v2sf)  }
0x12c: {  	p5 =	slt.s32 s20, s17  }
0x12d: {  	p6 =	sgt.f32 s19, s18;
	p0 =	por !p4, !p5  }
0x12e: {  	p0 =	por !p0, !p0  }
0x12f: {  	(v2sf) =	vpush v4, $0x9;
	p0 =	por p6, p0  }
0x130: {  	s18 =	smov.u32 @p0 s19;
	s19 =	spop (v2sf);
	(v2sf) =	vpush v3, $0x9;
	_ =	sdelay $0x2  }
0x131: {  	s17 =	smov.u32 @p0 s20;
	p1 =	seq.f32 s19, s18;
	s20 =	spop (v2sf)  }
0x132: {  	p2 =	slt.s32 s20, s17  }
0x133: {  	p3 =	sgt.f32 s19, s18;
	(v2sf) =	vpush v4, $0xA;
	p0 =	por !p1, !p2  }
0x134: {  	p0 =	por !p0, !p0  }
0x135: {  	p0 =	por p3, p0  }
0x136: {  	s18 =	smov.u32 @p0 s19;
	s19 =	spop (v2sf);
	(v2sf) =	vpush v3, $0xA  }
0x137: {  	s17 =	smov.u32 @p0 s20;
	p4 =	seq.f32 s19, s18;
	s20 =	spop (v2sf)  }
0x138: {  	p5 =	slt.s32 s20, s17  }
0x139: {  	p6 =	sgt.f32 s19, s18;
	p0 =	por !p4, !p5  }
0x13a: {  	p0 =	por !p0, !p0  }
0x13b: {  	(v2sf) =	vpush v4, $0xB;
	p0 =	por p6, p0  }
0x13c: {  	s18 =	smov.u32 @p0 s19;
	s19 =	spop (v2sf);
	(v2sf) =	vpush v3, $0xB  }
0x13d: {  	s17 =	smov.u32 @p0 s20;
	p1 =	seq.f32 s19, s18;
	s20 =	spop (v2sf)  }
0x13e: {  	p2 =	slt.s32 s20, s17  }
0x13f: {  	p3 =	sgt.f32 s19, s18;
	p0 =	por !p1, !p2  }
0x140: {  	p0 =	por !p0, !p0  }
0x141: {  	(v2sf) =	vpush v4, $0xC;
	p0 =	por p3, p0  }
0x142: {  	s18 =	smov.u32 @p0 s19;
	s19 =	spop (v2sf);
	(v2sf) =	vpush v3, $0xC;
	_ =	sdelay $0x2  }
0x143: {  	s17 =	smov.u32 @p0 s20;
	p4 =	seq.f32 s19, s18;
	s20 =	spop (v2sf)  }
0x144: {  	p5 =	slt.s32 s20, s17  }
0x145: {  	p6 =	sgt.f32 s19, s18;
	(v2sf) =	vpush v4, $0xD;
	p0 =	por !p4, !p5  }
0x146: {  	(v2sf) =	vpush v3, $0xD;
	p0 =	por !p0, !p0  }
0x147: {  	p0 =	por p6, p0  }
0x148: {  	s18 =	smov.u32 @p0 s19;
	s19 =	spop (v2sf)  }
0x149: {  	s17 =	smov.u32 @p0 s20;
	p1 =	seq.f32 s19, s18;
	s20 =	spop (v2sf)  }
0x14a: {  	p2 =	slt.s32 s20, s17  }
0x14b: {  	(v2sf) =	vpush v4, $0xE;
	p3 =	sgt.f32 s19, s18;
	p0 =	por !p1, !p2  }
0x14c: {  	(v2sf) =	vpush v3, $0xE;
	p0 =	por !p0, !p0  }
0x14d: {  	p0 =	por p3, p0  }
0x14e: {  	s18 =	smov.u32 @p0 s19;
	s19 =	spop (v2sf)  }
0x14f: {  	s17 =	smov.u32 @p0 s20;
	p4 =	seq.f32 s19, s18;
	s20 =	spop (v2sf)  }
0x150: {  	(v2sf) =	vpush v4, $0xF;
	p5 =	slt.s32 s20, s17  }
0x151: {  	p6 =	sgt.f32 s19, s18;
	(v2sf) =	vpush v3, $0xF;
	p0 =	por !p4, !p5  }
0x152: {  	p0 =	por !p0, !p0  }
0x153: {  	p0 =	por p6, p0  }
0x154: {  	s21 =	spop (v2sf);
	s18 =	smov.u32 @p0 s19  }
0x155: {  	s19 =	spop (v2sf);
	s17 =	smov.u32 @p0 s20;
	p1 =	seq.f32 s21, s18  }
0x156: {  	p2 =	slt.s32 s19, s17  }
0x157: {  	p3 =	sgt.f32 s21, s18;
	p0 =	por !p1, !p2  }
0x158: {  	p0 =	por !p0, !p0  }
0x159: {  	p0 =	por p3, p0  }
0x15a: {  	s20 =	spop (v2sf);
	s18 =	smov.u32 @p0 s21  }
0x15b: {  	s21 =	spop (v2sf);
	s17 =	smov.u32 @p0 s19;
	p4 =	seq.f32 s20, s18  }
0x15c: {  	p5 =	slt.s32 s21, s17  }
0x15d: {  	s30 =	simm.s32 $0x0;
	p6 =	sgt.f32 s20, s18;
	p0 =	por !p4, !p5  }
0x15e: {  	v5 =	vld [tilespmem:s30+$0x800];
	p0 =	por !p0, !p0  }
0x15f: {  	v4 =	vld [tilespmem:s30+$0x0];
	s31 =	spop (v2sf);
	p0 =	por p6, p0  }
0x160: {  	s19 =	spop (v2sf);
	s18 =	smov.u32 @p0 s20;
	s17 =	smov.u32 @p0 s21  }
0x161: {  	p0 =	seq.f32 s31, s18;
	p1 =	slt.s32 s19, s17;
	s21 =	smov.u32 s17  }
0x162: {  	p2 =	sgt.f32 s31, s18;
	s21 =	smov.u32 @p1 s19  }
0x163: {  	v6 =	vimm.f32 $-3.000000000e+00;
	v7 =	vimm.s32 $0x40000000;
	s17 =	smov.u32 @p0 s21  }
0x164: {  	vm2 =	vlt.s32 v5, v7;
	vm1 =	veq.f32 v4, v6;
	s17 =	smov.u32 @p2 s19;
	s19 =	simm.s32 $0x10  }
0x165: {  	vm0 =	vgt.f32 v4, v6;
	vm1 =	vmand vm1, vm2;
	s18 =	simm.s32 $0x80;
	v3 =	vmov s17;
	v8 =	vld [tilespmem:s19+$0x0]  }
.LBB2_9:
0x166: {  	p0 =	sne.s32 s18, $0x1FC0;
	v9 =	vld [tilespmem:s19+$0x800];
	vm0 =	vmor vm0, vm1;
	vm1 =	vne.s32 v5, v1  }
0x167: {  	vm0 =	vmand vm1, vm0;
	vm1 =	vne.s32 v5, v2  }
.Ltmp3:
0x168: {  	vm0 =	vmand vm1, vm0;
	vm1 =	vne.s32 v5, v3;
	(pc) =	sbr.rel @p0 .LBB2_9-.Ltmp3, $4  }
0x169: {  	vm0 =	vmand vm1, vm0  }
0x16a: {  	v6 =	vsel vm0, v4, v6;
	v7 =	vsel vm0, v5, v7;
	v4 =	vmov v8  }
0x16b: {  	s19 =	sshra.s32 s18, $0x2;
	vm1 =	veq.f32 v4, v6;
	vm2 =	vlt.s32 v9, v7;
	v5 =	vmov v9  }
0x16c: {  	s18 =	sadd.s32 $0x40, s18;
	vm0 =	vgt.f32 v4, v6;
	v8 =	vld [tilespmem:s19+$0x0];
	vm1 =	vmand vm1, vm2  }
0x16d: {  	v9 =	vld [tilespmem:s19+$0x800];
	vm0 =	vmor vm0, vm1;
	vm1 =	vne.s32 v5, v1  }
0x16e: {  	vm0 =	vmand vm1, vm0;
	vm1 =	vne.s32 v5, v2  }
0x16f: {  	vm0 =	vmand vm1, vm0;
	vm1 =	vne.s32 v5, v3  }
0x170: {  	vm0 =	vmand vm1, vm0  }
0x171: {  	v4 =	vsel vm0, v4, v6;
	v6 =	vsel vm0, v5, v7  }
0x172: {  	vm0 =	veq.f32 v8, v4;
	vm1 =	vlt.s32 v9, v6  }
0x173: {  	vm2 =	vgt.f32 v8, v4;
	vm0 =	vmand vm0, vm1  }
0x174: {  	vm1 =	vne.s32 v9, v1;
	vm0 =	vmor vm2, vm0  }
0x175: {  	vm0 =	vmand vm1, vm0;
	vm1 =	vne.s32 v9, v2  }
0x176: {  	vm0 =	vmand vm1, vm0;
	vm1 =	vne.s32 v9, v3  }
0x177: {  	vm0 =	vmand vm1, vm0  }
0x178: {  	v5 =	vsel vm0, v8, v4  }
0x179: {  	v4 =	vsel vm0, v9, v6;
	(v2sf) =	vpush v5, $0x0  }
0x17a: {  	(v2sf) =	vpush v4, $0x0;
	_ =	sdelay $0x1  }
0x17b: {  	(v2sf) =	vpush v5, $0x1  }
0x17c: {  	(v2sf) =	vpush v4, $0x1;
	_ =	sdelay $0x4  }
0x17d: {  	(v2sf) =	vpush v5, $0x2  }
0x17e: {  	(v2sf) =	vpush v4, $0x2;
	_ =	sdelay $0x4  }
0x17f: {  	s19 =	spop (v2sf);
	(v2sf) =	vpush v5, $0x3  }
0x180: {  	s18 =	spop (v2sf);
	(v2sf) =	vpush v4, $0x3;
	_ =	sdelay $0x1  }
0x181: {  	s20 =	spop (v2sf)  }
0x182: {  	p0 =	seq.f32 s20, s19;
	s21 =	spop (v2sf)  }
0x183: {  	p1 =	slt.s32 s21, s18  }
0x184: {  	(v2sf) =	vpush v5, $0x4;
	p2 =	sgt.f32 s20, s19;
	p0 =	por !p0, !p1  }
0x185: {  	p0 =	por !p0, !p0  }
0x186: {  	p0 =	por p2, p0  }
0x187: {  	(v2sf) =	vpush v4, $0x4;
	s19 =	smov.u32 @p0 s20;
	s20 =	spop (v2sf)  }
0x188: {  	s18 =	smov.u32 @p0 s21;
	p4 =	seq.f32 s20, s19;
	s21 =	spop (v2sf)  }
0x189: {  	p5 =	slt.s32 s21, s18  }
0x18a: {  	p6 =	sgt.f32 s20, s19;
	p0 =	por !p4, !p5  }
0x18b: {  	p0 =	por !p0, !p0  }
0x18c: {  	(v2sf) =	vpush v5, $0x5;
	p0 =	por p6, p0  }
0x18d: {  	(v2sf) =	vpush v4, $0x5;
	s19 =	smov.u32 @p0 s20;
	s20 =	spop (v2sf)  }
0x18e: {  	s18 =	smov.u32 @p0 s21;
	p1 =	seq.f32 s20, s19;
	s21 =	spop (v2sf)  }
0x18f: {  	p2 =	slt.s32 s21, s18  }
0x190: {  	p3 =	sgt.f32 s20, s19;
	p0 =	por !p1, !p2  }
0x191: {  	p0 =	por !p0, !p0  }
0x192: {  	(v2sf) =	vpush v5, $0x6;
	p0 =	por p3, p0  }
0x193: {  	s19 =	smov.u32 @p0 s20;
	s20 =	spop (v2sf);
	(v2sf) =	vpush v4, $0x6;
	_ =	sdelay $0x2  }
0x194: {  	s18 =	smov.u32 @p0 s21;
	p4 =	seq.f32 s20, s19;
	s21 =	spop (v2sf)  }
0x195: {  	p5 =	slt.s32 s21, s18  }
0x196: {  	p6 =	sgt.f32 s20, s19;
	(v2sf) =	vpush v5, $0x7;
	p0 =	por !p4, !p5  }
0x197: {  	p0 =	por !p0, !p0  }
0x198: {  	p0 =	por p6, p0  }
0x199: {  	s19 =	smov.u32 @p0 s20;
	s20 =	spop (v2sf);
	(v2sf) =	vpush v4, $0x7  }
0x19a: {  	s18 =	smov.u32 @p0 s21;
	p1 =	seq.f32 s20, s19;
	s21 =	spop (v2sf)  }
0x19b: {  	p2 =	slt.s32 s21, s18  }
0x19c: {  	p3 =	sgt.f32 s20, s19;
	p0 =	por !p1, !p2  }
0x19d: {  	p0 =	por !p0, !p0  }
0x19e: {  	(v2sf) =	vpush v5, $0x8;
	p0 =	por p3, p0  }
0x19f: {  	s19 =	smov.u32 @p0 s20;
	s20 =	spop (v2sf);
	(v2sf) =	vpush v4, $0x8  }
0x1a0: {  	s18 =	smov.u32 @p0 s21;
	p4 =	seq.f32 s20, s19;
	s21 =	spop (v2sf)  }
0x1a1: {  	p5 =	slt.s32 s21, s18  }
0x1a2: {  	p6 =	sgt.f32 s20, s19;
	p0 =	por !p4, !p5  }
0x1a3: {  	p0 =	por !p0, !p0  }
0x1a4: {  	(v2sf) =	vpush v5, $0x9;
	p0 =	por p6, p0  }
0x1a5: {  	s19 =	smov.u32 @p0 s20;
	s20 =	spop (v2sf);
	(v2sf) =	vpush v4, $0x9;
	_ =	sdelay $0x2  }
0x1a6: {  	s18 =	smov.u32 @p0 s21;
	p1 =	seq.f32 s20, s19;
	s21 =	spop (v2sf)  }
0x1a7: {  	p2 =	slt.s32 s21, s18  }
0x1a8: {  	p3 =	sgt.f32 s20, s19;
	(v2sf) =	vpush v5, $0xA;
	p0 =	por !p1, !p2  }
0x1a9: {  	p0 =	por !p0, !p0  }
0x1aa: {  	p0 =	por p3, p0  }
0x1ab: {  	s19 =	smov.u32 @p0 s20;
	s20 =	spop (v2sf);
	(v2sf) =	vpush v4, $0xA  }
0x1ac: {  	s18 =	smov.u32 @p0 s21;
	p4 =	seq.f32 s20, s19;
	s21 =	spop (v2sf)  }
0x1ad: {  	p5 =	slt.s32 s21, s18  }
0x1ae: {  	p6 =	sgt.f32 s20, s19;
	p0 =	por !p4, !p5  }
0x1af: {  	p0 =	por !p0, !p0  }
0x1b0: {  	(v2sf) =	vpush v5, $0xB;
	p0 =	por p6, p0  }
0x1b1: {  	s19 =	smov.u32 @p0 s20;
	s20 =	spop (v2sf);
	(v2sf) =	vpush v4, $0xB  }
0x1b2: {  	s18 =	smov.u32 @p0 s21;
	p1 =	seq.f32 s20, s19;
	s21 =	spop (v2sf)  }
0x1b3: {  	p2 =	slt.s32 s21, s18  }
0x1b4: {  	p3 =	sgt.f32 s20, s19;
	p0 =	por !p1, !p2  }
0x1b5: {  	p0 =	por !p0, !p0  }
0x1b6: {  	(v2sf) =	vpush v5, $0xC;
	p0 =	por p3, p0  }
0x1b7: {  	s19 =	smov.u32 @p0 s20;
	s20 =	spop (v2sf);
	(v2sf) =	vpush v4, $0xC;
	_ =	sdelay $0x2  }
0x1b8: {  	s18 =	smov.u32 @p0 s21;
	p4 =	seq.f32 s20, s19;
	s21 =	spop (v2sf)  }
0x1b9: {  	p5 =	slt.s32 s21, s18  }
0x1ba: {  	p6 =	sgt.f32 s20, s19;
	(v2sf) =	vpush v5, $0xD;
	p0 =	por !p4, !p5  }
0x1bb: {  	(v2sf) =	vpush v4, $0xD;
	p0 =	por !p0, !p0  }
0x1bc: {  	p0 =	por p6, p0  }
0x1bd: {  	s19 =	smov.u32 @p0 s20;
	s20 =	spop (v2sf)  }
0x1be: {  	s18 =	smov.u32 @p0 s21;
	p1 =	seq.f32 s20, s19;
	s21 =	spop (v2sf)  }
0x1bf: {  	p2 =	slt.s32 s21, s18  }
0x1c0: {  	(v2sf) =	vpush v5, $0xE;
	p3 =	sgt.f32 s20, s19;
	p0 =	por !p1, !p2  }
0x1c1: {  	(v2sf) =	vpush v4, $0xE;
	p0 =	por !p0, !p0  }
0x1c2: {  	p0 =	por p3, p0  }
0x1c3: {  	s19 =	smov.u32 @p0 s20;
	s20 =	spop (v2sf)  }
0x1c4: {  	s18 =	smov.u32 @p0 s21;
	p4 =	seq.f32 s20, s19;
	s21 =	spop (v2sf)  }
0x1c5: {  	(v2sf) =	vpush v5, $0xF;
	p5 =	slt.s32 s21, s18  }
0x1c6: {  	p6 =	sgt.f32 s20, s19;
	(v2sf) =	vpush v4, $0xF;
	p0 =	por !p4, !p5  }
0x1c7: {  	p0 =	por !p0, !p0  }
0x1c8: {  	p0 =	por p6, p0  }
0x1c9: {  	s22 =	spop (v2sf);
	s19 =	smov.u32 @p0 s20  }
0x1ca: {  	s20 =	spop (v2sf);
	s18 =	smov.u32 @p0 s21;
	p1 =	seq.f32 s22, s19  }
0x1cb: {  	p2 =	slt.s32 s20, s18  }
0x1cc: {  	p3 =	sgt.f32 s22, s19;
	p0 =	por !p1, !p2  }
0x1cd: {  	p0 =	por !p0, !p0  }
0x1ce: {  	p0 =	por p3, p0  }
0x1cf: {  	s21 =	spop (v2sf);
	s19 =	smov.u32 @p0 s22  }
0x1d0: {  	s22 =	spop (v2sf);
	s18 =	smov.u32 @p0 s20;
	p4 =	seq.f32 s21, s19  }
0x1d1: {  	s30 =	simm.s32 $0x0;
	p5 =	slt.s32 s22, s18  }
0x1d2: {  	v5 =	vld [tilespmem:s30+$0x800];
	p6 =	sgt.f32 s21, s19;
	p0 =	por !p4, !p5  }
0x1d3: {  	v4 =	vld [tilespmem:s30+$0x0];
	p0 =	por !p0, !p0  }
0x1d4: {  	s31 =	spop (v2sf);
	p0 =	por p6, p0  }
0x1d5: {  	s19 =	smov.u32 @p0 s21;
	s18 =	smov.u32 @p0 s22;
	s21 =	spop (v2sf)  }
0x1d6: {  	p0 =	seq.f32 s31, s19;
	p1 =	slt.s32 s21, s18;
	s22 =	smov.u32 s18  }
0x1d7: {  	v7 =	vimm.f32 $-3.000000000e+00;
	v8 =	vimm.s32 $0x40000000;
	p2 =	sgt.f32 s31, s19;
	s22 =	smov.u32 @p1 s21  }
0x1d8: {  	vm1 =	vlt.s32 v5, v8;
	vm0 =	veq.f32 v4, v7;
	s18 =	smov.u32 @p0 s22  }
0x1d9: {  	vm2 =	vgt.f32 v4, v7;
	vm0 =	vmand vm0, vm1;
	s20 =	simm.s32 $0x10;
	s18 =	smov.u32 @p2 s21  }
0x1da: {  	vm1 =	vne.s32 v5, v1;
	vm0 =	vmor vm2, vm0;
	v9 =	vld [tilespmem:s20+$0x0];
	s19 =	simm.s32 $0x80;
	v6 =	vmov s18  }
.LBB2_11:
0x1db: {  	p0 =	sne.s32 s19, $0x1FC0;
	v10 =	vld [tilespmem:s20+$0x800];
	vm0 =	vmand vm1, vm0;
	vm1 =	vne.s32 v5, v2  }
0x1dc: {  	vm0 =	vmand vm1, vm0;
	vm1 =	vne.s32 v5, v3  }
0x1dd: {  	vm0 =	vmand vm1, vm0;
	vm1 =	vne.s32 v5, v6  }
.Ltmp4:
0x1de: {  	vm0 =	vmand vm1, vm0;
	(pc) =	sbr.rel @p0 .LBB2_11-.Ltmp4, $4  }
0x1df: {  	v7 =	vsel vm0, v4, v7;
	v8 =	vsel vm0, v5, v8;
	v4 =	vmov v9  }
0x1e0: {  	vm0 =	veq.f32 v4, v7;
	vm1 =	vlt.s32 v10, v8;
	v5 =	vmov v10  }
0x1e1: {  	s20 =	sshra.s32 s19, $0x2;
	vm2 =	vgt.f32 v4, v7;
	vm0 =	vmand vm0, vm1  }
0x1e2: {  	s19 =	sadd.s32 $0x40, s19;
	vm1 =	vne.s32 v5, v1;
	v9 =	vld [tilespmem:s20+$0x0];
	vm0 =	vmor vm2, vm0  }
0x1e3: {  	v10 =	vld [tilespmem:s20+$0x800];
	vm0 =	vmand vm1, vm0;
	vm6 =	vne.s32 v5, v2  }
0x1e4: {  	vm7 =	vne.s32 v5, v3;
	vm0 =	vmand vm6, vm0  }
0x1e5: {  	vm8 =	vne.s32 v5, v6;
	vm0 =	vmand vm7, vm0  }
0x1e6: {  	vm0 =	vmand vm8, vm0  }
0x1e7: {  	v4 =	vsel vm0, v4, v7;
	v63 =	vsel vm0, v5, v8  }
0x1e8: {  	vm9 =	veq.f32 v9, v4;
	vm10 =	vlt.s32 v10, v63  }
0x1e9: {  	vm2 =	vgt.f32 v9, v4;
	vm0 =	vmand vm9, vm10  }
0x1ea: {  	vm11 =	vne.s32 v10, v1;
	vm0 =	vmor vm2, vm0  }
0x1eb: {  	vm12 =	vne.s32 v10, v2;
	vm0 =	vmand vm11, vm0  }
0x1ec: {  	vm13 =	vne.s32 v10, v3;
	vm0 =	vmand vm12, vm0  }
0x1ed: {  	vm14 =	vne.s32 v10, v6;
	vm0 =	vmand vm13, vm0  }
0x1ee: {  	vm0 =	vmand vm14, vm0  }
0x1ef: {  	v2 =	vsel vm0, v9, v4  }
0x1f0: {  	v1 =	vsel vm0, v10, v63;
	(v2sf) =	vpush v2, $0x0  }
0x1f1: {  	(v2sf) =	vpush v1, $0x0;
	_ =	sdelay $0x1  }
0x1f2: {  	(v2sf) =	vpush v2, $0x1  }
0x1f3: {  	(v2sf) =	vpush v1, $0x1;
	_ =	sdelay $0x4  }
0x1f4: {  	(v2sf) =	vpush v2, $0x2  }
0x1f5: {  	(v2sf) =	vpush v1, $0x2;
	_ =	sdelay $0x4  }
0x1f6: {  	s20 =	spop (v2sf);
	(v2sf) =	vpush v2, $0x3  }
0x1f7: {  	s19 =	spop (v2sf);
	(v2sf) =	vpush v1, $0x3;
	_ =	sdelay $0x1  }
0x1f8: {  	s21 =	spop (v2sf)  }
0x1f9: {  	p0 =	seq.f32 s21, s20;
	s22 =	spop (v2sf)  }
0x1fa: {  	p1 =	slt.s32 s22, s19  }
0x1fb: {  	(v2sf) =	vpush v2, $0x4;
	p2 =	sgt.f32 s21, s20;
	p0 =	por !p0, !p1  }
0x1fc: {  	p0 =	por !p0, !p0  }
0x1fd: {  	p0 =	por p2, p0  }
0x1fe: {  	(v2sf) =	vpush v1, $0x4;
	s20 =	smov.u32 @p0 s21;
	s21 =	spop (v2sf)  }
0x1ff: {  	s19 =	smov.u32 @p0 s22;
	p4 =	seq.f32 s21, s20;
	s22 =	spop (v2sf)  }
0x200: {  	p5 =	slt.s32 s22, s19  }
0x201: {  	p6 =	sgt.f32 s21, s20;
	p0 =	por !p4, !p5  }
0x202: {  	p0 =	por !p0, !p0  }
0x203: {  	(v2sf) =	vpush v2, $0x5;
	p0 =	por p6, p0  }
0x204: {  	(v2sf) =	vpush v1, $0x5;
	s20 =	smov.u32 @p0 s21;
	s21 =	spop (v2sf)  }
0x205: {  	s19 =	smov.u32 @p0 s22;
	p1 =	seq.f32 s21, s20;
	s22 =	spop (v2sf)  }
0x206: {  	p2 =	slt.s32 s22, s19  }
0x207: {  	p3 =	sgt.f32 s21, s20;
	p0 =	por !p1, !p2  }
0x208: {  	p0 =	por !p0, !p0  }
0x209: {  	(v2sf) =	vpush v2, $0x6;
	p0 =	por p3, p0  }
0x20a: {  	s20 =	smov.u32 @p0 s21;
	s21 =	spop (v2sf);
	(v2sf) =	vpush v1, $0x6;
	_ =	sdelay $0x2  }
0x20b: {  	s19 =	smov.u32 @p0 s22;
	p4 =	seq.f32 s21, s20;
	s22 =	spop (v2sf)  }
0x20c: {  	p5 =	slt.s32 s22, s19  }
0x20d: {  	p6 =	sgt.f32 s21, s20;
	(v2sf) =	vpush v2, $0x7;
	p0 =	por !p4, !p5  }
0x20e: {  	p0 =	por !p0, !p0  }
0x20f: {  	p0 =	por p6, p0  }
0x210: {  	s20 =	smov.u32 @p0 s21;
	s21 =	spop (v2sf);
	(v2sf) =	vpush v1, $0x7  }
0x211: {  	s19 =	smov.u32 @p0 s22;
	p1 =	seq.f32 s21, s20;
	s22 =	spop (v2sf)  }
0x212: {  	p2 =	slt.s32 s22, s19  }
0x213: {  	p3 =	sgt.f32 s21, s20;
	p0 =	por !p1, !p2  }
0x214: {  	p0 =	por !p0, !p0  }
0x215: {  	(v2sf) =	vpush v2, $0x8;
	p0 =	por p3, p0  }
0x216: {  	s20 =	smov.u32 @p0 s21;
	s21 =	spop (v2sf);
	(v2sf) =	vpush v1, $0x8  }
0x217: {  	s19 =	smov.u32 @p0 s22;
	p4 =	seq.f32 s21, s20;
	s22 =	spop (v2sf)  }
0x218: {  	p5 =	slt.s32 s22, s19  }
0x219: {  	p6 =	sgt.f32 s21, s20;
	p0 =	por !p4, !p5  }
0x21a: {  	p0 =	por !p0, !p0  }
0x21b: {  	(v2sf) =	vpush v2, $0x9;
	p0 =	por p6, p0  }
0x21c: {  	s20 =	smov.u32 @p0 s21;
	s21 =	spop (v2sf);
	(v2sf) =	vpush v1, $0x9;
	_ =	sdelay $0x2  }
0x21d: {  	s19 =	smov.u32 @p0 s22;
	p1 =	seq.f32 s21, s20;
	s22 =	spop (v2sf)  }
0x21e: {  	p2 =	slt.s32 s22, s19  }
0x21f: {  	p3 =	sgt.f32 s21, s20;
	(v2sf) =	vpush v2, $0xA;
	p0 =	por !p1, !p2  }
0x220: {  	p0 =	por !p0, !p0  }
0x221: {  	p0 =	por p3, p0  }
0x222: {  	s20 =	smov.u32 @p0 s21;
	s21 =	spop (v2sf);
	(v2sf) =	vpush v1, $0xA  }
0x223: {  	s19 =	smov.u32 @p0 s22;
	p4 =	seq.f32 s21, s20;
	s22 =	spop (v2sf)  }
0x224: {  	p5 =	slt.s32 s22, s19  }
0x225: {  	p6 =	sgt.f32 s21, s20;
	p0 =	por !p4, !p5  }
0x226: {  	p0 =	por !p0, !p0  }
0x227: {  	(v2sf) =	vpush v2, $0xB;
	p0 =	por p6, p0  }
0x228: {  	s20 =	smov.u32 @p0 s21;
	s21 =	spop (v2sf);
	(v2sf) =	vpush v1, $0xB  }
0x229: {  	s19 =	smov.u32 @p0 s22;
	p1 =	seq.f32 s21, s20;
	s22 =	spop (v2sf)  }
0x22a: {  	p2 =	slt.s32 s22, s19  }
0x22b: {  	p3 =	sgt.f32 s21, s20;
	p0 =	por !p1, !p2  }
0x22c: {  	p0 =	por !p0, !p0  }
0x22d: {  	(v2sf) =	vpush v2, $0xC;
	p0 =	por p3, p0  }
0x22e: {  	s20 =	smov.u32 @p0 s21;
	s21 =	spop (v2sf);
	(v2sf) =	vpush v1, $0xC;
	_ =	sdelay $0x2  }
0x22f: {  	s19 =	smov.u32 @p0 s22;
	p4 =	seq.f32 s21, s20;
	s22 =	spop (v2sf)  }
0x230: {  	p5 =	slt.s32 s22, s19  }
0x231: {  	p6 =	sgt.f32 s21, s20;
	(v2sf) =	vpush v2, $0xD;
	p0 =	por !p4, !p5  }
0x232: {  	(v2sf) =	vpush v1, $0xD;
	p0 =	por !p0, !p0  }
0x233: {  	p0 =	por p6, p0  }
0x234: {  	s20 =	smov.u32 @p0 s21;
	s21 =	spop (v2sf)  }
0x235: {  	s19 =	smov.u32 @p0 s22;
	p1 =	seq.f32 s21, s20;
	s22 =	spop (v2sf)  }
0x236: {  	p2 =	slt.s32 s22, s19  }
0x237: {  	(v2sf) =	vpush v2, $0xE;
	p3 =	sgt.f32 s21, s20;
	p0 =	por !p1, !p2  }
0x238: {  	(v2sf) =	vpush v1, $0xE;
	p0 =	por !p0, !p0  }
0x239: {  	p0 =	por p3, p0  }
0x23a: {  	s20 =	smov.u32 @p0 s21;
	s21 =	spop (v2sf)  }
0x23b: {  	s19 =	smov.u32 @p0 s22;
	p4 =	seq.f32 s21, s20;
	s22 =	spop (v2sf)  }
0x23c: {  	(v2sf) =	vpush v2, $0xF;
	p5 =	slt.s32 s22, s19  }
0x23d: {  	p6 =	sgt.f32 s21, s20;
	(v2sf) =	vpush v1, $0xF;
	p0 =	por !p4, !p5  }
0x23e: {  	p0 =	por !p0, !p0  }
0x23f: {  	p0 =	por p6, p0  }
0x240: {  	s23 =	spop (v2sf);
	s20 =	smov.u32 @p0 s21  }
0x241: {  	s24 =	spop (v2sf);
	s19 =	smov.u32 @p0 s22;
	p1 =	seq.f32 s23, s20  }
0x242: {  	p2 =	slt.s32 s24, s19  }
0x243: {  	p3 =	sgt.f32 s23, s20;
	p0 =	por !p1, !p2  }
0x244: {  	p0 =	por !p0, !p0  }
0x245: {  	p0 =	por p3, p0  }
0x246: {  	s15 =	sand.u32 $0x7F, s15;
	s21 =	spop (v2sf);
	s20 =	smov.u32 @p0 s23  }
0x247: {  	s22 =	spop (v2sf);
	s19 =	smov.u32 @p0 s24;
	p4 =	seq.f32 s21, s20  }
0x248: {  	s17 =	sand.u32 $0x7F, s17;
	s26 =	simm.s32 $0x1;
	p5 =	slt.s32 s22, s19  }
0x249: {  	s28 =	simm.s32 $0x1;
	p6 =	sgt.f32 s21, s20;
	p0 =	por !p4, !p5  }
0x24a: {  	s29 =	simm.s32 $0x2;
	s24 =	sand.u32 $0x7F, s16;
	p0 =	por !p0, !p0  }
0x24b: {  	s16 =	sand.u32 $0x7F, s18;
	s31 =	spop (v2sf);
	p0 =	por p6, p0  }
0x24c: {  	s20 =	smov.u32 @p0 s21;
	s19 =	smov.u32 @p0 s22;
	s21 =	spop (v2sf)  }
0x24d: {  	p0 =	seq.f32 s31, s20;
	p1 =	slt.s32 s21, s19;
	s22 =	smov.u32 s19  }
0x24e: {  	s18 =	simm.s32 $0x2;
	p2 =	sgt.f32 s31, s20;
	s22 =	smov.u32 @p1 s21  }
0x24f: {  	s23 =	simm.s32 $0x1;
	s20 =	simm.s32 $0x1;
	s19 =	smov.u32 @p0 s22  }
0x250: {  	p1 =	seq.s32 s24, s17;
	p0 =	seq.s32 s15, s24;
	s19 =	smov.u32 @p2 s21  }
0x251: {  	s18 =	simm.s32 @!p0 $0x1;
	p0 =	seq.s32 s15, s17;
	s21 =	simm.s32 $0x1  }
0x252: {  	s20 =	simm.s32 @!p0 $0x0;
	p0 =	seq.s32 s15, s16;
	s19 =	sand.u32 $0x7F, s19  }
0x253: {  	s25 =	sadd.s32 s20, s18;
	s21 =	simm.s32 @!p0 $0x0;
	p0 =	seq.s32 s15, s19  }
0x254: {  	s22 =	sadd.s32 s21, s25;
	s25 =	simm.s32 $0x1;
	s23 =	simm.s32 @!p0 $0x0  }
0x255: {  	p0 =	seq.s32 s24, s19;
	s25 =	simm.s32 @!p1 $0x0;
	p1 =	seq.s32 s24, s16  }
0x256: {  	s28 =	simm.s32 @!p0 $0x0;
	p0 =	seq.s32 s17, s16;
	s22 =	sadd.s32 s23, s22  }
0x257: {  	s18 =	sadd.s32 s25, s18;
	s26 =	simm.s32 @!p1 $0x0;
	s29 =	simm.s32 @!p0 $0x1  }
0x258: {  	s22 =	sshll.u32 s22, $0x14;
	p0 =	seq.s32 s17, s19;
	s23 =	sadd.s32 s28, s23  }
0x259: {  	s18 =	sadd.s32 s26, s18;
	s25 =	sadd.s32 s25, s29;
	s22 =	ssub.s32 s22, s15  }
0x25a: {  	s18 =	sadd.s32 s28, s18;
	s20 =	sadd.s32 s20, s25;
	s25 =	simm.s32 $0x1  }
0x25b: {  	s26 =	sadd.s32 s26, s29;
	s18 =	sshll.u32 s18, $0x14;
	s25 =	simm.s32 @!p0 $0x0  }
0x25c: {  	s21 =	sadd.s32 s21, s26;
	s18 =	ssub.s32 s18, s24;
	s20 =	sadd.s32 s25, s20  }
0x25d: {  	p0 =	sgt.u32 s18, s22;
	s20 =	sshll.u32 s20, $0x14;
	s18 =	smax.u32 s18, s22  }
0x25e: {  	s22 =	simm.s32 $0x1;
	s15 =	smov.u32 @p0 s24;
	p0 =	seq.s32 s16, s19  }
0x25f: {  	s23 =	sadd.s32 s25, s23;
	s20 =	ssub.s32 s20, s17;
	s22 =	simm.s32 @!p0 $0x0  }
0x260: {  	p0 =	sgt.u32 s20, s18;
	s21 =	sadd.s32 s22, s21;
	s22 =	sadd.s32 s22, s23  }
0x261: {  	v1 =	vld [tilespmem:s14+$0x1000];
	s18 =	smax.u32 s20, s18;
	s28 =	sshll.u32 s21, $0x14;
	s29 =	sshll.u32 s22, $0x14  }
0x262: {  	s15 =	smov.u32 @p0 s17;
	s17 =	ssub.s32 s28, s16;
	s30 =	ssub.s32 s29, s19  }
0x263: {  	p0 =	sgt.u32 s17, s18;
	s17 =	smax.u32 s17, s18;
	s31 =	sadd.s32 $0x100000, s30  }
0x264: {  	s15 =	smov.u32 @p0 s16;
	p0 =	sgt.u32 s31, s17  }
0x265: {  	vm15 =	veq.s32 v0, $0x0;
	s15 =	smov.u32 @p0 s19  }
0x266: {  	v1 =	vsel vm15, s15, v1  }
0x267: {  	[tilespmem:s14+$0x1000] =	vst v1;
	s14 =	sadd.s32 $0x1, s14  }
0x268: {  	p0 =	sne.s32 s14, $0x18  }
.Ltmp5:
0x269: {  	_ = 	snop;
	(pc) =	sbr.rel @p0 .LBB2_2-.Ltmp5, $1  }
0x26a: {  	_ =	sdelay $0x3  }
0x26b: {  	s13 =	sadd.s32 $0x1, s13  }
0x26c: {  	p0 =	sne.s32 s13, s7  }
.Ltmp6:
0x26d: {  	_ = 	snop;
	(pc) =	sbr.rel @p0 .LBB2_1-.Ltmp6, $4  }
0x26e: {  	[hbm4b:s6+s2] =	stream.linear.scatter [tilespmem:s12], [sflag:$0x1], $0x20, $0x38;
	[tilespmem:$0x1080] =	vst v63  }
0x26f: {  	_ =	swait.ge [sflag:s9], $0x20  }
0x270: {  	[sflag:s9] =	ssyncset.done $0x0  }
0x271: {  	[sflag:s9] =	ssyncadd.s32 $0xFFFFFFE0  }
0x272: {  	_ =	sfence.sel $0x180000  }
0x273: {  	[bflag:$0x0] =	sbarrier.arrive $0xFFFF  }
0x274: {  	p0 =	sne.s32 s1, $0x0;
	_ =	strace $0x90000047  }
0x275: {  	s0 =	sadd.s32 @!p0 $0x100000, s0;
	[bflag:$0x2] =	sbarrier.arrive $0xFFFF  }
0x276: {  	[sflag:s0] =	ssyncadd.tile.s32 @!p0 $0x1;
	_ =	shalt  }
.Lfunc_end2:
_tile_overlayer_lowered:
.L_overlay_start_2:
0x277: {  	(tag) =	ssettag $0x2  }
0x278: {  	s0 =	rddreg [dreg:$0x0];
	s2 =	stileid.u32  }
0x279: {  	s1 =	rddreg [dreg:$0x1];
	p0 =	sne.s32 s2, $0x0  }
0x27a: {  	s3 =	rddreg [dreg:$0x2];
	[bflag:$0x3] =	sbarrier.arrive $0xFFFF;
	s2 =	simm.s32 @!p0 $0x1C01  }
0x27b: {  	[timem:s3], [sflag:s2] =	dma.local @!p0 [hbm:s0], s1  }
0x27c: {  	s0 =	simm.s32 @!p0 $0x1  }
0x27d: {  	_ =	swait.ge @!p0 [sflag:s0], s1  }
0x27e: {  	s1 =	ssub.s32 @!p0 $0x0, s1;
	[sflag:s0] =	ssyncset.done @!p0 $0x0  }
0x27f: {  	[sflag:s0] =	ssyncadd.s32 @!p0 s1  }
0x280: {  	[bflag:$0x3] =	sbarrier.arrive $0xFFFF  }
0x281: {  	_ =	shalt  }

</sc_bundles>
